<compile_context>
chip_gen: v7x
topology: tpu7x:2x2x1
jax: 0.10.2.dev20260603
libtpu: 0.0.44.dev20260713+nightly
codegen_flags: <defaults>
</compile_context>

<pallas_src>
import functools

import jax
import jax.numpy as jnp
from jax import lax
from jax.experimental import pallas as pl
from jax.experimental.pallas import tpu as pltpu
from jax.experimental.pallas import tpu_sc as plsc

N = 10000
E = 320000
D = 128
H = 16
C = 16

NC = 2
NS = 16
NW = NC * NS
CHUNK = 500
NCH = 20
NBUF = 4
SPT = N // NS
APAD = 10048

PR = N * H // 128
PRC = APAD * H // 128

_mesh = plsc.VectorSubcoreMesh(core_axis_name="c", subcore_axis_name="s")
_sc_params = pltpu.CompilerParams(use_tc_tiling_on_sc=False,
                                  needs_layout_passes=False)


def _fill_rows(ref, nrows, value):
    vec = jnp.full((16,), value, jnp.float32)

    def body(i, carry):
        ref[i, :] = vec
        return carry

    lax.fori_loop(0, nrows, body, 0)


def _rsqrt16(p):
    i = plsc.bitcast(p, jnp.int32)
    i = 0x5F3759DF - lax.shift_right_logical(i, 1)
    y = plsc.bitcast(i, jnp.float32)
    for _ in range(3):
        y = y * (1.5 - 0.5 * p * y * y)
    return y


@functools.partial(
    pl.kernel,
    out_type=jax.ShapeDtypeStruct((NC, NS, SPT), jnp.float32),
    mesh=_mesh,
    scratch_types=[
        pltpu.VMEM((NCH, CHUNK), jnp.int32),
        pltpu.VMEM((CHUNK, H), jnp.float32),
        pltpu.VMEM((640, H), jnp.float32),
        pltpu.VMEM((640,), jnp.float32),
        pltpu.VMEM_SHARED((N, H), jnp.float32),
        [pltpu.SemaphoreType.DMA] * NBUF,
    ],
    compiler_params=_sc_params,
)
def _deg_kernel(dst4_hbm, out_hbm, dst_v, ones_v, acc_v, deg1_v, acc_sh, sems):
    cid = lax.axis_index("c")
    sid = lax.axis_index("s")
    wid = sid * NC + cid
    cp = pltpu.async_copy(dst4_hbm.at[wid], dst_v, sems[0])
    _fill_rows(ones_v, CHUNK, 1.0)
    _fill_rows(acc_v, SPT, 0.0)
    pltpu.sync_copy(acc_v.at[pl.ds(0, SPT)], acc_sh.at[pl.ds(sid * SPT, SPT)])
    cp.wait()
    plsc.subcore_barrier()

    for b in range(NBUF):
        pltpu.async_copy(ones_v, acc_sh.at[dst_v.at[b]], sems[b], add=True)

    def body(i, carry):
        for b in range(NBUF):
            j = NBUF * i + b
            pltpu.make_async_copy(ones_v, acc_sh.at[dst_v.at[j]],
                                  sems[b]).wait()
            pltpu.async_copy(ones_v, acc_sh.at[dst_v.at[j + NBUF]], sems[b],
                             add=True)
        return carry

    lax.fori_loop(0, NCH // NBUF - 1, body, 0)
    for b in range(NBUF):
        j = NCH - NBUF + b
        pltpu.make_async_copy(ones_v, acc_sh.at[dst_v.at[j]], sems[b]).wait()
    plsc.subcore_barrier()
    pltpu.sync_copy(acc_sh.at[pl.ds(sid * SPT, SPT)], acc_v.at[pl.ds(0, SPT)])
    zeros16 = jnp.zeros((16,), jnp.int32)

    def extract(k, carry):
        rows = k * 16 + lax.iota(jnp.int32, 16)
        deg1_v[pl.ds(k * 16, 16)] = plsc.load_gather(acc_v, [rows, zeros16])
        return carry

    lax.fori_loop(0, 640 // 16, extract, 0)
    pltpu.sync_copy(deg1_v.at[pl.ds(0, SPT)], out_hbm.at[cid, sid])


@functools.partial(
    pl.kernel,
    out_type=(jax.ShapeDtypeStruct((NC, APAD, H), jnp.float32),
              jax.ShapeDtypeStruct((N, H), jnp.float32),
              jax.ShapeDtypeStruct((N, H), jnp.float32)),
    mesh=_mesh,
    scratch_types=[
        pltpu.VMEM((NCH, CHUNK), jnp.int32),
        pltpu.VMEM((NCH, CHUNK), jnp.int32),
        pltpu.VMEM((SPT, H), jnp.float32),
        pltpu.VMEM((SPT,), jnp.float32),
        pltpu.VMEM((SPT,), jnp.float32),
        pltpu.VMEM((SPT, H), jnp.float32),
        pltpu.VMEM((SPT, H), jnp.float32),
        pltpu.VMEM((SPT, H), jnp.float32),
        [pltpu.VMEM((CHUNK, H), jnp.float32)] * NBUF,
        pltpu.VMEM_SHARED((N, H), jnp.float32),
        pltpu.VMEM_SHARED((N, H), jnp.float32),
        [pltpu.SemaphoreType.DMA] * NBUF,
        [pltpu.SemaphoreType.DMA] * NBUF,
    ],
    compiler_params=_sc_params,
)
def _scale_agg_kernel(h_hbm, degp_hbm, src4_hbm, dst4_hbm,
                      ap_out, g_out, dis_out,
                      src_v, dst_v, h_v, p0_v, p1_v, g_v, dis_v, zero_v,
                      bufs, g_sh, acc_sh, gsems, ssems):
    cid = lax.axis_index("c")
    sid = lax.axis_index("s")
    wid = sid * NC + cid
    cps = pltpu.async_copy(src4_hbm.at[wid], src_v, gsems[0])
    cpd = pltpu.async_copy(dst4_hbm.at[wid], dst_v, gsems[1])
    cph = pltpu.async_copy(h_hbm.at[pl.ds(sid * SPT, SPT)], h_v, gsems[2])
    cp0 = pltpu.async_copy(degp_hbm.at[0, sid], p0_v, gsems[3])
    cp1 = pltpu.async_copy(degp_hbm.at[1, sid], p1_v, ssems[0])
    _fill_rows(zero_v, SPT, 0.0)
    pltpu.sync_copy(zero_v, acc_sh.at[pl.ds(sid * SPT, SPT)])
    cph.wait()
    cp0.wait()
    cp1.wait()

    def srow(i, carry):
        iv = jnp.full((16,), i, jnp.int32)
        p = (plsc.load_gather(p0_v, [iv]) + plsc.load_gather(p1_v, [iv])
             + 1.0)
        y = _rsqrt16(p)
        dis_v[i, :] = y
        g_v[i, :] = h_v[i, :] * y
        return carry

    lax.fori_loop(0, SPT, srow, 0, unroll=4)
    pltpu.sync_copy(g_v, g_sh.at[pl.ds(sid * SPT, SPT)])

    @pl.when(cid == 0)
    def _():
        pltpu.sync_copy(g_v, g_out.at[pl.ds(sid * SPT, SPT)])
        pltpu.sync_copy(dis_v, dis_out.at[pl.ds(sid * SPT, SPT)])

    cps.wait()
    cpd.wait()
    plsc.subcore_barrier()

    for b in range(NBUF):
        pltpu.async_copy(g_sh.at[src_v.at[b]], bufs[b], gsems[b])

    def body(i, carry):
        for b in range(NBUF):
            j = NBUF * i + b
            pltpu.make_async_copy(g_sh.at[src_v.at[j]], bufs[b],
                                  gsems[b]).wait()
            pltpu.async_copy(bufs[b], acc_sh.at[dst_v.at[j]], ssems[b],
                             add=True)
        for b in range(NBUF):
            j = NBUF * i + b
            pltpu.make_async_copy(bufs[b], acc_sh.at[dst_v.at[j]],
                                  ssems[b]).wait()
            pltpu.async_copy(g_sh.at[src_v.at[j + NBUF]], bufs[b], gsems[b])
        return carry

    lax.fori_loop(0, NCH // NBUF - 1, body, 0)
    for b in range(NBUF):
        j = NCH - NBUF + b
        pltpu.make_async_copy(g_sh.at[src_v.at[j]], bufs[b], gsems[b]).wait()
        pltpu.async_copy(bufs[b], acc_sh.at[dst_v.at[j]], ssems[b], add=True)
    for b in range(NBUF):
        j = NCH - NBUF + b
        pltpu.make_async_copy(bufs[b], acc_sh.at[dst_v.at[j]], ssems[b]).wait()
    plsc.subcore_barrier()
    pltpu.sync_copy(acc_sh.at[pl.ds(sid * SPT, SPT)],
                    ap_out.at[cid, pl.ds(sid * SPT, SPT)])


@functools.partial(
    pl.kernel,
    out_type=jax.ShapeDtypeStruct((NC, APAD, H), jnp.float32),
    mesh=_mesh,
    scratch_types=[
        pltpu.VMEM((NCH, CHUNK), jnp.int32),
        pltpu.VMEM((NCH, CHUNK), jnp.int32),
        pltpu.VMEM((SPT, H), jnp.float32),
        pltpu.VMEM((SPT, H), jnp.float32),
        [pltpu.VMEM((CHUNK, H), jnp.float32)] * NBUF,
        pltpu.VMEM_SHARED((N, H), jnp.float32),
        pltpu.VMEM_SHARED((N, H), jnp.float32),
        [pltpu.SemaphoreType.DMA] * NBUF,
        [pltpu.SemaphoreType.DMA] * NBUF,
    ],
    compiler_params=_sc_params,
)
def _agg_kernel(g_hbm, src4_hbm, dst4_hbm, out_hbm,
                src_v, dst_v, zero_v, g_v, bufs, g_sh, acc_sh, gsems, ssems):
    cid = lax.axis_index("c")
    sid = lax.axis_index("s")
    wid = sid * NC + cid
    cps = pltpu.async_copy(src4_hbm.at[wid], src_v, gsems[0])
    cpd = pltpu.async_copy(dst4_hbm.at[wid], dst_v, gsems[1])
    cpg = pltpu.async_copy(g_hbm.at[pl.ds(sid * SPT, SPT)], g_v, gsems[2])
    _fill_rows(zero_v, SPT, 0.0)
    pltpu.sync_copy(zero_v, acc_sh.at[pl.ds(sid * SPT, SPT)])
    cpg.wait()
    pltpu.sync_copy(g_v, g_sh.at[pl.ds(sid * SPT, SPT)])
    cps.wait()
    cpd.wait()
    plsc.subcore_barrier()

    for b in range(NBUF):
        pltpu.async_copy(g_sh.at[src_v.at[b]], bufs[b], gsems[b])

    def body(i, carry):
        for b in range(NBUF):
            j = NBUF * i + b
            pltpu.make_async_copy(g_sh.at[src_v.at[j]], bufs[b],
                                  gsems[b]).wait()
            pltpu.async_copy(bufs[b], acc_sh.at[dst_v.at[j]], ssems[b],
                             add=True)
        for b in range(NBUF):
            j = NBUF * i + b
            pltpu.make_async_copy(bufs[b], acc_sh.at[dst_v.at[j]],
                                  ssems[b]).wait()
            pltpu.async_copy(g_sh.at[src_v.at[j + NBUF]], bufs[b], gsems[b])
        return carry

    lax.fori_loop(0, NCH // NBUF - 1, body, 0)
    for b in range(NBUF):
        j = NCH - NBUF + b
        pltpu.make_async_copy(g_sh.at[src_v.at[j]], bufs[b], gsems[b]).wait()
        pltpu.async_copy(bufs[b], acc_sh.at[dst_v.at[j]], ssems[b], add=True)
    for b in range(NBUF):
        j = NCH - NBUF + b
        pltpu.make_async_copy(bufs[b], acc_sh.at[dst_v.at[j]], ssems[b]).wait()
    plsc.subcore_barrier()
    pltpu.sync_copy(acc_sh.at[pl.ds(sid * SPT, SPT)],
                    out_hbm.at[cid, pl.ds(sid * SPT, SPT)])


def _matmul1_body(x_ref, w1_ref, h_ref):
    h_ref[...] = jnp.dot(x_ref[...], w1_ref[...],
                         preferred_element_type=jnp.float32)


def _dense2_body(gp_ref, ap_ref, disp_ref, b1t_ref, w2b_ref, outp_ref):
    dis = disp_ref[...]
    ap = ap_ref[...]
    z = jnp.maximum(
        dis * (gp_ref[...] + ap[0:PR] + ap[PRC:PRC + PR]) + b1t_ref[...], 0.0)
    outp_ref[...] = jnp.dot(z, w2b_ref[...],
                            preferred_element_type=jnp.float32) * dis


def _dense3_body(gp_ref, ap_ref, disp_ref, b2t_ref, outp_ref):
    ap = ap_ref[...]
    outp_ref[...] = (disp_ref[...] * (gp_ref[...] + ap[0:PR] + ap[PRC:PRC + PR])
                     + b2t_ref[...])


def kernel(x, edge_index, W1, b1, W2, b2):
    src4 = edge_index[0].reshape(NW, NCH, CHUNK)
    dst4 = edge_index[1].reshape(NW, NCH, CHUNK)
    w2b = jnp.kron(jnp.eye(8, dtype=jnp.float32), W2)
    b1t = jnp.tile(b1, 8).reshape(1, 128)
    b2t = jnp.tile(b2, 8).reshape(1, 128)
    pstruct = jax.ShapeDtypeStruct((PR, 128), jnp.float32)

    degp = _deg_kernel(dst4)

    h1 = pl.pallas_call(
        _matmul1_body,
        out_shape=jax.ShapeDtypeStruct((N, H), jnp.float32),
    )(x, W1)

    a1p, g1, dis = _scale_agg_kernel(h1, degp, src4, dst4)
    g1p = g1.reshape(PR, 128)
    disp = dis.reshape(PR, 128)
    g2p = pl.pallas_call(
        _dense2_body, out_shape=pstruct)(
            g1p, a1p.reshape(NC * PRC, 128), disp, b1t, w2b)

    a2p = _agg_kernel(g2p.reshape(N, H), src4, dst4)
    outp = pl.pallas_call(
        _dense3_body, out_shape=pstruct)(
            g2p, a2p.reshape(NC * PRC, 128), disp, b2t)
    return outp.reshape(N, C)

# --- scband reference (transcript-rebuilt; emitter-appended) ---
"""Pipeline reference for scband-mgnn-63977832841840 (READ-ONLY COPY).

The authoritative reference and input builder live on the scoring server;
editing this copy changes nothing except your own understanding.
"""

import jax, jax.numpy as jnp
import numpy as np

N = 10000
E = 320000
D = 128
H = 16
C = 16


def gcn_conv(x, edge_index, W, b, num_nodes):
    # PyG GCNConv: linear transform, add self-loops, symmetric norm, scatter-add aggregate, bias
    x = x @ W
    src = edge_index[0]
    dst = edge_index[1]
    loop = jnp.arange(num_nodes, dtype=src.dtype)
    src = jnp.concatenate([src, loop])
    dst = jnp.concatenate([dst, loop])
    ones = jnp.ones(src.shape[0], dtype=x.dtype)
    deg = jnp.zeros(num_nodes, dtype=x.dtype).at[dst].add(ones)
    deg_inv_sqrt = jnp.where(deg > 0, jax.lax.rsqrt(jnp.maximum(deg, 1e-12)), 0.0)
    norm = deg_inv_sqrt[src] * deg_inv_sqrt[dst]
    msg = x[src] * norm[:, None]
    out = jnp.zeros((num_nodes, x.shape[1]), dtype=x.dtype).at[dst].add(msg)
    return out + b


def setup_inputs(seed: int = 0) -> dict:
    key = jax.random.key(seed)
    k1, k2, k3, k4, k5, k6 = jax.random.split(key, 6)
    x = jax.random.normal(k1, (N, D), dtype=jnp.float32)
    edge_index = jax.random.randint(k2, (2, E), 0, N, dtype=jnp.int32)
    W1 = jax.random.normal(k3, (D, H), dtype=jnp.float32) * (1.0 / np.sqrt(D))
    b1 = jnp.zeros((H,), dtype=jnp.float32)
    W2 = jax.random.normal(k4, (H, C), dtype=jnp.float32) * (1.0 / np.sqrt(H))
    b2 = jnp.zeros((C,), dtype=jnp.float32)
    return {"x": x, "edge_index": edge_index, "W1": W1, "b1": b1, "W2": W2, "b2": b2}


def reference(x, edge_index, W1, b1, W2, b2):
    h = gcn_conv(x, edge_index, W1, b1, N)
    h = jax.nn.relu(h)
    # F.dropout with training=self.training is identity in eval mode
    out = gcn_conv(h, edge_index, W2, b2, N)
    return out

if __name__ == "__main__":
    import jax
    _d = setup_inputs()
    print(jax.jit(kernel)(*tuple(_d.values())))

</pallas_src>

<mosaic_0001>
#map = affine_map<(d0, d1) -> (0, 0)>
#map1 = affine_map<(d0, d1) -> (0, 0, 0)>
module attributes {stable_mosaic.version = 14 : i64} {
  func.func @_scale_agg_kernel(%arg0: i32, %arg1: i32, %arg2: memref<10000x16xf32, #tpu.memory_space<hbm>>, %arg3: memref<2x16x625xf32, #tpu.memory_space<hbm>>, %arg4: memref<32x20x500xi32, #tpu.memory_space<hbm>>, %arg5: memref<32x20x500xi32, #tpu.memory_space<hbm>>, %arg6: memref<2x10048x16xf32, #tpu.memory_space<hbm>>, %arg7: memref<10000x16xf32, #tpu.memory_space<hbm>>, %arg8: memref<10000x16xf32, #tpu.memory_space<hbm>>, %arg9: memref<20x500xi32, #tpu.memory_space<vmem>>, %arg10: memref<20x500xi32, #tpu.memory_space<vmem>>, %arg11: memref<625x16xf32, #tpu.memory_space<vmem>>, %arg12: memref<625xf32, #tpu.memory_space<vmem>>, %arg13: memref<625xf32, #tpu.memory_space<vmem>>, %arg14: memref<625x16xf32, #tpu.memory_space<vmem>>, %arg15: memref<625x16xf32, #tpu.memory_space<vmem>>, %arg16: memref<625x16xf32, #tpu.memory_space<vmem>>, %arg17: memref<500x16xf32, #tpu.memory_space<vmem>>, %arg18: memref<500x16xf32, #tpu.memory_space<vmem>>, %arg19: memref<500x16xf32, #tpu.memory_space<vmem>>, %arg20: memref<500x16xf32, #tpu.memory_space<vmem>>, %arg21: memref<10000x16xf32, #tpu.memory_space<vmem_shared>>, %arg22: memref<10000x16xf32, #tpu.memory_space<vmem_shared>>, %arg23: memref<!tpu.dma_semaphore, #tpu.memory_space<semaphore_mem>>, %arg24: memref<!tpu.dma_semaphore, #tpu.memory_space<semaphore_mem>>, %arg25: memref<!tpu.dma_semaphore, #tpu.memory_space<semaphore_mem>>, %arg26: memref<!tpu.dma_semaphore, #tpu.memory_space<semaphore_mem>>, %arg27: memref<!tpu.dma_semaphore, #tpu.memory_space<semaphore_mem>>, %arg28: memref<!tpu.dma_semaphore, #tpu.memory_space<semaphore_mem>>, %arg29: memref<!tpu.dma_semaphore, #tpu.memory_space<semaphore_mem>>, %arg30: memref<!tpu.dma_semaphore, #tpu.memory_space<semaphore_mem>>) attributes {dimension_semantics = [#tpu.dimension_semantics<core_parallel>, #tpu.dimension_semantics<subcore_parallel>], iteration_bounds = array<i64: 2, 16>, scalar_prefetch = 0 : i64, scratch_operands = 22 : i64, tpu.core_type = #tpu.core_type<sc_vector_subcore>, window_params = [{transform_indices = #map}, {transform_indices = #map1}, {transform_indices = #map1}, {transform_indices = #map1}, {transform_indices = #map1}, {transform_indices = #map}, {transform_indices = #map}]} {
    %mul3A = arith.constant 2 : i32
    %mul3A_0 = arith.muli %arg1, %mul3A : i32
    %add3A = arith.addi %mul3A_0, %arg0 : i32
    %dma_start3A = arith.constant 0 : i32
    %dma_start3A_1 = arith.constant 0 : i32
    %dma_start3A_2 = tpu.memref_slice %arg4[%add3A, %dma_start3A, %dma_start3A_1] : memref<32x20x500xi32, #tpu.memory_space<hbm>> -> memref<1x20x500xi32, #tpu.memory_space<hbm>>
    %dma_start3A_3 = tpu.memref_squeeze %dma_start3A_2 : memref<1x20x500xi32, #tpu.memory_space<hbm>> -> memref<20x500xi32, #tpu.memory_space<hbm>>
    %dma_start3A_4 = arith.constant 0 : i32
    %dma_start3A_5 = arith.constant 0 : i32
    %dma_start3A_6 = tpu.memref_slice %arg4[%add3A, %dma_start3A_4, %dma_start3A_5] : memref<32x20x500xi32, #tpu.memory_space<hbm>> -> memref<1x20x500xi32, #tpu.memory_space<hbm>>
    %dma_start3A_7 = tpu.memref_squeeze %dma_start3A_6 : memref<1x20x500xi32, #tpu.memory_space<hbm>> -> memref<20x500xi32, #tpu.memory_space<hbm>>
    tpu.enqueue_dma source(%dma_start3A_7 : memref<20x500xi32, #tpu.memory_space<hbm>>) target(%arg9 : memref<20x500xi32, #tpu.memory_space<vmem>>) target_semaphore(%arg23 : memref<!tpu.dma_semaphore, #tpu.memory_space<semaphore_mem>>)
    %dma_start3A_8 = arith.constant 0 : i32
    %dma_start3A_9 = arith.constant 0 : i32
    %dma_start3A_10 = tpu.memref_slice %arg5[%add3A, %dma_start3A_8, %dma_start3A_9] : memref<32x20x500xi32, #tpu.memory_space<hbm>> -> memref<1x20x500xi32, #tpu.memory_space<hbm>>
    %dma_start3A_11 = tpu.memref_squeeze %dma_start3A_10 : memref<1x20x500xi32, #tpu.memory_space<hbm>> -> memref<20x500xi32, #tpu.memory_space<hbm>>
    %dma_start3A_12 = arith.constant 0 : i32
    %dma_start3A_13 = arith.constant 0 : i32
    %dma_start3A_14 = tpu.memref_slice %arg5[%add3A, %dma_start3A_12, %dma_start3A_13] : memref<32x20x500xi32, #tpu.memory_space<hbm>> -> memref<1x20x500xi32, #tpu.memory_space<hbm>>
    %dma_start3A_15 = tpu.memref_squeeze %dma_start3A_14 : memref<1x20x500xi32, #tpu.memory_space<hbm>> -> memref<20x500xi32, #tpu.memory_space<hbm>>
    tpu.enqueue_dma source(%dma_start3A_15 : memref<20x500xi32, #tpu.memory_space<hbm>>) target(%arg10 : memref<20x500xi32, #tpu.memory_space<vmem>>) target_semaphore(%arg24 : memref<!tpu.dma_semaphore, #tpu.memory_space<semaphore_mem>>)
    %mul3A_16 = arith.constant 625 : i32
    %mul3A_17 = arith.muli %arg1, %mul3A_16 : i32
    %dma_start3A_18 = arith.constant 0 : i32
    %dma_start3A_19 = tpu.memref_slice %arg2[%mul3A_17, %dma_start3A_18] : memref<10000x16xf32, #tpu.memory_space<hbm>> -> memref<625x16xf32, #tpu.memory_space<hbm>>
    %dma_start3A_20 = arith.constant 0 : i32
    %dma_start3A_21 = tpu.memref_slice %arg2[%mul3A_17, %dma_start3A_20] : memref<10000x16xf32, #tpu.memory_space<hbm>> -> memref<625x16xf32, #tpu.memory_space<hbm>>
    tpu.enqueue_dma source(%dma_start3A_21 : memref<625x16xf32, #tpu.memory_space<hbm>>) target(%arg11 : memref<625x16xf32, #tpu.memory_space<vmem>>) target_semaphore(%arg25 : memref<!tpu.dma_semaphore, #tpu.memory_space<semaphore_mem>>)
    %dma_start3A_22 = arith.constant 0 : i32
    %dma_start3A_23 = arith.constant 0 : i32
    %dma_start3A_24 = tpu.memref_slice %arg3[%dma_start3A_22, %arg1, %dma_start3A_23] : memref<2x16x625xf32, #tpu.memory_space<hbm>> -> memref<1x1x625xf32, #tpu.memory_space<hbm>>
    %dma_start3A_25 = tpu.memref_squeeze %dma_start3A_24 : memref<1x1x625xf32, #tpu.memory_space<hbm>> -> memref<625xf32, #tpu.memory_space<hbm>>
    %dma_start3A_26 = arith.constant 0 : i32
    %dma_start3A_27 = tpu.memref_slice %arg3[%dma_start3A_22, %arg1, %dma_start3A_26] : memref<2x16x625xf32, #tpu.memory_space<hbm>> -> memref<1x1x625xf32, #tpu.memory_space<hbm>>
    %dma_start3A_28 = tpu.memref_squeeze %dma_start3A_27 : memref<1x1x625xf32, #tpu.memory_space<hbm>> -> memref<625xf32, #tpu.memory_space<hbm>>
    tpu.enqueue_dma source(%dma_start3A_28 : memref<625xf32, #tpu.memory_space<hbm>>) target(%arg12 : memref<625xf32, #tpu.memory_space<vmem>>) target_semaphore(%arg26 : memref<!tpu.dma_semaphore, #tpu.memory_space<semaphore_mem>>)
    %dma_start3A_29 = arith.constant 1 : i32
    %dma_start3A_30 = arith.constant 0 : i32
    %dma_start3A_31 = tpu.memref_slice %arg3[%dma_start3A_29, %arg1, %dma_start3A_30] : memref<2x16x625xf32, #tpu.memory_space<hbm>> -> memref<1x1x625xf32, #tpu.memory_space<hbm>>
    %dma_start3A_32 = tpu.memref_squeeze %dma_start3A_31 : memref<1x1x625xf32, #tpu.memory_space<hbm>> -> memref<625xf32, #tpu.memory_space<hbm>>
    %dma_start3A_33 = arith.constant 0 : i32
    %dma_start3A_34 = tpu.memref_slice %arg3[%dma_start3A_29, %arg1, %dma_start3A_33] : memref<2x16x625xf32, #tpu.memory_space<hbm>> -> memref<1x1x625xf32, #tpu.memory_space<hbm>>
    %dma_start3A_35 = tpu.memref_squeeze %dma_start3A_34 : memref<1x1x625xf32, #tpu.memory_space<hbm>> -> memref<625xf32, #tpu.memory_space<hbm>>
    tpu.enqueue_dma source(%dma_start3A_35 : memref<625xf32, #tpu.memory_space<hbm>>) target(%arg13 : memref<625xf32, #tpu.memory_space<vmem>>) target_semaphore(%arg27 : memref<!tpu.dma_semaphore, #tpu.memory_space<semaphore_mem>>)
    %broadcast_in_dim3A = arith.constant 0.000000e+00 : f32
    %broadcast_in_dim3A_36 = vector.broadcast %broadcast_in_dim3A : f32 to vector<16xf32>
    %scan3A = arith.constant 0 : i32
    %scan3A_37 = arith.constant 0 : i32
    %scan3A_38 = arith.constant 625 : i32
    %scan3A_39 = arith.addi %scan3A_37, %scan3A_38 : i32
    %scan3A_40 = arith.constant 1 : i32
    scf.for %scan3A_258 = %scan3A_37 to %scan3A_39 step %scan3A_40  : i32 {
      %swap3A_259 = arith.index_cast %scan3A_258 : i32 to index
      %swap3A_260 = arith.constant 0 : index
      %swap3A_261 = tpu.vector_load %arg16[%swap3A_259, %swap3A_260] {strides = array<i32>} : memref<625x16xf32, #tpu.memory_space<vmem>>, vector<16xf32>,
      tpu.vector_store %arg16[%swap3A_259, %swap3A_260], %broadcast_in_dim3A_36 {strides = array<i32>} : memref<625x16xf32, #tpu.memory_space<vmem>>, vector<16xf32>,
    }
    %scan3A_41 = arith.constant 625 : i32
    %mul3A_42 = arith.constant 625 : i32
    %mul3A_43 = arith.muli %arg1, %mul3A_42 : i32
    "tpu.region"() ({
      %run_scoped3A = tpu.sem_alloc : memref<!tpu.dma_semaphore, #tpu.memory_space<semaphore_mem>>
      %dma_start3A_258 = arith.constant 0 : i32
      %dma_start3A_259 = tpu.memref_slice %arg22[%mul3A_43, %dma_start3A_258] : memref<10000x16xf32, #tpu.memory_space<vmem_shared>> -> memref<625x16xf32, #tpu.memory_space<vmem_shared>>
      %dma_start3A_260 = arith.constant 0 : i32
      %dma_start3A_261 = tpu.memref_slice %arg22[%mul3A_43, %dma_start3A_260] : memref<10000x16xf32, #tpu.memory_space<vmem_shared>> -> memref<625x16xf32, #tpu.memory_space<vmem_shared>>
      tpu.enqueue_dma source(%arg16 : memref<625x16xf32, #tpu.memory_space<vmem>>) target(%dma_start3A_261 : memref<625x16xf32, #tpu.memory_space<vmem_shared>>) target_semaphore(%run_scoped3A : memref<!tpu.dma_semaphore, #tpu.memory_space<semaphore_mem>>)
      %dma_wait3A_262 = arith.constant 0 : i32
      %dma_wait3A_263 = tpu.memref_slice %arg22[%mul3A_43, %dma_wait3A_262] : memref<10000x16xf32, #tpu.memory_space<vmem_shared>> -> memref<625x16xf32, #tpu.memory_space<vmem_shared>>
      %dma_wait3A_264 = arith.constant 0 : i32
      %dma_wait3A_265 = tpu.memref_slice %arg22[%mul3A_43, %dma_wait3A_264] : memref<10000x16xf32, #tpu.memory_space<vmem_shared>> -> memref<625x16xf32, #tpu.memory_space<vmem_shared>>
      tpu.wait_dma2 semaphore(%run_scoped3A : memref<!tpu.dma_semaphore, #tpu.memory_space<semaphore_mem>>) src(%arg16 : memref<625x16xf32, #tpu.memory_space<vmem>>) dst(%dma_wait3A_265 : memref<625x16xf32, #tpu.memory_space<vmem_shared>>)
      tpu.yield
    }) : () -> ()
    %dma_wait3A = arith.constant 0 : i32
    %dma_wait3A_44 = tpu.memref_slice %arg2[%mul3A_17, %dma_wait3A] : memref<10000x16xf32, #tpu.memory_space<hbm>> -> memref<625x16xf32, #tpu.memory_space<hbm>>
    %dma_wait3A_45 = arith.constant 0 : i32
    %dma_wait3A_46 = tpu.memref_slice %arg2[%mul3A_17, %dma_wait3A_45] : memref<10000x16xf32, #tpu.memory_space<hbm>> -> memref<625x16xf32, #tpu.memory_space<hbm>>
    tpu.wait_dma2 semaphore(%arg25 : memref<!tpu.dma_semaphore, #tpu.memory_space<semaphore_mem>>) src(%dma_wait3A_46 : memref<625x16xf32, #tpu.memory_space<hbm>>) dst(%arg11 : memref<625x16xf32, #tpu.memory_space<vmem>>)
    %dma_wait3A_47 = arith.constant 0 : i32
    %dma_wait3A_48 = arith.constant 0 : i32
    %dma_wait3A_49 = tpu.memref_slice %arg3[%dma_wait3A_47, %arg1, %dma_wait3A_48] : memref<2x16x625xf32, #tpu.memory_space<hbm>> -> memref<1x1x625xf32, #tpu.memory_space<hbm>>
    %dma_wait3A_50 = tpu.memref_squeeze %dma_wait3A_49 : memref<1x1x625xf32, #tpu.memory_space<hbm>> -> memref<625xf32, #tpu.memory_space<hbm>>
    %dma_wait3A_51 = arith.constant 0 : i32
    %dma_wait3A_52 = tpu.memref_slice %arg3[%dma_wait3A_47, %arg1, %dma_wait3A_51] : memref<2x16x625xf32, #tpu.memory_space<hbm>> -> memref<1x1x625xf32, #tpu.memory_space<hbm>>
    %dma_wait3A_53 = tpu.memref_squeeze %dma_wait3A_52 : memref<1x1x625xf32, #tpu.memory_space<hbm>> -> memref<625xf32, #tpu.memory_space<hbm>>
    tpu.wait_dma2 semaphore(%arg26 : memref<!tpu.dma_semaphore, #tpu.memory_space<semaphore_mem>>) src(%dma_wait3A_53 : memref<625xf32, #tpu.memory_space<hbm>>) dst(%arg12 : memref<625xf32, #tpu.memory_space<vmem>>)
    %dma_wait3A_54 = arith.constant 1 : i32
    %dma_wait3A_55 = arith.constant 0 : i32
    %dma_wait3A_56 = tpu.memref_slice %arg3[%dma_wait3A_54, %arg1, %dma_wait3A_55] : memref<2x16x625xf32, #tpu.memory_space<hbm>> -> memref<1x1x625xf32, #tpu.memory_space<hbm>>
    %dma_wait3A_57 = tpu.memref_squeeze %dma_wait3A_56 : memref<1x1x625xf32, #tpu.memory_space<hbm>> -> memref<625xf32, #tpu.memory_space<hbm>>
    %dma_wait3A_58 = arith.constant 0 : i32
    %dma_wait3A_59 = tpu.memref_slice %arg3[%dma_wait3A_54, %arg1, %dma_wait3A_58] : memref<2x16x625xf32, #tpu.memory_space<hbm>> -> memref<1x1x625xf32, #tpu.memory_space<hbm>>
    %dma_wait3A_60 = tpu.memref_squeeze %dma_wait3A_59 : memref<1x1x625xf32, #tpu.memory_space<hbm>> -> memref<625xf32, #tpu.memory_space<hbm>>
    tpu.wait_dma2 semaphore(%arg27 : memref<!tpu.dma_semaphore, #tpu.memory_space<semaphore_mem>>) src(%dma_wait3A_60 : memref<625xf32, #tpu.memory_space<hbm>>) dst(%arg13 : memref<625xf32, #tpu.memory_space<vmem>>)
    %scan3A_61 = arith.constant 0 : i32
    %scan3A_62 = arith.constant 0 : i32
    %scan3A_63 = arith.constant 624 : i32
    %scan3A_64 = arith.addi %scan3A_62, %scan3A_63 : i32
    %scan3A_65 = arith.constant 4 : i32
    scf.for %scan3A_258 = %scan3A_62 to %scan3A_64 step %scan3A_65  : i32 {
      %broadcast_in_dim3A_259 = vector.broadcast %scan3A_258 : i32 to vector<16xi32>
      %gather3A_260 = tpu.vector_load_idx %arg12[%broadcast_in_dim3A_259] : memref<625xf32, #tpu.memory_space<vmem>>[vector<16xi32>], vector<16xf32>,
      %gather3A_261 = tpu.vector_load_idx %arg13[%broadcast_in_dim3A_259] : memref<625xf32, #tpu.memory_space<vmem>>[vector<16xi32>], vector<16xf32>,
      %add3A_262 = arith.addf %gather3A_260, %gather3A_261 : vector<16xf32>
      %add3A_263 = arith.constant 1.000000e+00 : f32
      %add3A_264 = vector.broadcast %add3A_263 : f32 to vector<16xf32>
      %add3A_265 = arith.addf %add3A_262, %add3A_264 : vector<16xf32>
      %bitcast3A_266 = vector.bitcast %add3A_265 : vector<16xf32> to vector<16xi32>
      %shift_right_logical3A_267 = arith.constant 1 : i32
      %shift_right_logical3A_268 = vector.broadcast %shift_right_logical3A_267 : i32 to vector<16xi32>
      %shift_right_logical3A_269 = arith.shrui %bitcast3A_266, %shift_right_logical3A_268 : vector<16xi32>
      %sub3A_270 = arith.constant 1597463007 : i32
      %sub3A_271 = vector.broadcast %sub3A_270 : i32 to vector<16xi32>
      %sub3A_272 = arith.subi %sub3A_271, %shift_right_logical3A_269 : vector<16xi32>
      %bitcast3A_273 = vector.bitcast %sub3A_272 : vector<16xi32> to vector<16xf32>
      %mul3A_274 = arith.constant 5.000000e-01 : f32
      %mul3A_275 = vector.broadcast %mul3A_274 : f32 to vector<16xf32>
      %mul3A_276 = arith.mulf %mul3A_275, %add3A_265 : vector<16xf32>
      %mul3A_277 = arith.mulf %mul3A_276, %bitcast3A_273 : vector<16xf32>
      %mul3A_278 = arith.mulf %mul3A_277, %bitcast3A_273 : vector<16xf32>
      %sub3A_279 = arith.constant 1.500000e+00 : f32
      %sub3A_280 = vector.broadcast %sub3A_279 : f32 to vector<16xf32>
      %sub3A_281 = arith.subf %sub3A_280, %mul3A_278 : vector<16xf32>
      %mul3A_282 = arith.mulf %bitcast3A_273, %sub3A_281 : vector<16xf32>
      %mul3A_283 = arith.constant 5.000000e-01 : f32
      %mul3A_284 = vector.broadcast %mul3A_283 : f32 to vector<16xf32>
      %mul3A_285 = arith.mulf %mul3A_284, %add3A_265 : vector<16xf32>
      %mul3A_286 = arith.mulf %mul3A_285, %mul3A_282 : vector<16xf32>
      %mul3A_287 = arith.mulf %mul3A_286, %mul3A_282 : vector<16xf32>
      %sub3A_288 = arith.constant 1.500000e+00 : f32
      %sub3A_289 = vector.broadcast %sub3A_288 : f32 to vector<16xf32>
      %sub3A_290 = arith.subf %sub3A_289, %mul3A_287 : vector<16xf32>
      %mul3A_291 = arith.mulf %mul3A_282, %sub3A_290 : vector<16xf32>
      %mul3A_292 = arith.constant 5.000000e-01 : f32
      %mul3A_293 = vector.broadcast %mul3A_292 : f32 to vector<16xf32>
      %mul3A_294 = arith.mulf %mul3A_293, %add3A_265 : vector<16xf32>
      %mul3A_295 = arith.mulf %mul3A_294, %mul3A_291 : vector<16xf32>
      %mul3A_296 = arith.mulf %mul3A_295, %mul3A_291 : vector<16xf32>
      %sub3A_297 = arith.constant 1.500000e+00 : f32
      %sub3A_298 = vector.broadcast %sub3A_297 : f32 to vector<16xf32>
      %sub3A_299 = arith.subf %sub3A_298, %mul3A_296 : vector<16xf32>
      %mul3A_300 = arith.mulf %mul3A_291, %sub3A_299 : vector<16xf32>
      %swap3A_301 = arith.index_cast %scan3A_258 : i32 to index
      %swap3A_302 = arith.constant 0 : index
      %swap3A_303 = tpu.vector_load %arg15[%swap3A_301, %swap3A_302] {strides = array<i32>} : memref<625x16xf32, #tpu.memory_space<vmem>>, vector<16xf32>,
      tpu.vector_store %arg15[%swap3A_301, %swap3A_302], %mul3A_300 {strides = array<i32>} : memref<625x16xf32, #tpu.memory_space<vmem>>, vector<16xf32>,
      %get3A_304 = arith.index_cast %scan3A_258 : i32 to index
      %get3A_305 = arith.constant 0 : index
      %get3A_306 = tpu.vector_load %arg11[%get3A_304, %get3A_305] {strides = array<i32>} : memref<625x16xf32, #tpu.memory_space<vmem>>, vector<16xf32>,
      %mul3A_307 = arith.mulf %get3A_306, %mul3A_300 : vector<16xf32>
      %swap3A_308 = arith.index_cast %scan3A_258 : i32 to index
      %swap3A_309 = arith.constant 0 : index
      %swap3A_310 = tpu.vector_load %arg14[%swap3A_308, %swap3A_309] {strides = array<i32>} : memref<625x16xf32, #tpu.memory_space<vmem>>, vector<16xf32>,
      tpu.vector_store %arg14[%swap3A_308, %swap3A_309], %mul3A_307 {strides = array<i32>} : memref<625x16xf32, #tpu.memory_space<vmem>>, vector<16xf32>,
      %scan3A_311 = arith.constant 1 : i32
      %scan3A_312 = arith.addi %scan3A_258, %scan3A_311 : i32
      %broadcast_in_dim3A_313 = vector.broadcast %scan3A_312 : i32 to vector<16xi32>
      %gather3A_314 = tpu.vector_load_idx %arg12[%broadcast_in_dim3A_313] : memref<625xf32, #tpu.memory_space<vmem>>[vector<16xi32>], vector<16xf32>,
      %gather3A_315 = tpu.vector_load_idx %arg13[%broadcast_in_dim3A_313] : memref<625xf32, #tpu.memory_space<vmem>>[vector<16xi32>], vector<16xf32>,
      %add3A_316 = arith.addf %gather3A_314, %gather3A_315 : vector<16xf32>
      %add3A_317 = arith.constant 1.000000e+00 : f32
      %add3A_318 = vector.broadcast %add3A_317 : f32 to vector<16xf32>
      %add3A_319 = arith.addf %add3A_316, %add3A_318 : vector<16xf32>
      %bitcast3A_320 = vector.bitcast %add3A_319 : vector<16xf32> to vector<16xi32>
      %shift_right_logical3A_321 = arith.constant 1 : i32
      %shift_right_logical3A_322 = vector.broadcast %shift_right_logical3A_321 : i32 to vector<16xi32>
      %shift_right_logical3A_323 = arith.shrui %bitcast3A_320, %shift_right_logical3A_322 : vector<16xi32>
      %sub3A_324 = arith.constant 1597463007 : i32
      %sub3A_325 = vector.broadcast %sub3A_324 : i32 to vector<16xi32>
      %sub3A_326 = arith.subi %sub3A_325, %shift_right_logical3A_323 : vector<16xi32>
      %bitcast3A_327 = vector.bitcast %sub3A_326 : vector<16xi32> to vector<16xf32>
      %mul3A_328 = arith.constant 5.000000e-01 : f32
      %mul3A_329 = vector.broadcast %mul3A_328 : f32 to vector<16xf32>
      %mul3A_330 = arith.mulf %mul3A_329, %add3A_319 : vector<16xf32>
      %mul3A_331 = arith.mulf %mul3A_330, %bitcast3A_327 : vector<16xf32>
      %mul3A_332 = arith.mulf %mul3A_331, %bitcast3A_327 : vector<16xf32>
      %sub3A_333 = arith.constant 1.500000e+00 : f32
      %sub3A_334 = vector.broadcast %sub3A_333 : f32 to vector<16xf32>
      %sub3A_335 = arith.subf %sub3A_334, %mul3A_332 : vector<16xf32>
      %mul3A_336 = arith.mulf %bitcast3A_327, %sub3A_335 : vector<16xf32>
      %mul3A_337 = arith.constant 5.000000e-01 : f32
      %mul3A_338 = vector.broadcast %mul3A_337 : f32 to vector<16xf32>
      %mul3A_339 = arith.mulf %mul3A_338, %add3A_319 : vector<16xf32>
      %mul3A_340 = arith.mulf %mul3A_339, %mul3A_336 : vector<16xf32>
      %mul3A_341 = arith.mulf %mul3A_340, %mul3A_336 : vector<16xf32>
      %sub3A_342 = arith.constant 1.500000e+00 : f32
      %sub3A_343 = vector.broadcast %sub3A_342 : f32 to vector<16xf32>
      %sub3A_344 = arith.subf %sub3A_343, %mul3A_341 : vector<16xf32>
      %mul3A_345 = arith.mulf %mul3A_336, %sub3A_344 : vector<16xf32>
      %mul3A_346 = arith.constant 5.000000e-01 : f32
      %mul3A_347 = vector.broadcast %mul3A_346 : f32 to vector<16xf32>
      %mul3A_348 = arith.mulf %mul3A_347, %add3A_319 : vector<16xf32>
      %mul3A_349 = arith.mulf %mul3A_348, %mul3A_345 : vector<16xf32>
      %mul3A_350 = arith.mulf %mul3A_349, %mul3A_345 : vector<16xf32>
      %sub3A_351 = arith.constant 1.500000e+00 : f32
      %sub3A_352 = vector.broadcast %sub3A_351 : f32 to vector<16xf32>
      %sub3A_353 = arith.subf %sub3A_352, %mul3A_350 : vector<16xf32>
      %mul3A_354 = arith.mulf %mul3A_345, %sub3A_353 : vector<16xf32>
      %swap3A_355 = arith.index_cast %scan3A_312 : i32 to index
      %swap3A_356 = arith.constant 0 : index
      %swap3A_357 = tpu.vector_load %arg15[%swap3A_355, %swap3A_356] {strides = array<i32>} : memref<625x16xf32, #tpu.memory_space<vmem>>, vector<16xf32>,
      tpu.vector_store %arg15[%swap3A_355, %swap3A_356], %mul3A_354 {strides = array<i32>} : memref<625x16xf32, #tpu.memory_space<vmem>>, vector<16xf32>,
      %get3A_358 = arith.index_cast %scan3A_312 : i32 to index
      %get3A_359 = arith.constant 0 : index
      %get3A_360 = tpu.vector_load %arg11[%get3A_358, %get3A_359] {strides = array<i32>} : memref<625x16xf32, #tpu.memory_space<vmem>>, vector<16xf32>,
      %mul3A_361 = arith.mulf %get3A_360, %mul3A_354 : vector<16xf32>
      %swap3A_362 = arith.index_cast %scan3A_312 : i32 to index
      %swap3A_363 = arith.constant 0 : index
      %swap3A_364 = tpu.vector_load %arg14[%swap3A_362, %swap3A_363] {strides = array<i32>} : memref<625x16xf32, #tpu.memory_space<vmem>>, vector<16xf32>,
      tpu.vector_store %arg14[%swap3A_362, %swap3A_363], %mul3A_361 {strides = array<i32>} : memref<625x16xf32, #tpu.memory_space<vmem>>, vector<16xf32>,
      %scan3A_365 = arith.constant 2 : i32
      %scan3A_366 = arith.addi %scan3A_258, %scan3A_365 : i32
      %broadcast_in_dim3A_367 = vector.broadcast %scan3A_366 : i32 to vector<16xi32>
      %gather3A_368 = tpu.vector_load_idx %arg12[%broadcast_in_dim3A_367] : memref<625xf32, #tpu.memory_space<vmem>>[vector<16xi32>], vector<16xf32>,
      %gather3A_369 = tpu.vector_load_idx %arg13[%broadcast_in_dim3A_367] : memref<625xf32, #tpu.memory_space<vmem>>[vector<16xi32>], vector<16xf32>,
      %add3A_370 = arith.addf %gather3A_368, %gather3A_369 : vector<16xf32>
      %add3A_371 = arith.constant 1.000000e+00 : f32
      %add3A_372 = vector.broadcast %add3A_371 : f32 to vector<16xf32>
      %add3A_373 = arith.addf %add3A_370, %add3A_372 : vector<16xf32>
      %bitcast3A_374 = vector.bitcast %add3A_373 : vector<16xf32> to vector<16xi32>
      %shift_right_logical3A_375 = arith.constant 1 : i32
      %shift_right_logical3A_376 = vector.broadcast %shift_right_logical3A_375 : i32 to vector<16xi32>
      %shift_right_logical3A_377 = arith.shrui %bitcast3A_374, %shift_right_logical3A_376 : vector<16xi32>
      %sub3A_378 = arith.constant 1597463007 : i32
      %sub3A_379 = vector.broadcast %sub3A_378 : i32 to vector<16xi32>
      %sub3A_380 = arith.subi %sub3A_379, %shift_right_logical3A_377 : vector<16xi32>
      %bitcast3A_381 = vector.bitcast %sub3A_380 : vector<16xi32> to vector<16xf32>
      %mul3A_382 = arith.constant 5.000000e-01 : f32
      %mul3A_383 = vector.broadcast %mul3A_382 : f32 to vector<16xf32>
      %mul3A_384 = arith.mulf %mul3A_383, %add3A_373 : vector<16xf32>
      %mul3A_385 = arith.mulf %mul3A_384, %bitcast3A_381 : vector<16xf32>
      %mul3A_386 = arith.mulf %mul3A_385, %bitcast3A_381 : vector<16xf32>
      %sub3A_387 = arith.constant 1.500000e+00 : f32
      %sub3A_388 = vector.broadcast %sub3A_387 : f32 to vector<16xf32>
      %sub3A_389 = arith.subf %sub3A_388, %mul3A_386 : vector<16xf32>
      %mul3A_390 = arith.mulf %bitcast3A_381, %sub3A_389 : vector<16xf32>
      %mul3A_391 = arith.constant 5.000000e-01 : f32
      %mul3A_392 = vector.broadcast %mul3A_391 : f32 to vector<16xf32>
      %mul3A_393 = arith.mulf %mul3A_392, %add3A_373 : vector<16xf32>
      %mul3A_394 = arith.mulf %mul3A_393, %mul3A_390 : vector<16xf32>
      %mul3A_395 = arith.mulf %mul3A_394, %mul3A_390 : vector<16xf32>
      %sub3A_396 = arith.constant 1.500000e+00 : f32
      %sub3A_397 = vector.broadcast %sub3A_396 : f32 to vector<16xf32>
      %sub3A_398 = arith.subf %sub3A_397, %mul3A_395 : vector<16xf32>
      %mul3A_399 = arith.mulf %mul3A_390, %sub3A_398 : vector<16xf32>
      %mul3A_400 = arith.constant 5.000000e-01 : f32
      %mul3A_401 = vector.broadcast %mul3A_400 : f32 to vector<16xf32>
      %mul3A_402 = arith.mulf %mul3A_401, %add3A_373 : vector<16xf32>
      %mul3A_403 = arith.mulf %mul3A_402, %mul3A_399 : vector<16xf32>
      %mul3A_404 = arith.mulf %mul3A_403, %mul3A_399 : vector<16xf32>
      %sub3A_405 = arith.constant 1.500000e+00 : f32
      %sub3A_406 = vector.broadcast %sub3A_405 : f32 to vector<16xf32>
      %sub3A_407 = arith.subf %sub3A_406, %mul3A_404 : vector<16xf32>
      %mul3A_408 = arith.mulf %mul3A_399, %sub3A_407 : vector<16xf32>
      %swap3A_409 = arith.index_cast %scan3A_366 : i32 to index
      %swap3A_410 = arith.constant 0 : index
      %swap3A_411 = tpu.vector_load %arg15[%swap3A_409, %swap3A_410] {strides = array<i32>} : memref<625x16xf32, #tpu.memory_space<vmem>>, vector<16xf32>,
      tpu.vector_store %arg15[%swap3A_409, %swap3A_410], %mul3A_408 {strides = array<i32>} : memref<625x16xf32, #tpu.memory_space<vmem>>, vector<16xf32>,
      %get3A_412 = arith.index_cast %scan3A_366 : i32 to index
      %get3A_413 = arith.constant 0 : index
      %get3A_414 = tpu.vector_load %arg11[%get3A_412, %get3A_413] {strides = array<i32>} : memref<625x16xf32, #tpu.memory_space<vmem>>, vector<16xf32>,
      %mul3A_415 = arith.mulf %get3A_414, %mul3A_408 : vector<16xf32>
      %swap3A_416 = arith.index_cast %scan3A_366 : i32 to index
      %swap3A_417 = arith.constant 0 : index
      %swap3A_418 = tpu.vector_load %arg14[%swap3A_416, %swap3A_417] {strides = array<i32>} : memref<625x16xf32, #tpu.memory_space<vmem>>, vector<16xf32>,
      tpu.vector_store %arg14[%swap3A_416, %swap3A_417], %mul3A_415 {strides = array<i32>} : memref<625x16xf32, #tpu.memory_space<vmem>>, vector<16xf32>,
      %scan3A_419 = arith.constant 3 : i32
      %scan3A_420 = arith.addi %scan3A_258, %scan3A_419 : i32
      %broadcast_in_dim3A_421 = vector.broadcast %scan3A_420 : i32 to vector<16xi32>
      %gather3A_422 = tpu.vector_load_idx %arg12[%broadcast_in_dim3A_421] : memref<625xf32, #tpu.memory_space<vmem>>[vector<16xi32>], vector<16xf32>,
      %gather3A_423 = tpu.vector_load_idx %arg13[%broadcast_in_dim3A_421] : memref<625xf32, #tpu.memory_space<vmem>>[vector<16xi32>], vector<16xf32>,
      %add3A_424 = arith.addf %gather3A_422, %gather3A_423 : vector<16xf32>
      %add3A_425 = arith.constant 1.000000e+00 : f32
      %add3A_426 = vector.broadcast %add3A_425 : f32 to vector<16xf32>
      %add3A_427 = arith.addf %add3A_424, %add3A_426 : vector<16xf32>
      %bitcast3A_428 = vector.bitcast %add3A_427 : vector<16xf32> to vector<16xi32>
      %shift_right_logical3A_429 = arith.constant 1 : i32
      %shift_right_logical3A_430 = vector.broadcast %shift_right_logical3A_429 : i32 to vector<16xi32>
      %shift_right_logical3A_431 = arith.shrui %bitcast3A_428, %shift_right_logical3A_430 : vector<16xi32>
      %sub3A_432 = arith.constant 1597463007 : i32
      %sub3A_433 = vector.broadcast %sub3A_432 : i32 to vector<16xi32>
      %sub3A_434 = arith.subi %sub3A_433, %shift_right_logical3A_431 : vector<16xi32>
      %bitcast3A_435 = vector.bitcast %sub3A_434 : vector<16xi32> to vector<16xf32>
      %mul3A_436 = arith.constant 5.000000e-01 : f32
      %mul3A_437 = vector.broadcast %mul3A_436 : f32 to vector<16xf32>
      %mul3A_438 = arith.mulf %mul3A_437, %add3A_427 : vector<16xf32>
      %mul3A_439 = arith.mulf %mul3A_438, %bitcast3A_435 : vector<16xf32>
      %mul3A_440 = arith.mulf %mul3A_439, %bitcast3A_435 : vector<16xf32>
      %sub3A_441 = arith.constant 1.500000e+00 : f32
      %sub3A_442 = vector.broadcast %sub3A_441 : f32 to vector<16xf32>
      %sub3A_443 = arith.subf %sub3A_442, %mul3A_440 : vector<16xf32>
      %mul3A_444 = arith.mulf %bitcast3A_435, %sub3A_443 : vector<16xf32>
      %mul3A_445 = arith.constant 5.000000e-01 : f32
      %mul3A_446 = vector.broadcast %mul3A_445 : f32 to vector<16xf32>
      %mul3A_447 = arith.mulf %mul3A_446, %add3A_427 : vector<16xf32>
      %mul3A_448 = arith.mulf %mul3A_447, %mul3A_444 : vector<16xf32>
      %mul3A_449 = arith.mulf %mul3A_448, %mul3A_444 : vector<16xf32>
      %sub3A_450 = arith.constant 1.500000e+00 : f32
      %sub3A_451 = vector.broadcast %sub3A_450 : f32 to vector<16xf32>
      %sub3A_452 = arith.subf %sub3A_451, %mul3A_449 : vector<16xf32>
      %mul3A_453 = arith.mulf %mul3A_444, %sub3A_452 : vector<16xf32>
      %mul3A_454 = arith.constant 5.000000e-01 : f32
      %mul3A_455 = vector.broadcast %mul3A_454 : f32 to vector<16xf32>
      %mul3A_456 = arith.mulf %mul3A_455, %add3A_427 : vector<16xf32>
      %mul3A_457 = arith.mulf %mul3A_456, %mul3A_453 : vector<16xf32>
      %mul3A_458 = arith.mulf %mul3A_457, %mul3A_453 : vector<16xf32>
      %sub3A_459 = arith.constant 1.500000e+00 : f32
      %sub3A_460 = vector.broadcast %sub3A_459 : f32 to vector<16xf32>
      %sub3A_461 = arith.subf %sub3A_460, %mul3A_458 : vector<16xf32>
      %mul3A_462 = arith.mulf %mul3A_453, %sub3A_461 : vector<16xf32>
      %swap3A_463 = arith.index_cast %scan3A_420 : i32 to index
      %swap3A_464 = arith.constant 0 : index
      %swap3A_465 = tpu.vector_load %arg15[%swap3A_463, %swap3A_464] {strides = array<i32>} : memref<625x16xf32, #tpu.memory_space<vmem>>, vector<16xf32>,
      tpu.vector_store %arg15[%swap3A_463, %swap3A_464], %mul3A_462 {strides = array<i32>} : memref<625x16xf32, #tpu.memory_space<vmem>>, vector<16xf32>,
      %get3A_466 = arith.index_cast %scan3A_420 : i32 to index
      %get3A_467 = arith.constant 0 : index
      %get3A_468 = tpu.vector_load %arg11[%get3A_466, %get3A_467] {strides = array<i32>} : memref<625x16xf32, #tpu.memory_space<vmem>>, vector<16xf32>,
      %mul3A_469 = arith.mulf %get3A_468, %mul3A_462 : vector<16xf32>
      %swap3A_470 = arith.index_cast %scan3A_420 : i32 to index
      %swap3A_471 = arith.constant 0 : index
      %swap3A_472 = tpu.vector_load %arg14[%swap3A_470, %swap3A_471] {strides = array<i32>} : memref<625x16xf32, #tpu.memory_space<vmem>>, vector<16xf32>,
      tpu.vector_store %arg14[%swap3A_470, %swap3A_471], %mul3A_469 {strides = array<i32>} : memref<625x16xf32, #tpu.memory_space<vmem>>, vector<16xf32>,
    }
    %scan3A_66 = arith.constant 624 : i32
    %scan3A_67 = arith.addi %scan3A_62, %scan3A_66 : i32
    %broadcast_in_dim3A_68 = vector.broadcast %scan3A_67 : i32 to vector<16xi32>
    %gather3A = tpu.vector_load_idx %arg12[%broadcast_in_dim3A_68] : memref<625xf32, #tpu.memory_space<vmem>>[vector<16xi32>], vector<16xf32>,
    %gather3A_69 = tpu.vector_load_idx %arg13[%broadcast_in_dim3A_68] : memref<625xf32, #tpu.memory_space<vmem>>[vector<16xi32>], vector<16xf32>,
    %add3A_70 = arith.addf %gather3A, %gather3A_69 : vector<16xf32>
    %add3A_71 = arith.constant 1.000000e+00 : f32
    %add3A_72 = vector.broadcast %add3A_71 : f32 to vector<16xf32>
    %add3A_73 = arith.addf %add3A_70, %add3A_72 : vector<16xf32>
    %bitcast3A = vector.bitcast %add3A_73 : vector<16xf32> to vector<16xi32>
    %shift_right_logical3A = arith.constant 1 : i32
    %shift_right_logical3A_74 = vector.broadcast %shift_right_logical3A : i32 to vector<16xi32>
    %shift_right_logical3A_75 = arith.shrui %bitcast3A, %shift_right_logical3A_74 : vector<16xi32>
    %sub3A = arith.constant 1597463007 : i32
    %sub3A_76 = vector.broadcast %sub3A : i32 to vector<16xi32>
    %sub3A_77 = arith.subi %sub3A_76, %shift_right_logical3A_75 : vector<16xi32>
    %bitcast3A_78 = vector.bitcast %sub3A_77 : vector<16xi32> to vector<16xf32>
    %mul3A_79 = arith.constant 5.000000e-01 : f32
    %mul3A_80 = vector.broadcast %mul3A_79 : f32 to vector<16xf32>
    %mul3A_81 = arith.mulf %mul3A_80, %add3A_73 : vector<16xf32>
    %mul3A_82 = arith.mulf %mul3A_81, %bitcast3A_78 : vector<16xf32>
    %mul3A_83 = arith.mulf %mul3A_82, %bitcast3A_78 : vector<16xf32>
    %sub3A_84 = arith.constant 1.500000e+00 : f32
    %sub3A_85 = vector.broadcast %sub3A_84 : f32 to vector<16xf32>
    %sub3A_86 = arith.subf %sub3A_85, %mul3A_83 : vector<16xf32>
    %mul3A_87 = arith.mulf %bitcast3A_78, %sub3A_86 : vector<16xf32>
    %mul3A_88 = arith.constant 5.000000e-01 : f32
    %mul3A_89 = vector.broadcast %mul3A_88 : f32 to vector<16xf32>
    %mul3A_90 = arith.mulf %mul3A_89, %add3A_73 : vector<16xf32>
    %mul3A_91 = arith.mulf %mul3A_90, %mul3A_87 : vector<16xf32>
    %mul3A_92 = arith.mulf %mul3A_91, %mul3A_87 : vector<16xf32>
    %sub3A_93 = arith.constant 1.500000e+00 : f32
    %sub3A_94 = vector.broadcast %sub3A_93 : f32 to vector<16xf32>
    %sub3A_95 = arith.subf %sub3A_94, %mul3A_92 : vector<16xf32>
    %mul3A_96 = arith.mulf %mul3A_87, %sub3A_95 : vector<16xf32>
    %mul3A_97 = arith.constant 5.000000e-01 : f32
    %mul3A_98 = vector.broadcast %mul3A_97 : f32 to vector<16xf32>
    %mul3A_99 = arith.mulf %mul3A_98, %add3A_73 : vector<16xf32>
    %mul3A_100 = arith.mulf %mul3A_99, %mul3A_96 : vector<16xf32>
    %mul3A_101 = arith.mulf %mul3A_100, %mul3A_96 : vector<16xf32>
    %sub3A_102 = arith.constant 1.500000e+00 : f32
    %sub3A_103 = vector.broadcast %sub3A_102 : f32 to vector<16xf32>
    %sub3A_104 = arith.subf %sub3A_103, %mul3A_101 : vector<16xf32>
    %mul3A_105 = arith.mulf %mul3A_96, %sub3A_104 : vector<16xf32>
    %swap3A = arith.index_cast %scan3A_67 : i32 to index
    %swap3A_106 = arith.constant 0 : index
    %swap3A_107 = tpu.vector_load %arg15[%swap3A, %swap3A_106] {strides = array<i32>} : memref<625x16xf32, #tpu.memory_space<vmem>>, vector<16xf32>,
    tpu.vector_store %arg15[%swap3A, %swap3A_106], %mul3A_105 {strides = array<i32>} : memref<625x16xf32, #tpu.memory_space<vmem>>, vector<16xf32>,
    %get3A = arith.index_cast %scan3A_67 : i32 to index
    %get3A_108 = arith.constant 0 : index
    %get3A_109 = tpu.vector_load %arg11[%get3A, %get3A_108] {strides = array<i32>} : memref<625x16xf32, #tpu.memory_space<vmem>>, vector<16xf32>,
    %mul3A_110 = arith.mulf %get3A_109, %mul3A_105 : vector<16xf32>
    %swap3A_111 = arith.index_cast %scan3A_67 : i32 to index
    %swap3A_112 = arith.constant 0 : index
    %swap3A_113 = tpu.vector_load %arg14[%swap3A_111, %swap3A_112] {strides = array<i32>} : memref<625x16xf32, #tpu.memory_space<vmem>>, vector<16xf32>,
    tpu.vector_store %arg14[%swap3A_111, %swap3A_112], %mul3A_110 {strides = array<i32>} : memref<625x16xf32, #tpu.memory_space<vmem>>, vector<16xf32>,
    %scan3A_114 = arith.constant 625 : i32
    %mul3A_115 = arith.constant 625 : i32
    %mul3A_116 = arith.muli %arg1, %mul3A_115 : i32
    "tpu.region"() ({
      %run_scoped3A = tpu.sem_alloc : memref<!tpu.dma_semaphore, #tpu.memory_space<semaphore_mem>>
      %dma_start3A_258 = arith.constant 0 : i32
      %dma_start3A_259 = tpu.memref_slice %arg21[%mul3A_116, %dma_start3A_258] : memref<10000x16xf32, #tpu.memory_space<vmem_shared>> -> memref<625x16xf32, #tpu.memory_space<vmem_shared>>
      %dma_start3A_260 = arith.constant 0 : i32
      %dma_start3A_261 = tpu.memref_slice %arg21[%mul3A_116, %dma_start3A_260] : memref<10000x16xf32, #tpu.memory_space<vmem_shared>> -> memref<625x16xf32, #tpu.memory_space<vmem_shared>>
      tpu.enqueue_dma source(%arg14 : memref<625x16xf32, #tpu.memory_space<vmem>>) target(%dma_start3A_261 : memref<625x16xf32, #tpu.memory_space<vmem_shared>>) target_semaphore(%run_scoped3A : memref<!tpu.dma_semaphore, #tpu.memory_space<semaphore_mem>>)
      %dma_wait3A_262 = arith.constant 0 : i32
      %dma_wait3A_263 = tpu.memref_slice %arg21[%mul3A_116, %dma_wait3A_262] : memref<10000x16xf32, #tpu.memory_space<vmem_shared>> -> memref<625x16xf32, #tpu.memory_space<vmem_shared>>
      %dma_wait3A_264 = arith.constant 0 : i32
      %dma_wait3A_265 = tpu.memref_slice %arg21[%mul3A_116, %dma_wait3A_264] : memref<10000x16xf32, #tpu.memory_space<vmem_shared>> -> memref<625x16xf32, #tpu.memory_space<vmem_shared>>
      tpu.wait_dma2 semaphore(%run_scoped3A : memref<!tpu.dma_semaphore, #tpu.memory_space<semaphore_mem>>) src(%arg14 : memref<625x16xf32, #tpu.memory_space<vmem>>) dst(%dma_wait3A_265 : memref<625x16xf32, #tpu.memory_space<vmem_shared>>)
      tpu.yield
    }) : () -> ()
    %eq3A = arith.constant 0 : i32
    %eq3A_117 = arith.cmpi eq, %arg0, %eq3A : i32
    %convert_element_type3A = arith.extui %eq3A_117 : i1 to i32
    %cond3A = arith.constant 0 : i32
    %cond3A_118 = arith.cmpi ne, %convert_element_type3A, %cond3A : i32
    scf.if %cond3A_118 {
      %mul3A_258 = arith.constant 625 : i32
      %mul3A_259 = arith.muli %arg1, %mul3A_258 : i32
      "tpu.region"() ({
        %run_scoped3A = tpu.sem_alloc : memref<!tpu.dma_semaphore, #tpu.memory_space<semaphore_mem>>
        %dma_start3A_262 = arith.constant 0 : i32
        %dma_start3A_263 = tpu.memref_slice %arg7[%mul3A_259, %dma_start3A_262] : memref<10000x16xf32, #tpu.memory_space<hbm>> -> memref<625x16xf32, #tpu.memory_space<hbm>>
        %dma_start3A_264 = arith.constant 0 : i32
        %dma_start3A_265 = tpu.memref_slice %arg7[%mul3A_259, %dma_start3A_264] : memref<10000x16xf32, #tpu.memory_space<hbm>> -> memref<625x16xf32, #tpu.memory_space<hbm>>
        tpu.enqueue_dma source(%arg14 : memref<625x16xf32, #tpu.memory_space<vmem>>) target(%dma_start3A_265 : memref<625x16xf32, #tpu.memory_space<hbm>>) target_semaphore(%run_scoped3A : memref<!tpu.dma_semaphore, #tpu.memory_space<semaphore_mem>>)
        %dma_wait3A_266 = arith.constant 0 : i32
        %dma_wait3A_267 = tpu.memref_slice %arg7[%mul3A_259, %dma_wait3A_266] : memref<10000x16xf32, #tpu.memory_space<hbm>> -> memref<625x16xf32, #tpu.memory_space<hbm>>
        %dma_wait3A_268 = arith.constant 0 : i32
        %dma_wait3A_269 = tpu.memref_slice %arg7[%mul3A_259, %dma_wait3A_268] : memref<10000x16xf32, #tpu.memory_space<hbm>> -> memref<625x16xf32, #tpu.memory_space<hbm>>
        tpu.wait_dma2 semaphore(%run_scoped3A : memref<!tpu.dma_semaphore, #tpu.memory_space<semaphore_mem>>) src(%arg14 : memref<625x16xf32, #tpu.memory_space<vmem>>) dst(%dma_wait3A_269 : memref<625x16xf32, #tpu.memory_space<hbm>>)
        tpu.yield
      }) : () -> ()
      %mul3A_260 = arith.constant 625 : i32
      %mul3A_261 = arith.muli %arg1, %mul3A_260 : i32
      "tpu.region"() ({
        %run_scoped3A = tpu.sem_alloc : memref<!tpu.dma_semaphore, #tpu.memory_space<semaphore_mem>>
        %dma_start3A_262 = arith.constant 0 : i32
        %dma_start3A_263 = tpu.memref_slice %arg8[%mul3A_261, %dma_start3A_262] : memref<10000x16xf32, #tpu.memory_space<hbm>> -> memref<625x16xf32, #tpu.memory_space<hbm>>
        %dma_start3A_264 = arith.constant 0 : i32
        %dma_start3A_265 = tpu.memref_slice %arg8[%mul3A_261, %dma_start3A_264] : memref<10000x16xf32, #tpu.memory_space<hbm>> -> memref<625x16xf32, #tpu.memory_space<hbm>>
        tpu.enqueue_dma source(%arg15 : memref<625x16xf32, #tpu.memory_space<vmem>>) target(%dma_start3A_265 : memref<625x16xf32, #tpu.memory_space<hbm>>) target_semaphore(%run_scoped3A : memref<!tpu.dma_semaphore, #tpu.memory_space<semaphore_mem>>)
        %dma_wait3A_266 = arith.constant 0 : i32
        %dma_wait3A_267 = tpu.memref_slice %arg8[%mul3A_261, %dma_wait3A_266] : memref<10000x16xf32, #tpu.memory_space<hbm>> -> memref<625x16xf32, #tpu.memory_space<hbm>>
        %dma_wait3A_268 = arith.constant 0 : i32
        %dma_wait3A_269 = tpu.memref_slice %arg8[%mul3A_261, %dma_wait3A_268] : memref<10000x16xf32, #tpu.memory_space<hbm>> -> memref<625x16xf32, #tpu.memory_space<hbm>>
        tpu.wait_dma2 semaphore(%run_scoped3A : memref<!tpu.dma_semaphore, #tpu.memory_space<semaphore_mem>>) src(%arg15 : memref<625x16xf32, #tpu.memory_space<vmem>>) dst(%dma_wait3A_269 : memref<625x16xf32, #tpu.memory_space<hbm>>)
        tpu.yield
      }) : () -> ()
    } else {
    }
    %dma_wait3A_119 = arith.constant 0 : i32
    %dma_wait3A_120 = arith.constant 0 : i32
    %dma_wait3A_121 = tpu.memref_slice %arg4[%add3A, %dma_wait3A_119, %dma_wait3A_120] : memref<32x20x500xi32, #tpu.memory_space<hbm>> -> memref<1x20x500xi32, #tpu.memory_space<hbm>>
    %dma_wait3A_122 = tpu.memref_squeeze %dma_wait3A_121 : memref<1x20x500xi32, #tpu.memory_space<hbm>> -> memref<20x500xi32, #tpu.memory_space<hbm>>
    %dma_wait3A_123 = arith.constant 0 : i32
    %dma_wait3A_124 = arith.constant 0 : i32
    %dma_wait3A_125 = tpu.memref_slice %arg4[%add3A, %dma_wait3A_123, %dma_wait3A_124] : memref<32x20x500xi32, #tpu.memory_space<hbm>> -> memref<1x20x500xi32, #tpu.memory_space<hbm>>
    %dma_wait3A_126 = tpu.memref_squeeze %dma_wait3A_125 : memref<1x20x500xi32, #tpu.memory_space<hbm>> -> memref<20x500xi32, #tpu.memory_space<hbm>>
    tpu.wait_dma2 semaphore(%arg23 : memref<!tpu.dma_semaphore, #tpu.memory_space<semaphore_mem>>) src(%dma_wait3A_126 : memref<20x500xi32, #tpu.memory_space<hbm>>) dst(%arg9 : memref<20x500xi32, #tpu.memory_space<vmem>>)
    %dma_wait3A_127 = arith.constant 0 : i32
    %dma_wait3A_128 = arith.constant 0 : i32
    %dma_wait3A_129 = tpu.memref_slice %arg5[%add3A, %dma_wait3A_127, %dma_wait3A_128] : memref<32x20x500xi32, #tpu.memory_space<hbm>> -> memref<1x20x500xi32, #tpu.memory_space<hbm>>
    %dma_wait3A_130 = tpu.memref_squeeze %dma_wait3A_129 : memref<1x20x500xi32, #tpu.memory_space<hbm>> -> memref<20x500xi32, #tpu.memory_space<hbm>>
    %dma_wait3A_131 = arith.constant 0 : i32
    %dma_wait3A_132 = arith.constant 0 : i32
    %dma_wait3A_133 = tpu.memref_slice %arg5[%add3A, %dma_wait3A_131, %dma_wait3A_132] : memref<32x20x500xi32, #tpu.memory_space<hbm>> -> memref<1x20x500xi32, #tpu.memory_space<hbm>>
    %dma_wait3A_134 = tpu.memref_squeeze %dma_wait3A_133 : memref<1x20x500xi32, #tpu.memory_space<hbm>> -> memref<20x500xi32, #tpu.memory_space<hbm>>
    tpu.wait_dma2 semaphore(%arg24 : memref<!tpu.dma_semaphore, #tpu.memory_space<semaphore_mem>>) src(%dma_wait3A_134 : memref<20x500xi32, #tpu.memory_space<hbm>>) dst(%arg10 : memref<20x500xi32, #tpu.memory_space<vmem>>)
    %barrier3A = arith.constant 0 : index
    tpu.barrier barrier_id(%barrier3A)
    %dma_start3A_135 = arith.constant 0 : i32
    %dma_start3A_136 = arith.constant 0 : i32
    %dma_start3A_137 = tpu.memref_slice %arg9[%dma_start3A_135, %dma_start3A_136] : memref<20x500xi32, #tpu.memory_space<vmem>> -> memref<1x500xi32, #tpu.memory_space<vmem>>
    %dma_start3A_138 = tpu.memref_squeeze %dma_start3A_137 : memref<1x500xi32, #tpu.memory_space<vmem>> -> memref<500xi32, #tpu.memory_space<vmem>>
    %dma_start3A_139 = arith.constant 0 : i32
    %dma_start3A_140 = arith.constant 0 : i32
    %dma_start3A_141 = tpu.memref_slice %arg21[%dma_start3A_139, %dma_start3A_140] : memref<10000x16xf32, #tpu.memory_space<vmem_shared>> -> memref<10000x16xf32, #tpu.memory_space<vmem_shared>>
    tpu.enqueue_indirect_dma source(%dma_start3A_141 : memref<10000x16xf32, #tpu.memory_space<vmem_shared>>) target(%arg17 : memref<500x16xf32, #tpu.memory_space<vmem>>) offsets(%dma_start3A_138 : memref<500xi32, #tpu.memory_space<vmem>>) semaphore(%arg23 : memref<!tpu.dma_semaphore, #tpu.memory_space<semaphore_mem>>)
    %dma_start3A_142 = arith.constant 1 : i32
    %dma_start3A_143 = arith.constant 0 : i32
    %dma_start3A_144 = tpu.memref_slice %arg9[%dma_start3A_142, %dma_start3A_143] : memref<20x500xi32, #tpu.memory_space<vmem>> -> memref<1x500xi32, #tpu.memory_space<vmem>>
    %dma_start3A_145 = tpu.memref_squeeze %dma_start3A_144 : memref<1x500xi32, #tpu.memory_space<vmem>> -> memref<500xi32, #tpu.memory_space<vmem>>
    %dma_start3A_146 = arith.constant 0 : i32
    %dma_start3A_147 = arith.constant 0 : i32
    %dma_start3A_148 = tpu.memref_slice %arg21[%dma_start3A_146, %dma_start3A_147] : memref<10000x16xf32, #tpu.memory_space<vmem_shared>> -> memref<10000x16xf32, #tpu.memory_space<vmem_shared>>
    tpu.enqueue_indirect_dma source(%dma_start3A_148 : memref<10000x16xf32, #tpu.memory_space<vmem_shared>>) target(%arg18 : memref<500x16xf32, #tpu.memory_space<vmem>>) offsets(%dma_start3A_145 : memref<500xi32, #tpu.memory_space<vmem>>) semaphore(%arg24 : memref<!tpu.dma_semaphore, #tpu.memory_space<semaphore_mem>>)
    %dma_start3A_149 = arith.constant 2 : i32
    %dma_start3A_150 = arith.constant 0 : i32
    %dma_start3A_151 = tpu.memref_slice %arg9[%dma_start3A_149, %dma_start3A_150] : memref<20x500xi32, #tpu.memory_space<vmem>> -> memref<1x500xi32, #tpu.memory_space<vmem>>
    %dma_start3A_152 = tpu.memref_squeeze %dma_start3A_151 : memref<1x500xi32, #tpu.memory_space<vmem>> -> memref<500xi32, #tpu.memory_space<vmem>>
    %dma_start3A_153 = arith.constant 0 : i32
    %dma_start3A_154 = arith.constant 0 : i32
    %dma_start3A_155 = tpu.memref_slice %arg21[%dma_start3A_153, %dma_start3A_154] : memref<10000x16xf32, #tpu.memory_space<vmem_shared>> -> memref<10000x16xf32, #tpu.memory_space<vmem_shared>>
    tpu.enqueue_indirect_dma source(%dma_start3A_155 : memref<10000x16xf32, #tpu.memory_space<vmem_shared>>) target(%arg19 : memref<500x16xf32, #tpu.memory_space<vmem>>) offsets(%dma_start3A_152 : memref<500xi32, #tpu.memory_space<vmem>>) semaphore(%arg25 : memref<!tpu.dma_semaphore, #tpu.memory_space<semaphore_mem>>)
    %dma_start3A_156 = arith.constant 3 : i32
    %dma_start3A_157 = arith.constant 0 : i32
    %dma_start3A_158 = tpu.memref_slice %arg9[%dma_start3A_156, %dma_start3A_157] : memref<20x500xi32, #tpu.memory_space<vmem>> -> memref<1x500xi32, #tpu.memory_space<vmem>>
    %dma_start3A_159 = tpu.memref_squeeze %dma_start3A_158 : memref<1x500xi32, #tpu.memory_space<vmem>> -> memref<500xi32, #tpu.memory_space<vmem>>
    %dma_start3A_160 = arith.constant 0 : i32
    %dma_start3A_161 = arith.constant 0 : i32
    %dma_start3A_162 = tpu.memref_slice %arg21[%dma_start3A_160, %dma_start3A_161] : memref<10000x16xf32, #tpu.memory_space<vmem_shared>> -> memref<10000x16xf32, #tpu.memory_space<vmem_shared>>
    tpu.enqueue_indirect_dma source(%dma_start3A_162 : memref<10000x16xf32, #tpu.memory_space<vmem_shared>>) target(%arg20 : memref<500x16xf32, #tpu.memory_space<vmem>>) offsets(%dma_start3A_159 : memref<500xi32, #tpu.memory_space<vmem>>) semaphore(%arg26 : memref<!tpu.dma_semaphore, #tpu.memory_space<semaphore_mem>>)
    %scan3A_163 = arith.constant 0 : i32
    %scan3A_164 = arith.constant 0 : i32
    %scan3A_165 = arith.constant 4 : i32
    %scan3A_166 = arith.addi %scan3A_164, %scan3A_165 : i32
    %scan3A_167 = arith.constant 1 : i32
    scf.for %scan3A_258 = %scan3A_164 to %scan3A_166 step %scan3A_167  : i32 {
      %mul3A_259 = arith.constant 4 : i32
      %mul3A_260 = arith.muli %mul3A_259, %scan3A_258 : i32
      %add3A_261 = arith.constant 0 : i32
      %add3A_262 = arith.addi %mul3A_260, %add3A_261 : i32
      %dma_wait3A_263 = arith.constant 0 : i32
      %dma_wait3A_264 = tpu.memref_slice %arg9[%add3A_262, %dma_wait3A_263] : memref<20x500xi32, #tpu.memory_space<vmem>> -> memref<1x500xi32, #tpu.memory_space<vmem>>
      %dma_wait3A_265 = tpu.memref_squeeze %dma_wait3A_264 : memref<1x500xi32, #tpu.memory_space<vmem>> -> memref<500xi32, #tpu.memory_space<vmem>>
      %dma_wait3A_266 = arith.constant 0 : i32
      %dma_wait3A_267 = arith.constant 0 : i32
      %dma_wait3A_268 = tpu.memref_slice %arg21[%dma_wait3A_266, %dma_wait3A_267] : memref<10000x16xf32, #tpu.memory_space<vmem_shared>> -> memref<10000x16xf32, #tpu.memory_space<vmem_shared>>
      tpu.wait_indirect_dma semaphore(%arg23 : memref<!tpu.dma_semaphore, #tpu.memory_space<semaphore_mem>>) src(%dma_wait3A_268 : memref<10000x16xf32, #tpu.memory_space<vmem_shared>>) dst(%arg17 : memref<500x16xf32, #tpu.memory_space<vmem>>)
      %dma_start3A_269 = arith.constant 0 : i32
      %dma_start3A_270 = tpu.memref_slice %arg10[%add3A_262, %dma_start3A_269] : memref<20x500xi32, #tpu.memory_space<vmem>> -> memref<1x500xi32, #tpu.memory_space<vmem>>
      %dma_start3A_271 = tpu.memref_squeeze %dma_start3A_270 : memref<1x500xi32, #tpu.memory_space<vmem>> -> memref<500xi32, #tpu.memory_space<vmem>>
      %dma_start3A_272 = arith.constant 0 : i32
      %dma_start3A_273 = arith.constant 0 : i32
      %dma_start3A_274 = tpu.memref_slice %arg22[%dma_start3A_272, %dma_start3A_273] : memref<10000x16xf32, #tpu.memory_space<vmem_shared>> -> memref<10000x16xf32, #tpu.memory_space<vmem_shared>>
      tpu.enqueue_indirect_dma source(%arg17 : memref<500x16xf32, #tpu.memory_space<vmem>>) target(%dma_start3A_274 : memref<10000x16xf32, #tpu.memory_space<vmem_shared>>) offsets(%dma_start3A_271 : memref<500xi32, #tpu.memory_space<vmem>>) semaphore(%arg27 : memref<!tpu.dma_semaphore, #tpu.memory_space<semaphore_mem>>) {add = true}
      %mul3A_275 = arith.constant 4 : i32
      %mul3A_276 = arith.muli %mul3A_275, %scan3A_258 : i32
      %add3A_277 = arith.constant 1 : i32
      %add3A_278 = arith.addi %mul3A_276, %add3A_277 : i32
      %dma_wait3A_279 = arith.constant 0 : i32
      %dma_wait3A_280 = tpu.memref_slice %arg9[%add3A_278, %dma_wait3A_279] : memref<20x500xi32, #tpu.memory_space<vmem>> -> memref<1x500xi32, #tpu.memory_space<vmem>>
      %dma_wait3A_281 = tpu.memref_squeeze %dma_wait3A_280 : memref<1x500xi32, #tpu.memory_space<vmem>> -> memref<500xi32, #tpu.memory_space<vmem>>
      %dma_wait3A_282 = arith.constant 0 : i32
      %dma_wait3A_283 = arith.constant 0 : i32
      %dma_wait3A_284 = tpu.memref_slice %arg21[%dma_wait3A_282, %dma_wait3A_283] : memref<10000x16xf32, #tpu.memory_space<vmem_shared>> -> memref<10000x16xf32, #tpu.memory_space<vmem_shared>>
      tpu.wait_indirect_dma semaphore(%arg24 : memref<!tpu.dma_semaphore, #tpu.memory_space<semaphore_mem>>) src(%dma_wait3A_284 : memref<10000x16xf32, #tpu.memory_space<vmem_shared>>) dst(%arg18 : memref<500x16xf32, #tpu.memory_space<vmem>>)
      %dma_start3A_285 = arith.constant 0 : i32
      %dma_start3A_286 = tpu.memref_slice %arg10[%add3A_278, %dma_start3A_285] : memref<20x500xi32, #tpu.memory_space<vmem>> -> memref<1x500xi32, #tpu.memory_space<vmem>>
      %dma_start3A_287 = tpu.memref_squeeze %dma_start3A_286 : memref<1x500xi32, #tpu.memory_space<vmem>> -> memref<500xi32, #tpu.memory_space<vmem>>
      %dma_start3A_288 = arith.constant 0 : i32
      %dma_start3A_289 = arith.constant 0 : i32
      %dma_start3A_290 = tpu.memref_slice %arg22[%dma_start3A_288, %dma_start3A_289] : memref<10000x16xf32, #tpu.memory_space<vmem_shared>> -> memref<10000x16xf32, #tpu.memory_space<vmem_shared>>
      tpu.enqueue_indirect_dma source(%arg18 : memref<500x16xf32, #tpu.memory_space<vmem>>) target(%dma_start3A_290 : memref<10000x16xf32, #tpu.memory_space<vmem_shared>>) offsets(%dma_start3A_287 : memref<500xi32, #tpu.memory_space<vmem>>) semaphore(%arg28 : memref<!tpu.dma_semaphore, #tpu.memory_space<semaphore_mem>>) {add = true}
      %mul3A_291 = arith.constant 4 : i32
      %mul3A_292 = arith.muli %mul3A_291, %scan3A_258 : i32
      %add3A_293 = arith.constant 2 : i32
      %add3A_294 = arith.addi %mul3A_292, %add3A_293 : i32
      %dma_wait3A_295 = arith.constant 0 : i32
      %dma_wait3A_296 = tpu.memref_slice %arg9[%add3A_294, %dma_wait3A_295] : memref<20x500xi32, #tpu.memory_space<vmem>> -> memref<1x500xi32, #tpu.memory_space<vmem>>
      %dma_wait3A_297 = tpu.memref_squeeze %dma_wait3A_296 : memref<1x500xi32, #tpu.memory_space<vmem>> -> memref<500xi32, #tpu.memory_space<vmem>>
      %dma_wait3A_298 = arith.constant 0 : i32
      %dma_wait3A_299 = arith.constant 0 : i32
      %dma_wait3A_300 = tpu.memref_slice %arg21[%dma_wait3A_298, %dma_wait3A_299] : memref<10000x16xf32, #tpu.memory_space<vmem_shared>> -> memref<10000x16xf32, #tpu.memory_space<vmem_shared>>
      tpu.wait_indirect_dma semaphore(%arg25 : memref<!tpu.dma_semaphore, #tpu.memory_space<semaphore_mem>>) src(%dma_wait3A_300 : memref<10000x16xf32, #tpu.memory_space<vmem_shared>>) dst(%arg19 : memref<500x16xf32, #tpu.memory_space<vmem>>)
      %dma_start3A_301 = arith.constant 0 : i32
      %dma_start3A_302 = tpu.memref_slice %arg10[%add3A_294, %dma_start3A_301] : memref<20x500xi32, #tpu.memory_space<vmem>> -> memref<1x500xi32, #tpu.memory_space<vmem>>
      %dma_start3A_303 = tpu.memref_squeeze %dma_start3A_302 : memref<1x500xi32, #tpu.memory_space<vmem>> -> memref<500xi32, #tpu.memory_space<vmem>>
      %dma_start3A_304 = arith.constant 0 : i32
      %dma_start3A_305 = arith.constant 0 : i32
      %dma_start3A_306 = tpu.memref_slice %arg22[%dma_start3A_304, %dma_start3A_305] : memref<10000x16xf32, #tpu.memory_space<vmem_shared>> -> memref<10000x16xf32, #tpu.memory_space<vmem_shared>>
      tpu.enqueue_indirect_dma source(%arg19 : memref<500x16xf32, #tpu.memory_space<vmem>>) target(%dma_start3A_306 : memref<10000x16xf32, #tpu.memory_space<vmem_shared>>) offsets(%dma_start3A_303 : memref<500xi32, #tpu.memory_space<vmem>>) semaphore(%arg29 : memref<!tpu.dma_semaphore, #tpu.memory_space<semaphore_mem>>) {add = true}
      %mul3A_307 = arith.constant 4 : i32
      %mul3A_308 = arith.muli %mul3A_307, %scan3A_258 : i32
      %add3A_309 = arith.constant 3 : i32
      %add3A_310 = arith.addi %mul3A_308, %add3A_309 : i32
      %dma_wait3A_311 = arith.constant 0 : i32
      %dma_wait3A_312 = tpu.memref_slice %arg9[%add3A_310, %dma_wait3A_311] : memref<20x500xi32, #tpu.memory_space<vmem>> -> memref<1x500xi32, #tpu.memory_space<vmem>>
      %dma_wait3A_313 = tpu.memref_squeeze %dma_wait3A_312 : memref<1x500xi32, #tpu.memory_space<vmem>> -> memref<500xi32, #tpu.memory_space<vmem>>
      %dma_wait3A_314 = arith.constant 0 : i32
      %dma_wait3A_315 = arith.constant 0 : i32
      %dma_wait3A_316 = tpu.memref_slice %arg21[%dma_wait3A_314, %dma_wait3A_315] : memref<10000x16xf32, #tpu.memory_space<vmem_shared>> -> memref<10000x16xf32, #tpu.memory_space<vmem_shared>>
      tpu.wait_indirect_dma semaphore(%arg26 : memref<!tpu.dma_semaphore, #tpu.memory_space<semaphore_mem>>) src(%dma_wait3A_316 : memref<10000x16xf32, #tpu.memory_space<vmem_shared>>) dst(%arg20 : memref<500x16xf32, #tpu.memory_space<vmem>>)
      %dma_start3A_317 = arith.constant 0 : i32
      %dma_start3A_318 = tpu.memref_slice %arg10[%add3A_310, %dma_start3A_317] : memref<20x500xi32, #tpu.memory_space<vmem>> -> memref<1x500xi32, #tpu.memory_space<vmem>>
      %dma_start3A_319 = tpu.memref_squeeze %dma_start3A_318 : memref<1x500xi32, #tpu.memory_space<vmem>> -> memref<500xi32, #tpu.memory_space<vmem>>
      %dma_start3A_320 = arith.constant 0 : i32
      %dma_start3A_321 = arith.constant 0 : i32
      %dma_start3A_322 = tpu.memref_slice %arg22[%dma_start3A_320, %dma_start3A_321] : memref<10000x16xf32, #tpu.memory_space<vmem_shared>> -> memref<10000x16xf32, #tpu.memory_space<vmem_shared>>
      tpu.enqueue_indirect_dma source(%arg20 : memref<500x16xf32, #tpu.memory_space<vmem>>) target(%dma_start3A_322 : memref<10000x16xf32, #tpu.memory_space<vmem_shared>>) offsets(%dma_start3A_319 : memref<500xi32, #tpu.memory_space<vmem>>) semaphore(%arg30 : memref<!tpu.dma_semaphore, #tpu.memory_space<semaphore_mem>>) {add = true}
      %mul3A_323 = arith.constant 4 : i32
      %mul3A_324 = arith.muli %mul3A_323, %scan3A_258 : i32
      %add3A_325 = arith.constant 0 : i32
      %add3A_326 = arith.addi %mul3A_324, %add3A_325 : i32
      %dma_wait3A_327 = arith.constant 0 : i32
      %dma_wait3A_328 = tpu.memref_slice %arg10[%add3A_326, %dma_wait3A_327] : memref<20x500xi32, #tpu.memory_space<vmem>> -> memref<1x500xi32, #tpu.memory_space<vmem>>
      %dma_wait3A_329 = tpu.memref_squeeze %dma_wait3A_328 : memref<1x500xi32, #tpu.memory_space<vmem>> -> memref<500xi32, #tpu.memory_space<vmem>>
      %dma_wait3A_330 = arith.constant 0 : i32
      %dma_wait3A_331 = arith.constant 0 : i32
      %dma_wait3A_332 = tpu.memref_slice %arg22[%dma_wait3A_330, %dma_wait3A_331] : memref<10000x16xf32, #tpu.memory_space<vmem_shared>> -> memref<10000x16xf32, #tpu.memory_space<vmem_shared>>
      tpu.wait_indirect_dma semaphore(%arg27 : memref<!tpu.dma_semaphore, #tpu.memory_space<semaphore_mem>>) src(%arg17 : memref<500x16xf32, #tpu.memory_space<vmem>>) dst(%dma_wait3A_332 : memref<10000x16xf32, #tpu.memory_space<vmem_shared>>)
      %add3A_333 = arith.constant 4 : i32
      %add3A_334 = arith.addi %add3A_326, %add3A_333 : i32
      %dma_start3A_335 = arith.constant 0 : i32
      %dma_start3A_336 = tpu.memref_slice %arg9[%add3A_334, %dma_start3A_335] : memref<20x500xi32, #tpu.memory_space<vmem>> -> memref<1x500xi32, #tpu.memory_space<vmem>>
      %dma_start3A_337 = tpu.memref_squeeze %dma_start3A_336 : memref<1x500xi32, #tpu.memory_space<vmem>> -> memref<500xi32, #tpu.memory_space<vmem>>
      %dma_start3A_338 = arith.constant 0 : i32
      %dma_start3A_339 = arith.constant 0 : i32
      %dma_start3A_340 = tpu.memref_slice %arg21[%dma_start3A_338, %dma_start3A_339] : memref<10000x16xf32, #tpu.memory_space<vmem_shared>> -> memref<10000x16xf32, #tpu.memory_space<vmem_shared>>
      tpu.enqueue_indirect_dma source(%dma_start3A_340 : memref<10000x16xf32, #tpu.memory_space<vmem_shared>>) target(%arg17 : memref<500x16xf32, #tpu.memory_space<vmem>>) offsets(%dma_start3A_337 : memref<500xi32, #tpu.memory_space<vmem>>) semaphore(%arg23 : memref<!tpu.dma_semaphore, #tpu.memory_space<semaphore_mem>>)
      %mul3A_341 = arith.constant 4 : i32
      %mul3A_342 = arith.muli %mul3A_341, %scan3A_258 : i32
      %add3A_343 = arith.constant 1 : i32
      %add3A_344 = arith.addi %mul3A_342, %add3A_343 : i32
      %dma_wait3A_345 = arith.constant 0 : i32
      %dma_wait3A_346 = tpu.memref_slice %arg10[%add3A_344, %dma_wait3A_345] : memref<20x500xi32, #tpu.memory_space<vmem>> -> memref<1x500xi32, #tpu.memory_space<vmem>>
      %dma_wait3A_347 = tpu.memref_squeeze %dma_wait3A_346 : memref<1x500xi32, #tpu.memory_space<vmem>> -> memref<500xi32, #tpu.memory_space<vmem>>
      %dma_wait3A_348 = arith.constant 0 : i32
      %dma_wait3A_349 = arith.constant 0 : i32
      %dma_wait3A_350 = tpu.memref_slice %arg22[%dma_wait3A_348, %dma_wait3A_349] : memref<10000x16xf32, #tpu.memory_space<vmem_shared>> -> memref<10000x16xf32, #tpu.memory_space<vmem_shared>>
      tpu.wait_indirect_dma semaphore(%arg28 : memref<!tpu.dma_semaphore, #tpu.memory_space<semaphore_mem>>) src(%arg18 : memref<500x16xf32, #tpu.memory_space<vmem>>) dst(%dma_wait3A_350 : memref<10000x16xf32, #tpu.memory_space<vmem_shared>>)
      %add3A_351 = arith.constant 4 : i32
      %add3A_352 = arith.addi %add3A_344, %add3A_351 : i32
      %dma_start3A_353 = arith.constant 0 : i32
      %dma_start3A_354 = tpu.memref_slice %arg9[%add3A_352, %dma_start3A_353] : memref<20x500xi32, #tpu.memory_space<vmem>> -> memref<1x500xi32, #tpu.memory_space<vmem>>
      %dma_start3A_355 = tpu.memref_squeeze %dma_start3A_354 : memref<1x500xi32, #tpu.memory_space<vmem>> -> memref<500xi32, #tpu.memory_space<vmem>>
      %dma_start3A_356 = arith.constant 0 : i32
      %dma_start3A_357 = arith.constant 0 : i32
      %dma_start3A_358 = tpu.memref_slice %arg21[%dma_start3A_356, %dma_start3A_357] : memref<10000x16xf32, #tpu.memory_space<vmem_shared>> -> memref<10000x16xf32, #tpu.memory_space<vmem_shared>>
      tpu.enqueue_indirect_dma source(%dma_start3A_358 : memref<10000x16xf32, #tpu.memory_space<vmem_shared>>) target(%arg18 : memref<500x16xf32, #tpu.memory_space<vmem>>) offsets(%dma_start3A_355 : memref<500xi32, #tpu.memory_space<vmem>>) semaphore(%arg24 : memref<!tpu.dma_semaphore, #tpu.memory_space<semaphore_mem>>)
      %mul3A_359 = arith.constant 4 : i32
      %mul3A_360 = arith.muli %mul3A_359, %scan3A_258 : i32
      %add3A_361 = arith.constant 2 : i32
      %add3A_362 = arith.addi %mul3A_360, %add3A_361 : i32
      %dma_wait3A_363 = arith.constant 0 : i32
      %dma_wait3A_364 = tpu.memref_slice %arg10[%add3A_362, %dma_wait3A_363] : memref<20x500xi32, #tpu.memory_space<vmem>> -> memref<1x500xi32, #tpu.memory_space<vmem>>
      %dma_wait3A_365 = tpu.memref_squeeze %dma_wait3A_364 : memref<1x500xi32, #tpu.memory_space<vmem>> -> memref<500xi32, #tpu.memory_space<vmem>>
      %dma_wait3A_366 = arith.constant 0 : i32
      %dma_wait3A_367 = arith.constant 0 : i32
      %dma_wait3A_368 = tpu.memref_slice %arg22[%dma_wait3A_366, %dma_wait3A_367] : memref<10000x16xf32, #tpu.memory_space<vmem_shared>> -> memref<10000x16xf32, #tpu.memory_space<vmem_shared>>
      tpu.wait_indirect_dma semaphore(%arg29 : memref<!tpu.dma_semaphore, #tpu.memory_space<semaphore_mem>>) src(%arg19 : memref<500x16xf32, #tpu.memory_space<vmem>>) dst(%dma_wait3A_368 : memref<10000x16xf32, #tpu.memory_space<vmem_shared>>)
      %add3A_369 = arith.constant 4 : i32
      %add3A_370 = arith.addi %add3A_362, %add3A_369 : i32
      %dma_start3A_371 = arith.constant 0 : i32
      %dma_start3A_372 = tpu.memref_slice %arg9[%add3A_370, %dma_start3A_371] : memref<20x500xi32, #tpu.memory_space<vmem>> -> memref<1x500xi32, #tpu.memory_space<vmem>>
      %dma_start3A_373 = tpu.memref_squeeze %dma_start3A_372 : memref<1x500xi32, #tpu.memory_space<vmem>> -> memref<500xi32, #tpu.memory_space<vmem>>
      %dma_start3A_374 = arith.constant 0 : i32
      %dma_start3A_375 = arith.constant 0 : i32
      %dma_start3A_376 = tpu.memref_slice %arg21[%dma_start3A_374, %dma_start3A_375] : memref<10000x16xf32, #tpu.memory_space<vmem_shared>> -> memref<10000x16xf32, #tpu.memory_space<vmem_shared>>
      tpu.enqueue_indirect_dma source(%dma_start3A_376 : memref<10000x16xf32, #tpu.memory_space<vmem_shared>>) target(%arg19 : memref<500x16xf32, #tpu.memory_space<vmem>>) offsets(%dma_start3A_373 : memref<500xi32, #tpu.memory_space<vmem>>) semaphore(%arg25 : memref<!tpu.dma_semaphore, #tpu.memory_space<semaphore_mem>>)
      %mul3A_377 = arith.constant 4 : i32
      %mul3A_378 = arith.muli %mul3A_377, %scan3A_258 : i32
      %add3A_379 = arith.constant 3 : i32
      %add3A_380 = arith.addi %mul3A_378, %add3A_379 : i32
      %dma_wait3A_381 = arith.constant 0 : i32
      %dma_wait3A_382 = tpu.memref_slice %arg10[%add3A_380, %dma_wait3A_381] : memref<20x500xi32, #tpu.memory_space<vmem>> -> memref<1x500xi32, #tpu.memory_space<vmem>>
      %dma_wait3A_383 = tpu.memref_squeeze %dma_wait3A_382 : memref<1x500xi32, #tpu.memory_space<vmem>> -> memref<500xi32, #tpu.memory_space<vmem>>
      %dma_wait3A_384 = arith.constant 0 : i32
      %dma_wait3A_385 = arith.constant 0 : i32
      %dma_wait3A_386 = tpu.memref_slice %arg22[%dma_wait3A_384, %dma_wait3A_385] : memref<10000x16xf32, #tpu.memory_space<vmem_shared>> -> memref<10000x16xf32, #tpu.memory_space<vmem_shared>>
      tpu.wait_indirect_dma semaphore(%arg30 : memref<!tpu.dma_semaphore, #tpu.memory_space<semaphore_mem>>) src(%arg20 : memref<500x16xf32, #tpu.memory_space<vmem>>) dst(%dma_wait3A_386 : memref<10000x16xf32, #tpu.memory_space<vmem_shared>>)
      %add3A_387 = arith.constant 4 : i32
      %add3A_388 = arith.addi %add3A_380, %add3A_387 : i32
      %dma_start3A_389 = arith.constant 0 : i32
      %dma_start3A_390 = tpu.memref_slice %arg9[%add3A_388, %dma_start3A_389] : memref<20x500xi32, #tpu.memory_space<vmem>> -> memref<1x500xi32, #tpu.memory_space<vmem>>
      %dma_start3A_391 = tpu.memref_squeeze %dma_start3A_390 : memref<1x500xi32, #tpu.memory_space<vmem>> -> memref<500xi32, #tpu.memory_space<vmem>>
      %dma_start3A_392 = arith.constant 0 : i32
      %dma_start3A_393 = arith.constant 0 : i32
      %dma_start3A_394 = tpu.memref_slice %arg21[%dma_start3A_392, %dma_start3A_393] : memref<10000x16xf32, #tpu.memory_space<vmem_shared>> -> memref<10000x16xf32, #tpu.memory_space<vmem_shared>>
      tpu.enqueue_indirect_dma source(%dma_start3A_394 : memref<10000x16xf32, #tpu.memory_space<vmem_shared>>) target(%arg20 : memref<500x16xf32, #tpu.memory_space<vmem>>) offsets(%dma_start3A_391 : memref<500xi32, #tpu.memory_space<vmem>>) semaphore(%arg26 : memref<!tpu.dma_semaphore, #tpu.memory_space<semaphore_mem>>)
    }
    %scan3A_168 = arith.constant 4 : i32
    %dma_wait3A_169 = arith.constant 16 : i32
    %dma_wait3A_170 = arith.constant 0 : i32
    %dma_wait3A_171 = tpu.memref_slice %arg9[%dma_wait3A_169, %dma_wait3A_170] : memref<20x500xi32, #tpu.memory_space<vmem>> -> memref<1x500xi32, #tpu.memory_space<vmem>>
    %dma_wait3A_172 = tpu.memref_squeeze %dma_wait3A_171 : memref<1x500xi32, #tpu.memory_space<vmem>> -> memref<500xi32, #tpu.memory_space<vmem>>
    %dma_wait3A_173 = arith.constant 0 : i32
    %dma_wait3A_174 = arith.constant 0 : i32
    %dma_wait3A_175 = tpu.memref_slice %arg21[%dma_wait3A_173, %dma_wait3A_174] : memref<10000x16xf32, #tpu.memory_space<vmem_shared>> -> memref<10000x16xf32, #tpu.memory_space<vmem_shared>>
    tpu.wait_indirect_dma semaphore(%arg23 : memref<!tpu.dma_semaphore, #tpu.memory_space<semaphore_mem>>) src(%dma_wait3A_175 : memref<10000x16xf32, #tpu.memory_space<vmem_shared>>) dst(%arg17 : memref<500x16xf32, #tpu.memory_space<vmem>>)
    %dma_start3A_176 = arith.constant 16 : i32
    %dma_start3A_177 = arith.constant 0 : i32
    %dma_start3A_178 = tpu.memref_slice %arg10[%dma_start3A_176, %dma_start3A_177] : memref<20x500xi32, #tpu.memory_space<vmem>> -> memref<1x500xi32, #tpu.memory_space<vmem>>
    %dma_start3A_179 = tpu.memref_squeeze %dma_start3A_178 : memref<1x500xi32, #tpu.memory_space<vmem>> -> memref<500xi32, #tpu.memory_space<vmem>>
    %dma_start3A_180 = arith.constant 0 : i32
    %dma_start3A_181 = arith.constant 0 : i32
    %dma_start3A_182 = tpu.memref_slice %arg22[%dma_start3A_180, %dma_start3A_181] : memref<10000x16xf32, #tpu.memory_space<vmem_shared>> -> memref<10000x16xf32, #tpu.memory_space<vmem_shared>>
    tpu.enqueue_indirect_dma source(%arg17 : memref<500x16xf32, #tpu.memory_space<vmem>>) target(%dma_start3A_182 : memref<10000x16xf32, #tpu.memory_space<vmem_shared>>) offsets(%dma_start3A_179 : memref<500xi32, #tpu.memory_space<vmem>>) semaphore(%arg27 : memref<!tpu.dma_semaphore, #tpu.memory_space<semaphore_mem>>) {add = true}
    %dma_wait3A_183 = arith.constant 17 : i32
    %dma_wait3A_184 = arith.constant 0 : i32
    %dma_wait3A_185 = tpu.memref_slice %arg9[%dma_wait3A_183, %dma_wait3A_184] : memref<20x500xi32, #tpu.memory_space<vmem>> -> memref<1x500xi32, #tpu.memory_space<vmem>>
    %dma_wait3A_186 = tpu.memref_squeeze %dma_wait3A_185 : memref<1x500xi32, #tpu.memory_space<vmem>> -> memref<500xi32, #tpu.memory_space<vmem>>
    %dma_wait3A_187 = arith.constant 0 : i32
    %dma_wait3A_188 = arith.constant 0 : i32
    %dma_wait3A_189 = tpu.memref_slice %arg21[%dma_wait3A_187, %dma_wait3A_188] : memref<10000x16xf32, #tpu.memory_space<vmem_shared>> -> memref<10000x16xf32, #tpu.memory_space<vmem_shared>>
    tpu.wait_indirect_dma semaphore(%arg24 : memref<!tpu.dma_semaphore, #tpu.memory_space<semaphore_mem>>) src(%dma_wait3A_189 : memref<10000x16xf32, #tpu.memory_space<vmem_shared>>) dst(%arg18 : memref<500x16xf32, #tpu.memory_space<vmem>>)
    %dma_start3A_190 = arith.constant 17 : i32
    %dma_start3A_191 = arith.constant 0 : i32
    %dma_start3A_192 = tpu.memref_slice %arg10[%dma_start3A_190, %dma_start3A_191] : memref<20x500xi32, #tpu.memory_space<vmem>> -> memref<1x500xi32, #tpu.memory_space<vmem>>
    %dma_start3A_193 = tpu.memref_squeeze %dma_start3A_192 : memref<1x500xi32, #tpu.memory_space<vmem>> -> memref<500xi32, #tpu.memory_space<vmem>>
    %dma_start3A_194 = arith.constant 0 : i32
    %dma_start3A_195 = arith.constant 0 : i32
    %dma_start3A_196 = tpu.memref_slice %arg22[%dma_start3A_194, %dma_start3A_195] : memref<10000x16xf32, #tpu.memory_space<vmem_shared>> -> memref<10000x16xf32, #tpu.memory_space<vmem_shared>>
    tpu.enqueue_indirect_dma source(%arg18 : memref<500x16xf32, #tpu.memory_space<vmem>>) target(%dma_start3A_196 : memref<10000x16xf32, #tpu.memory_space<vmem_shared>>) offsets(%dma_start3A_193 : memref<500xi32, #tpu.memory_space<vmem>>) semaphore(%arg28 : memref<!tpu.dma_semaphore, #tpu.memory_space<semaphore_mem>>) {add = true}
    %dma_wait3A_197 = arith.constant 18 : i32
    %dma_wait3A_198 = arith.constant 0 : i32
    %dma_wait3A_199 = tpu.memref_slice %arg9[%dma_wait3A_197, %dma_wait3A_198] : memref<20x500xi32, #tpu.memory_space<vmem>> -> memref<1x500xi32, #tpu.memory_space<vmem>>
    %dma_wait3A_200 = tpu.memref_squeeze %dma_wait3A_199 : memref<1x500xi32, #tpu.memory_space<vmem>> -> memref<500xi32, #tpu.memory_space<vmem>>
    %dma_wait3A_201 = arith.constant 0 : i32
    %dma_wait3A_202 = arith.constant 0 : i32
    %dma_wait3A_203 = tpu.memref_slice %arg21[%dma_wait3A_201, %dma_wait3A_202] : memref<10000x16xf32, #tpu.memory_space<vmem_shared>> -> memref<10000x16xf32, #tpu.memory_space<vmem_shared>>
    tpu.wait_indirect_dma semaphore(%arg25 : memref<!tpu.dma_semaphore, #tpu.memory_space<semaphore_mem>>) src(%dma_wait3A_203 : memref<10000x16xf32, #tpu.memory_space<vmem_shared>>) dst(%arg19 : memref<500x16xf32, #tpu.memory_space<vmem>>)
    %dma_start3A_204 = arith.constant 18 : i32
    %dma_start3A_205 = arith.constant 0 : i32
    %dma_start3A_206 = tpu.memref_slice %arg10[%dma_start3A_204, %dma_start3A_205] : memref<20x500xi32, #tpu.memory_space<vmem>> -> memref<1x500xi32, #tpu.memory_space<vmem>>
    %dma_start3A_207 = tpu.memref_squeeze %dma_start3A_206 : memref<1x500xi32, #tpu.memory_space<vmem>> -> memref<500xi32, #tpu.memory_space<vmem>>
    %dma_start3A_208 = arith.constant 0 : i32
    %dma_start3A_209 = arith.constant 0 : i32
    %dma_start3A_210 = tpu.memref_slice %arg22[%dma_start3A_208, %dma_start3A_209] : memref<10000x16xf32, #tpu.memory_space<vmem_shared>> -> memref<10000x16xf32, #tpu.memory_space<vmem_shared>>
    tpu.enqueue_indirect_dma source(%arg19 : memref<500x16xf32, #tpu.memory_space<vmem>>) target(%dma_start3A_210 : memref<10000x16xf32, #tpu.memory_space<vmem_shared>>) offsets(%dma_start3A_207 : memref<500xi32, #tpu.memory_space<vmem>>) semaphore(%arg29 : memref<!tpu.dma_semaphore, #tpu.memory_space<semaphore_mem>>) {add = true}
    %dma_wait3A_211 = arith.constant 19 : i32
    %dma_wait3A_212 = arith.constant 0 : i32
    %dma_wait3A_213 = tpu.memref_slice %arg9[%dma_wait3A_211, %dma_wait3A_212] : memref<20x500xi32, #tpu.memory_space<vmem>> -> memref<1x500xi32, #tpu.memory_space<vmem>>
    %dma_wait3A_214 = tpu.memref_squeeze %dma_wait3A_213 : memref<1x500xi32, #tpu.memory_space<vmem>> -> memref<500xi32, #tpu.memory_space<vmem>>
    %dma_wait3A_215 = arith.constant 0 : i32
    %dma_wait3A_216 = arith.constant 0 : i32
    %dma_wait3A_217 = tpu.memref_slice %arg21[%dma_wait3A_215, %dma_wait3A_216] : memref<10000x16xf32, #tpu.memory_space<vmem_shared>> -> memref<10000x16xf32, #tpu.memory_space<vmem_shared>>
    tpu.wait_indirect_dma semaphore(%arg26 : memref<!tpu.dma_semaphore, #tpu.memory_space<semaphore_mem>>) src(%dma_wait3A_217 : memref<10000x16xf32, #tpu.memory_space<vmem_shared>>) dst(%arg20 : memref<500x16xf32, #tpu.memory_space<vmem>>)
    %dma_start3A_218 = arith.constant 19 : i32
    %dma_start3A_219 = arith.constant 0 : i32
    %dma_start3A_220 = tpu.memref_slice %arg10[%dma_start3A_218, %dma_start3A_219] : memref<20x500xi32, #tpu.memory_space<vmem>> -> memref<1x500xi32, #tpu.memory_space<vmem>>
    %dma_start3A_221 = tpu.memref_squeeze %dma_start3A_220 : memref<1x500xi32, #tpu.memory_space<vmem>> -> memref<500xi32, #tpu.memory_space<vmem>>
    %dma_start3A_222 = arith.constant 0 : i32
    %dma_start3A_223 = arith.constant 0 : i32
    %dma_start3A_224 = tpu.memref_slice %arg22[%dma_start3A_222, %dma_start3A_223] : memref<10000x16xf32, #tpu.memory_space<vmem_shared>> -> memref<10000x16xf32, #tpu.memory_space<vmem_shared>>
    tpu.enqueue_indirect_dma source(%arg20 : memref<500x16xf32, #tpu.memory_space<vmem>>) target(%dma_start3A_224 : memref<10000x16xf32, #tpu.memory_space<vmem_shared>>) offsets(%dma_start3A_221 : memref<500xi32, #tpu.memory_space<vmem>>) semaphore(%arg30 : memref<!tpu.dma_semaphore, #tpu.memory_space<semaphore_mem>>) {add = true}
    %dma_wait3A_225 = arith.constant 16 : i32
    %dma_wait3A_226 = arith.constant 0 : i32
    %dma_wait3A_227 = tpu.memref_slice %arg10[%dma_wait3A_225, %dma_wait3A_226] : memref<20x500xi32, #tpu.memory_space<vmem>> -> memref<1x500xi32, #tpu.memory_space<vmem>>
    %dma_wait3A_228 = tpu.memref_squeeze %dma_wait3A_227 : memref<1x500xi32, #tpu.memory_space<vmem>> -> memref<500xi32, #tpu.memory_space<vmem>>
    %dma_wait3A_229 = arith.constant 0 : i32
    %dma_wait3A_230 = arith.constant 0 : i32
    %dma_wait3A_231 = tpu.memref_slice %arg22[%dma_wait3A_229, %dma_wait3A_230] : memref<10000x16xf32, #tpu.memory_space<vmem_shared>> -> memref<10000x16xf32, #tpu.memory_space<vmem_shared>>
    tpu.wait_indirect_dma semaphore(%arg27 : memref<!tpu.dma_semaphore, #tpu.memory_space<semaphore_mem>>) src(%arg17 : memref<500x16xf32, #tpu.memory_space<vmem>>) dst(%dma_wait3A_231 : memref<10000x16xf32, #tpu.memory_space<vmem_shared>>)
    %dma_wait3A_232 = arith.constant 17 : i32
    %dma_wait3A_233 = arith.constant 0 : i32
    %dma_wait3A_234 = tpu.memref_slice %arg10[%dma_wait3A_232, %dma_wait3A_233] : memref<20x500xi32, #tpu.memory_space<vmem>> -> memref<1x500xi32, #tpu.memory_space<vmem>>
    %dma_wait3A_235 = tpu.memref_squeeze %dma_wait3A_234 : memref<1x500xi32, #tpu.memory_space<vmem>> -> memref<500xi32, #tpu.memory_space<vmem>>
    %dma_wait3A_236 = arith.constant 0 : i32
    %dma_wait3A_237 = arith.constant 0 : i32
    %dma_wait3A_238 = tpu.memref_slice %arg22[%dma_wait3A_236, %dma_wait3A_237] : memref<10000x16xf32, #tpu.memory_space<vmem_shared>> -> memref<10000x16xf32, #tpu.memory_space<vmem_shared>>
    tpu.wait_indirect_dma semaphore(%arg28 : memref<!tpu.dma_semaphore, #tpu.memory_space<semaphore_mem>>) src(%arg18 : memref<500x16xf32, #tpu.memory_space<vmem>>) dst(%dma_wait3A_238 : memref<10000x16xf32, #tpu.memory_space<vmem_shared>>)
    %dma_wait3A_239 = arith.constant 18 : i32
    %dma_wait3A_240 = arith.constant 0 : i32
    %dma_wait3A_241 = tpu.memref_slice %arg10[%dma_wait3A_239, %dma_wait3A_240] : memref<20x500xi32, #tpu.memory_space<vmem>> -> memref<1x500xi32, #tpu.memory_space<vmem>>
    %dma_wait3A_242 = tpu.memref_squeeze %dma_wait3A_241 : memref<1x500xi32, #tpu.memory_space<vmem>> -> memref<500xi32, #tpu.memory_space<vmem>>
    %dma_wait3A_243 = arith.constant 0 : i32
    %dma_wait3A_244 = arith.constant 0 : i32
    %dma_wait3A_245 = tpu.memref_slice %arg22[%dma_wait3A_243, %dma_wait3A_244] : memref<10000x16xf32, #tpu.memory_space<vmem_shared>> -> memref<10000x16xf32, #tpu.memory_space<vmem_shared>>
    tpu.wait_indirect_dma semaphore(%arg29 : memref<!tpu.dma_semaphore, #tpu.memory_space<semaphore_mem>>) src(%arg19 : memref<500x16xf32, #tpu.memory_space<vmem>>) dst(%dma_wait3A_245 : memref<10000x16xf32, #tpu.memory_space<vmem_shared>>)
    %dma_wait3A_246 = arith.constant 19 : i32
    %dma_wait3A_247 = arith.constant 0 : i32
    %dma_wait3A_248 = tpu.memref_slice %arg10[%dma_wait3A_246, %dma_wait3A_247] : memref<20x500xi32, #tpu.memory_space<vmem>> -> memref<1x500xi32, #tpu.memory_space<vmem>>
    %dma_wait3A_249 = tpu.memref_squeeze %dma_wait3A_248 : memref<1x500xi32, #tpu.memory_space<vmem>> -> memref<500xi32, #tpu.memory_space<vmem>>
    %dma_wait3A_250 = arith.constant 0 : i32
    %dma_wait3A_251 = arith.constant 0 : i32
    %dma_wait3A_252 = tpu.memref_slice %arg22[%dma_wait3A_250, %dma_wait3A_251] : memref<10000x16xf32, #tpu.memory_space<vmem_shared>> -> memref<10000x16xf32, #tpu.memory_space<vmem_shared>>
    tpu.wait_indirect_dma semaphore(%arg30 : memref<!tpu.dma_semaphore, #tpu.memory_space<semaphore_mem>>) src(%arg20 : memref<500x16xf32, #tpu.memory_space<vmem>>) dst(%dma_wait3A_252 : memref<10000x16xf32, #tpu.memory_space<vmem_shared>>)
    %barrier3A_253 = arith.constant 0 : index
    tpu.barrier barrier_id(%barrier3A_253)
    %mul3A_254 = arith.constant 625 : i32
    %mul3A_255 = arith.muli %arg1, %mul3A_254 : i32
    %mul3A_256 = arith.constant 625 : i32
    %mul3A_257 = arith.muli %arg1, %mul3A_256 : i32
    "tpu.region"() ({
      %run_scoped3A = tpu.sem_alloc : memref<!tpu.dma_semaphore, #tpu.memory_space<semaphore_mem>>
      %dma_start3A_258 = arith.constant 0 : i32
      %dma_start3A_259 = tpu.memref_slice %arg6[%arg0, %mul3A_257, %dma_start3A_258] : memref<2x10048x16xf32, #tpu.memory_space<hbm>> -> memref<1x625x16xf32, #tpu.memory_space<hbm>>
      %dma_start3A_260 = tpu.memref_squeeze %dma_start3A_259 : memref<1x625x16xf32, #tpu.memory_space<hbm>> -> memref<625x16xf32, #tpu.memory_space<hbm>>
      %dma_start3A_261 = arith.constant 0 : i32
      %dma_start3A_262 = tpu.memref_slice %arg22[%mul3A_255, %dma_start3A_261] : memref<10000x16xf32, #tpu.memory_space<vmem_shared>> -> memref<625x16xf32, #tpu.memory_space<vmem_shared>>
      tpu.enqueue_dma source(%dma_start3A_262 : memref<625x16xf32, #tpu.memory_space<vmem_shared>>) target(%dma_start3A_260 : memref<625x16xf32, #tpu.memory_space<hbm>>) target_semaphore(%run_scoped3A : memref<!tpu.dma_semaphore, #tpu.memory_space<semaphore_mem>>)
      %dma_wait3A_263 = arith.constant 0 : i32
      %dma_wait3A_264 = tpu.memref_slice %arg6[%arg0, %mul3A_257, %dma_wait3A_263] : memref<2x10048x16xf32, #tpu.memory_space<hbm>> -> memref<1x625x16xf32, #tpu.memory_space<hbm>>
      %dma_wait3A_265 = tpu.memref_squeeze %dma_wait3A_264 : memref<1x625x16xf32, #tpu.memory_space<hbm>> -> memref<625x16xf32, #tpu.memory_space<hbm>>
      %dma_wait3A_266 = arith.constant 0 : i32
      %dma_wait3A_267 = tpu.memref_slice %arg22[%mul3A_255, %dma_wait3A_266] : memref<10000x16xf32, #tpu.memory_space<vmem_shared>> -> memref<625x16xf32, #tpu.memory_space<vmem_shared>>
      tpu.wait_dma2 semaphore(%run_scoped3A : memref<!tpu.dma_semaphore, #tpu.memory_space<semaphore_mem>>) src(%dma_wait3A_267 : memref<625x16xf32, #tpu.memory_space<vmem_shared>>) dst(%dma_wait3A_265 : memref<625x16xf32, #tpu.memory_space<hbm>>)
      tpu.yield
    }) : () -> ()
    return
  }
}

#map = affine_map<(d0, d1) -> (0, 0, 0)>
module attributes {stable_mosaic.version = 14 : i64} {
  func.func @_deg_kernel(%arg0: i32, %arg1: i32, %arg2: memref<32x20x500xi32, #tpu.memory_space<hbm>>, %arg3: memref<2x16x625xf32, #tpu.memory_space<hbm>>, %arg4: memref<20x500xi32, #tpu.memory_space<vmem>>, %arg5: memref<500x16xf32, #tpu.memory_space<vmem>>, %arg6: memref<640x16xf32, #tpu.memory_space<vmem>>, %arg7: memref<640xf32, #tpu.memory_space<vmem>>, %arg8: memref<10000x16xf32, #tpu.memory_space<vmem_shared>>, %arg9: memref<!tpu.dma_semaphore, #tpu.memory_space<semaphore_mem>>, %arg10: memref<!tpu.dma_semaphore, #tpu.memory_space<semaphore_mem>>, %arg11: memref<!tpu.dma_semaphore, #tpu.memory_space<semaphore_mem>>, %arg12: memref<!tpu.dma_semaphore, #tpu.memory_space<semaphore_mem>>) attributes {dimension_semantics = [#tpu.dimension_semantics<core_parallel>, #tpu.dimension_semantics<subcore_parallel>], iteration_bounds = array<i64: 2, 16>, scalar_prefetch = 0 : i64, scratch_operands = 9 : i64, tpu.core_type = #tpu.core_type<sc_vector_subcore>, window_params = [{transform_indices = #map}, {transform_indices = #map}]} {
    %mul3A = arith.constant 2 : i32
    %mul3A_0 = arith.muli %arg1, %mul3A : i32
    %add3A = arith.addi %mul3A_0, %arg0 : i32
    %dma_start3A = arith.constant 0 : i32
    %dma_start3A_1 = arith.constant 0 : i32
    %dma_start3A_2 = tpu.memref_slice %arg2[%add3A, %dma_start3A, %dma_start3A_1] : memref<32x20x500xi32, #tpu.memory_space<hbm>> -> memref<1x20x500xi32, #tpu.memory_space<hbm>>
    %dma_start3A_3 = tpu.memref_squeeze %dma_start3A_2 : memref<1x20x500xi32, #tpu.memory_space<hbm>> -> memref<20x500xi32, #tpu.memory_space<hbm>>
    %dma_start3A_4 = arith.constant 0 : i32
    %dma_start3A_5 = arith.constant 0 : i32
    %dma_start3A_6 = tpu.memref_slice %arg2[%add3A, %dma_start3A_4, %dma_start3A_5] : memref<32x20x500xi32, #tpu.memory_space<hbm>> -> memref<1x20x500xi32, #tpu.memory_space<hbm>>
    %dma_start3A_7 = tpu.memref_squeeze %dma_start3A_6 : memref<1x20x500xi32, #tpu.memory_space<hbm>> -> memref<20x500xi32, #tpu.memory_space<hbm>>
    tpu.enqueue_dma source(%dma_start3A_7 : memref<20x500xi32, #tpu.memory_space<hbm>>) target(%arg4 : memref<20x500xi32, #tpu.memory_space<vmem>>) target_semaphore(%arg9 : memref<!tpu.dma_semaphore, #tpu.memory_space<semaphore_mem>>)
    %broadcast_in_dim3A = arith.constant 1.000000e+00 : f32
    %broadcast_in_dim3A_8 = vector.broadcast %broadcast_in_dim3A : f32 to vector<16xf32>
    %scan3A = arith.constant 0 : i32
    %scan3A_9 = arith.constant 0 : i32
    %scan3A_10 = arith.constant 500 : i32
    %scan3A_11 = arith.addi %scan3A_9, %scan3A_10 : i32
    %scan3A_12 = arith.constant 1 : i32
    scf.for %scan3A_104 = %scan3A_9 to %scan3A_11 step %scan3A_12  : i32 {
      %swap3A = arith.index_cast %scan3A_104 : i32 to index
      %swap3A_105 = arith.constant 0 : index
      %swap3A_106 = tpu.vector_load %arg5[%swap3A, %swap3A_105] {strides = array<i32>} : memref<500x16xf32, #tpu.memory_space<vmem>>, vector<16xf32>,
      tpu.vector_store %arg5[%swap3A, %swap3A_105], %broadcast_in_dim3A_8 {strides = array<i32>} : memref<500x16xf32, #tpu.memory_space<vmem>>, vector<16xf32>,
    }
    %scan3A_13 = arith.constant 500 : i32
    %broadcast_in_dim3A_14 = arith.constant 0.000000e+00 : f32
    %broadcast_in_dim3A_15 = vector.broadcast %broadcast_in_dim3A_14 : f32 to vector<16xf32>
    %scan3A_16 = arith.constant 0 : i32
    %scan3A_17 = arith.constant 0 : i32
    %scan3A_18 = arith.constant 625 : i32
    %scan3A_19 = arith.addi %scan3A_17, %scan3A_18 : i32
    %scan3A_20 = arith.constant 1 : i32
    scf.for %scan3A_104 = %scan3A_17 to %scan3A_19 step %scan3A_20  : i32 {
      %swap3A = arith.index_cast %scan3A_104 : i32 to index
      %swap3A_105 = arith.constant 0 : index
      %swap3A_106 = tpu.vector_load %arg6[%swap3A, %swap3A_105] {strides = array<i32>} : memref<640x16xf32, #tpu.memory_space<vmem>>, vector<16xf32>,
      tpu.vector_store %arg6[%swap3A, %swap3A_105], %broadcast_in_dim3A_15 {strides = array<i32>} : memref<640x16xf32, #tpu.memory_space<vmem>>, vector<16xf32>,
    }
    %scan3A_21 = arith.constant 625 : i32
    %mul3A_22 = arith.constant 625 : i32
    %mul3A_23 = arith.muli %arg1, %mul3A_22 : i32
    "tpu.region"() ({
      %run_scoped3A = tpu.sem_alloc : memref<!tpu.dma_semaphore, #tpu.memory_space<semaphore_mem>>
      %dma_start3A_104 = arith.constant 0 : i32
      %dma_start3A_105 = arith.constant 0 : i32
      %dma_start3A_106 = tpu.memref_slice %arg6[%dma_start3A_104, %dma_start3A_105] : memref<640x16xf32, #tpu.memory_space<vmem>> -> memref<625x16xf32, #tpu.memory_space<vmem>>
      %dma_start3A_107 = arith.constant 0 : i32
      %dma_start3A_108 = tpu.memref_slice %arg8[%mul3A_23, %dma_start3A_107] : memref<10000x16xf32, #tpu.memory_space<vmem_shared>> -> memref<625x16xf32, #tpu.memory_space<vmem_shared>>
      %dma_start3A_109 = arith.constant 0 : i32
      %dma_start3A_110 = tpu.memref_slice %arg8[%mul3A_23, %dma_start3A_109] : memref<10000x16xf32, #tpu.memory_space<vmem_shared>> -> memref<625x16xf32, #tpu.memory_space<vmem_shared>>
      %dma_start3A_111 = arith.constant 0 : i32
      %dma_start3A_112 = arith.constant 0 : i32
      %dma_start3A_113 = tpu.memref_slice %arg6[%dma_start3A_111, %dma_start3A_112] : memref<640x16xf32, #tpu.memory_space<vmem>> -> memref<625x16xf32, #tpu.memory_space<vmem>>
      tpu.enqueue_dma source(%dma_start3A_113 : memref<625x16xf32, #tpu.memory_space<vmem>>) target(%dma_start3A_110 : memref<625x16xf32, #tpu.memory_space<vmem_shared>>) target_semaphore(%run_scoped3A : memref<!tpu.dma_semaphore, #tpu.memory_space<semaphore_mem>>)
      %dma_wait3A_114 = arith.constant 0 : i32
      %dma_wait3A_115 = arith.constant 0 : i32
      %dma_wait3A_116 = tpu.memref_slice %arg6[%dma_wait3A_114, %dma_wait3A_115] : memref<640x16xf32, #tpu.memory_space<vmem>> -> memref<625x16xf32, #tpu.memory_space<vmem>>
      %dma_wait3A_117 = arith.constant 0 : i32
      %dma_wait3A_118 = tpu.memref_slice %arg8[%mul3A_23, %dma_wait3A_117] : memref<10000x16xf32, #tpu.memory_space<vmem_shared>> -> memref<625x16xf32, #tpu.memory_space<vmem_shared>>
      %dma_wait3A_119 = arith.constant 0 : i32
      %dma_wait3A_120 = tpu.memref_slice %arg8[%mul3A_23, %dma_wait3A_119] : memref<10000x16xf32, #tpu.memory_space<vmem_shared>> -> memref<625x16xf32, #tpu.memory_space<vmem_shared>>
      %dma_wait3A_121 = arith.constant 0 : i32
      %dma_wait3A_122 = arith.constant 0 : i32
      %dma_wait3A_123 = tpu.memref_slice %arg6[%dma_wait3A_121, %dma_wait3A_122] : memref<640x16xf32, #tpu.memory_space<vmem>> -> memref<625x16xf32, #tpu.memory_space<vmem>>
      tpu.wait_dma2 semaphore(%run_scoped3A : memref<!tpu.dma_semaphore, #tpu.memory_space<semaphore_mem>>) src(%dma_wait3A_123 : memref<625x16xf32, #tpu.memory_space<vmem>>) dst(%dma_wait3A_120 : memref<625x16xf32, #tpu.memory_space<vmem_shared>>)
      tpu.yield
    }) : () -> ()
    %dma_wait3A = arith.constant 0 : i32
    %dma_wait3A_24 = arith.constant 0 : i32
    %dma_wait3A_25 = tpu.memref_slice %arg2[%add3A, %dma_wait3A, %dma_wait3A_24] : memref<32x20x500xi32, #tpu.memory_space<hbm>> -> memref<1x20x500xi32, #tpu.memory_space<hbm>>
    %dma_wait3A_26 = tpu.memref_squeeze %dma_wait3A_25 : memref<1x20x500xi32, #tpu.memory_space<hbm>> -> memref<20x500xi32, #tpu.memory_space<hbm>>
    %dma_wait3A_27 = arith.constant 0 : i32
    %dma_wait3A_28 = arith.constant 0 : i32
    %dma_wait3A_29 = tpu.memref_slice %arg2[%add3A, %dma_wait3A_27, %dma_wait3A_28] : memref<32x20x500xi32, #tpu.memory_space<hbm>> -> memref<1x20x500xi32, #tpu.memory_space<hbm>>
    %dma_wait3A_30 = tpu.memref_squeeze %dma_wait3A_29 : memref<1x20x500xi32, #tpu.memory_space<hbm>> -> memref<20x500xi32, #tpu.memory_space<hbm>>
    tpu.wait_dma2 semaphore(%arg9 : memref<!tpu.dma_semaphore, #tpu.memory_space<semaphore_mem>>) src(%dma_wait3A_30 : memref<20x500xi32, #tpu.memory_space<hbm>>) dst(%arg4 : memref<20x500xi32, #tpu.memory_space<vmem>>)
    %barrier3A = arith.constant 0 : index
    tpu.barrier barrier_id(%barrier3A)
    %dma_start3A_31 = arith.constant 0 : i32
    %dma_start3A_32 = arith.constant 0 : i32
    %dma_start3A_33 = tpu.memref_slice %arg4[%dma_start3A_31, %dma_start3A_32] : memref<20x500xi32, #tpu.memory_space<vmem>> -> memref<1x500xi32, #tpu.memory_space<vmem>>
    %dma_start3A_34 = tpu.memref_squeeze %dma_start3A_33 : memref<1x500xi32, #tpu.memory_space<vmem>> -> memref<500xi32, #tpu.memory_space<vmem>>
    %dma_start3A_35 = arith.constant 0 : i32
    %dma_start3A_36 = arith.constant 0 : i32
    %dma_start3A_37 = tpu.memref_slice %arg8[%dma_start3A_35, %dma_start3A_36] : memref<10000x16xf32, #tpu.memory_space<vmem_shared>> -> memref<10000x16xf32, #tpu.memory_space<vmem_shared>>
    tpu.enqueue_indirect_dma source(%arg5 : memref<500x16xf32, #tpu.memory_space<vmem>>) target(%dma_start3A_37 : memref<10000x16xf32, #tpu.memory_space<vmem_shared>>) offsets(%dma_start3A_34 : memref<500xi32, #tpu.memory_space<vmem>>) semaphore(%arg9 : memref<!tpu.dma_semaphore, #tpu.memory_space<semaphore_mem>>) {add = true}
    %dma_start3A_38 = arith.constant 1 : i32
    %dma_start3A_39 = arith.constant 0 : i32
    %dma_start3A_40 = tpu.memref_slice %arg4[%dma_start3A_38, %dma_start3A_39] : memref<20x500xi32, #tpu.memory_space<vmem>> -> memref<1x500xi32, #tpu.memory_space<vmem>>
    %dma_start3A_41 = tpu.memref_squeeze %dma_start3A_40 : memref<1x500xi32, #tpu.memory_space<vmem>> -> memref<500xi32, #tpu.memory_space<vmem>>
    %dma_start3A_42 = arith.constant 0 : i32
    %dma_start3A_43 = arith.constant 0 : i32
    %dma_start3A_44 = tpu.memref_slice %arg8[%dma_start3A_42, %dma_start3A_43] : memref<10000x16xf32, #tpu.memory_space<vmem_shared>> -> memref<10000x16xf32, #tpu.memory_space<vmem_shared>>
    tpu.enqueue_indirect_dma source(%arg5 : memref<500x16xf32, #tpu.memory_space<vmem>>) target(%dma_start3A_44 : memref<10000x16xf32, #tpu.memory_space<vmem_shared>>) offsets(%dma_start3A_41 : memref<500xi32, #tpu.memory_space<vmem>>) semaphore(%arg10 : memref<!tpu.dma_semaphore, #tpu.memory_space<semaphore_mem>>) {add = true}
    %dma_start3A_45 = arith.constant 2 : i32
    %dma_start3A_46 = arith.constant 0 : i32
    %dma_start3A_47 = tpu.memref_slice %arg4[%dma_start3A_45, %dma_start3A_46] : memref<20x500xi32, #tpu.memory_space<vmem>> -> memref<1x500xi32, #tpu.memory_space<vmem>>
    %dma_start3A_48 = tpu.memref_squeeze %dma_start3A_47 : memref<1x500xi32, #tpu.memory_space<vmem>> -> memref<500xi32, #tpu.memory_space<vmem>>
    %dma_start3A_49 = arith.constant 0 : i32
    %dma_start3A_50 = arith.constant 0 : i32
    %dma_start3A_51 = tpu.memref_slice %arg8[%dma_start3A_49, %dma_start3A_50] : memref<10000x16xf32, #tpu.memory_space<vmem_shared>> -> memref<10000x16xf32, #tpu.memory_space<vmem_shared>>
    tpu.enqueue_indirect_dma source(%arg5 : memref<500x16xf32, #tpu.memory_space<vmem>>) target(%dma_start3A_51 : memref<10000x16xf32, #tpu.memory_space<vmem_shared>>) offsets(%dma_start3A_48 : memref<500xi32, #tpu.memory_space<vmem>>) semaphore(%arg11 : memref<!tpu.dma_semaphore, #tpu.memory_space<semaphore_mem>>) {add = true}
    %dma_start3A_52 = arith.constant 3 : i32
    %dma_start3A_53 = arith.constant 0 : i32
    %dma_start3A_54 = tpu.memref_slice %arg4[%dma_start3A_52, %dma_start3A_53] : memref<20x500xi32, #tpu.memory_space<vmem>> -> memref<1x500xi32, #tpu.memory_space<vmem>>
    %dma_start3A_55 = tpu.memref_squeeze %dma_start3A_54 : memref<1x500xi32, #tpu.memory_space<vmem>> -> memref<500xi32, #tpu.memory_space<vmem>>
    %dma_start3A_56 = arith.constant 0 : i32
    %dma_start3A_57 = arith.constant 0 : i32
    %dma_start3A_58 = tpu.memref_slice %arg8[%dma_start3A_56, %dma_start3A_57] : memref<10000x16xf32, #tpu.memory_space<vmem_shared>> -> memref<10000x16xf32, #tpu.memory_space<vmem_shared>>
    tpu.enqueue_indirect_dma source(%arg5 : memref<500x16xf32, #tpu.memory_space<vmem>>) target(%dma_start3A_58 : memref<10000x16xf32, #tpu.memory_space<vmem_shared>>) offsets(%dma_start3A_55 : memref<500xi32, #tpu.memory_space<vmem>>) semaphore(%arg12 : memref<!tpu.dma_semaphore, #tpu.memory_space<semaphore_mem>>) {add = true}
    %scan3A_59 = arith.constant 0 : i32
    %scan3A_60 = arith.constant 0 : i32
    %scan3A_61 = arith.constant 4 : i32
    %scan3A_62 = arith.addi %scan3A_60, %scan3A_61 : i32
    %scan3A_63 = arith.constant 1 : i32
    scf.for %scan3A_104 = %scan3A_60 to %scan3A_62 step %scan3A_63  : i32 {
      %mul3A_105 = arith.constant 4 : i32
      %mul3A_106 = arith.muli %mul3A_105, %scan3A_104 : i32
      %add3A_107 = arith.constant 0 : i32
      %add3A_108 = arith.addi %mul3A_106, %add3A_107 : i32
      %dma_wait3A_109 = arith.constant 0 : i32
      %dma_wait3A_110 = tpu.memref_slice %arg4[%add3A_108, %dma_wait3A_109] : memref<20x500xi32, #tpu.memory_space<vmem>> -> memref<1x500xi32, #tpu.memory_space<vmem>>
      %dma_wait3A_111 = tpu.memref_squeeze %dma_wait3A_110 : memref<1x500xi32, #tpu.memory_space<vmem>> -> memref<500xi32, #tpu.memory_space<vmem>>
      %dma_wait3A_112 = arith.constant 0 : i32
      %dma_wait3A_113 = arith.constant 0 : i32
      %dma_wait3A_114 = tpu.memref_slice %arg8[%dma_wait3A_112, %dma_wait3A_113] : memref<10000x16xf32, #tpu.memory_space<vmem_shared>> -> memref<10000x16xf32, #tpu.memory_space<vmem_shared>>
      tpu.wait_indirect_dma semaphore(%arg9 : memref<!tpu.dma_semaphore, #tpu.memory_space<semaphore_mem>>) src(%arg5 : memref<500x16xf32, #tpu.memory_space<vmem>>) dst(%dma_wait3A_114 : memref<10000x16xf32, #tpu.memory_space<vmem_shared>>)
      %add3A_115 = arith.constant 4 : i32
      %add3A_116 = arith.addi %add3A_108, %add3A_115 : i32
      %dma_start3A_117 = arith.constant 0 : i32
      %dma_start3A_118 = tpu.memref_slice %arg4[%add3A_116, %dma_start3A_117] : memref<20x500xi32, #tpu.memory_space<vmem>> -> memref<1x500xi32, #tpu.memory_space<vmem>>
      %dma_start3A_119 = tpu.memref_squeeze %dma_start3A_118 : memref<1x500xi32, #tpu.memory_space<vmem>> -> memref<500xi32, #tpu.memory_space<vmem>>
      %dma_start3A_120 = arith.constant 0 : i32
      %dma_start3A_121 = arith.constant 0 : i32
      %dma_start3A_122 = tpu.memref_slice %arg8[%dma_start3A_120, %dma_start3A_121] : memref<10000x16xf32, #tpu.memory_space<vmem_shared>> -> memref<10000x16xf32, #tpu.memory_space<vmem_shared>>
      tpu.enqueue_indirect_dma source(%arg5 : memref<500x16xf32, #tpu.memory_space<vmem>>) target(%dma_start3A_122 : memref<10000x16xf32, #tpu.memory_space<vmem_shared>>) offsets(%dma_start3A_119 : memref<500xi32, #tpu.memory_space<vmem>>) semaphore(%arg9 : memref<!tpu.dma_semaphore, #tpu.memory_space<semaphore_mem>>) {add = true}
      %mul3A_123 = arith.constant 4 : i32
      %mul3A_124 = arith.muli %mul3A_123, %scan3A_104 : i32
      %add3A_125 = arith.constant 1 : i32
      %add3A_126 = arith.addi %mul3A_124, %add3A_125 : i32
      %dma_wait3A_127 = arith.constant 0 : i32
      %dma_wait3A_128 = tpu.memref_slice %arg4[%add3A_126, %dma_wait3A_127] : memref<20x500xi32, #tpu.memory_space<vmem>> -> memref<1x500xi32, #tpu.memory_space<vmem>>
      %dma_wait3A_129 = tpu.memref_squeeze %dma_wait3A_128 : memref<1x500xi32, #tpu.memory_space<vmem>> -> memref<500xi32, #tpu.memory_space<vmem>>
      %dma_wait3A_130 = arith.constant 0 : i32
      %dma_wait3A_131 = arith.constant 0 : i32
      %dma_wait3A_132 = tpu.memref_slice %arg8[%dma_wait3A_130, %dma_wait3A_131] : memref<10000x16xf32, #tpu.memory_space<vmem_shared>> -> memref<10000x16xf32, #tpu.memory_space<vmem_shared>>
      tpu.wait_indirect_dma semaphore(%arg10 : memref<!tpu.dma_semaphore, #tpu.memory_space<semaphore_mem>>) src(%arg5 : memref<500x16xf32, #tpu.memory_space<vmem>>) dst(%dma_wait3A_132 : memref<10000x16xf32, #tpu.memory_space<vmem_shared>>)
      %add3A_133 = arith.constant 4 : i32
      %add3A_134 = arith.addi %add3A_126, %add3A_133 : i32
      %dma_start3A_135 = arith.constant 0 : i32
      %dma_start3A_136 = tpu.memref_slice %arg4[%add3A_134, %dma_start3A_135] : memref<20x500xi32, #tpu.memory_space<vmem>> -> memref<1x500xi32, #tpu.memory_space<vmem>>
      %dma_start3A_137 = tpu.memref_squeeze %dma_start3A_136 : memref<1x500xi32, #tpu.memory_space<vmem>> -> memref<500xi32, #tpu.memory_space<vmem>>
      %dma_start3A_138 = arith.constant 0 : i32
      %dma_start3A_139 = arith.constant 0 : i32
      %dma_start3A_140 = tpu.memref_slice %arg8[%dma_start3A_138, %dma_start3A_139] : memref<10000x16xf32, #tpu.memory_space<vmem_shared>> -> memref<10000x16xf32, #tpu.memory_space<vmem_shared>>
      tpu.enqueue_indirect_dma source(%arg5 : memref<500x16xf32, #tpu.memory_space<vmem>>) target(%dma_start3A_140 : memref<10000x16xf32, #tpu.memory_space<vmem_shared>>) offsets(%dma_start3A_137 : memref<500xi32, #tpu.memory_space<vmem>>) semaphore(%arg10 : memref<!tpu.dma_semaphore, #tpu.memory_space<semaphore_mem>>) {add = true}
      %mul3A_141 = arith.constant 4 : i32
      %mul3A_142 = arith.muli %mul3A_141, %scan3A_104 : i32
      %add3A_143 = arith.constant 2 : i32
      %add3A_144 = arith.addi %mul3A_142, %add3A_143 : i32
      %dma_wait3A_145 = arith.constant 0 : i32
      %dma_wait3A_146 = tpu.memref_slice %arg4[%add3A_144, %dma_wait3A_145] : memref<20x500xi32, #tpu.memory_space<vmem>> -> memref<1x500xi32, #tpu.memory_space<vmem>>
      %dma_wait3A_147 = tpu.memref_squeeze %dma_wait3A_146 : memref<1x500xi32, #tpu.memory_space<vmem>> -> memref<500xi32, #tpu.memory_space<vmem>>
      %dma_wait3A_148 = arith.constant 0 : i32
      %dma_wait3A_149 = arith.constant 0 : i32
      %dma_wait3A_150 = tpu.memref_slice %arg8[%dma_wait3A_148, %dma_wait3A_149] : memref<10000x16xf32, #tpu.memory_space<vmem_shared>> -> memref<10000x16xf32, #tpu.memory_space<vmem_shared>>
      tpu.wait_indirect_dma semaphore(%arg11 : memref<!tpu.dma_semaphore, #tpu.memory_space<semaphore_mem>>) src(%arg5 : memref<500x16xf32, #tpu.memory_space<vmem>>) dst(%dma_wait3A_150 : memref<10000x16xf32, #tpu.memory_space<vmem_shared>>)
      %add3A_151 = arith.constant 4 : i32
      %add3A_152 = arith.addi %add3A_144, %add3A_151 : i32
      %dma_start3A_153 = arith.constant 0 : i32
      %dma_start3A_154 = tpu.memref_slice %arg4[%add3A_152, %dma_start3A_153] : memref<20x500xi32, #tpu.memory_space<vmem>> -> memref<1x500xi32, #tpu.memory_space<vmem>>
      %dma_start3A_155 = tpu.memref_squeeze %dma_start3A_154 : memref<1x500xi32, #tpu.memory_space<vmem>> -> memref<500xi32, #tpu.memory_space<vmem>>
      %dma_start3A_156 = arith.constant 0 : i32
      %dma_start3A_157 = arith.constant 0 : i32
      %dma_start3A_158 = tpu.memref_slice %arg8[%dma_start3A_156, %dma_start3A_157] : memref<10000x16xf32, #tpu.memory_space<vmem_shared>> -> memref<10000x16xf32, #tpu.memory_space<vmem_shared>>
      tpu.enqueue_indirect_dma source(%arg5 : memref<500x16xf32, #tpu.memory_space<vmem>>) target(%dma_start3A_158 : memref<10000x16xf32, #tpu.memory_space<vmem_shared>>) offsets(%dma_start3A_155 : memref<500xi32, #tpu.memory_space<vmem>>) semaphore(%arg11 : memref<!tpu.dma_semaphore, #tpu.memory_space<semaphore_mem>>) {add = true}
      %mul3A_159 = arith.constant 4 : i32
      %mul3A_160 = arith.muli %mul3A_159, %scan3A_104 : i32
      %add3A_161 = arith.constant 3 : i32
      %add3A_162 = arith.addi %mul3A_160, %add3A_161 : i32
      %dma_wait3A_163 = arith.constant 0 : i32
      %dma_wait3A_164 = tpu.memref_slice %arg4[%add3A_162, %dma_wait3A_163] : memref<20x500xi32, #tpu.memory_space<vmem>> -> memref<1x500xi32, #tpu.memory_space<vmem>>
      %dma_wait3A_165 = tpu.memref_squeeze %dma_wait3A_164 : memref<1x500xi32, #tpu.memory_space<vmem>> -> memref<500xi32, #tpu.memory_space<vmem>>
      %dma_wait3A_166 = arith.constant 0 : i32
      %dma_wait3A_167 = arith.constant 0 : i32
      %dma_wait3A_168 = tpu.memref_slice %arg8[%dma_wait3A_166, %dma_wait3A_167] : memref<10000x16xf32, #tpu.memory_space<vmem_shared>> -> memref<10000x16xf32, #tpu.memory_space<vmem_shared>>
      tpu.wait_indirect_dma semaphore(%arg12 : memref<!tpu.dma_semaphore, #tpu.memory_space<semaphore_mem>>) src(%arg5 : memref<500x16xf32, #tpu.memory_space<vmem>>) dst(%dma_wait3A_168 : memref<10000x16xf32, #tpu.memory_space<vmem_shared>>)
      %add3A_169 = arith.constant 4 : i32
      %add3A_170 = arith.addi %add3A_162, %add3A_169 : i32
      %dma_start3A_171 = arith.constant 0 : i32
      %dma_start3A_172 = tpu.memref_slice %arg4[%add3A_170, %dma_start3A_171] : memref<20x500xi32, #tpu.memory_space<vmem>> -> memref<1x500xi32, #tpu.memory_space<vmem>>
      %dma_start3A_173 = tpu.memref_squeeze %dma_start3A_172 : memref<1x500xi32, #tpu.memory_space<vmem>> -> memref<500xi32, #tpu.memory_space<vmem>>
      %dma_start3A_174 = arith.constant 0 : i32
      %dma_start3A_175 = arith.constant 0 : i32
      %dma_start3A_176 = tpu.memref_slice %arg8[%dma_start3A_174, %dma_start3A_175] : memref<10000x16xf32, #tpu.memory_space<vmem_shared>> -> memref<10000x16xf32, #tpu.memory_space<vmem_shared>>
      tpu.enqueue_indirect_dma source(%arg5 : memref<500x16xf32, #tpu.memory_space<vmem>>) target(%dma_start3A_176 : memref<10000x16xf32, #tpu.memory_space<vmem_shared>>) offsets(%dma_start3A_173 : memref<500xi32, #tpu.memory_space<vmem>>) semaphore(%arg12 : memref<!tpu.dma_semaphore, #tpu.memory_space<semaphore_mem>>) {add = true}
    }
    %scan3A_64 = arith.constant 4 : i32
    %dma_wait3A_65 = arith.constant 16 : i32
    %dma_wait3A_66 = arith.constant 0 : i32
    %dma_wait3A_67 = tpu.memref_slice %arg4[%dma_wait3A_65, %dma_wait3A_66] : memref<20x500xi32, #tpu.memory_space<vmem>> -> memref<1x500xi32, #tpu.memory_space<vmem>>
    %dma_wait3A_68 = tpu.memref_squeeze %dma_wait3A_67 : memref<1x500xi32, #tpu.memory_space<vmem>> -> memref<500xi32, #tpu.memory_space<vmem>>
    %dma_wait3A_69 = arith.constant 0 : i32
    %dma_wait3A_70 = arith.constant 0 : i32
    %dma_wait3A_71 = tpu.memref_slice %arg8[%dma_wait3A_69, %dma_wait3A_70] : memref<10000x16xf32, #tpu.memory_space<vmem_shared>> -> memref<10000x16xf32, #tpu.memory_space<vmem_shared>>
    tpu.wait_indirect_dma semaphore(%arg9 : memref<!tpu.dma_semaphore, #tpu.memory_space<semaphore_mem>>) src(%arg5 : memref<500x16xf32, #tpu.memory_space<vmem>>) dst(%dma_wait3A_71 : memref<10000x16xf32, #tpu.memory_space<vmem_shared>>)
    %dma_wait3A_72 = arith.constant 17 : i32
    %dma_wait3A_73 = arith.constant 0 : i32
    %dma_wait3A_74 = tpu.memref_slice %arg4[%dma_wait3A_72, %dma_wait3A_73] : memref<20x500xi32, #tpu.memory_space<vmem>> -> memref<1x500xi32, #tpu.memory_space<vmem>>
    %dma_wait3A_75 = tpu.memref_squeeze %dma_wait3A_74 : memref<1x500xi32, #tpu.memory_space<vmem>> -> memref<500xi32, #tpu.memory_space<vmem>>
    %dma_wait3A_76 = arith.constant 0 : i32
    %dma_wait3A_77 = arith.constant 0 : i32
    %dma_wait3A_78 = tpu.memref_slice %arg8[%dma_wait3A_76, %dma_wait3A_77] : memref<10000x16xf32, #tpu.memory_space<vmem_shared>> -> memref<10000x16xf32, #tpu.memory_space<vmem_shared>>
    tpu.wait_indirect_dma semaphore(%arg10 : memref<!tpu.dma_semaphore, #tpu.memory_space<semaphore_mem>>) src(%arg5 : memref<500x16xf32, #tpu.memory_space<vmem>>) dst(%dma_wait3A_78 : memref<10000x16xf32, #tpu.memory_space<vmem_shared>>)
    %dma_wait3A_79 = arith.constant 18 : i32
    %dma_wait3A_80 = arith.constant 0 : i32
    %dma_wait3A_81 = tpu.memref_slice %arg4[%dma_wait3A_79, %dma_wait3A_80] : memref<20x500xi32, #tpu.memory_space<vmem>> -> memref<1x500xi32, #tpu.memory_space<vmem>>
    %dma_wait3A_82 = tpu.memref_squeeze %dma_wait3A_81 : memref<1x500xi32, #tpu.memory_space<vmem>> -> memref<500xi32, #tpu.memory_space<vmem>>
    %dma_wait3A_83 = arith.constant 0 : i32
    %dma_wait3A_84 = arith.constant 0 : i32
    %dma_wait3A_85 = tpu.memref_slice %arg8[%dma_wait3A_83, %dma_wait3A_84] : memref<10000x16xf32, #tpu.memory_space<vmem_shared>> -> memref<10000x16xf32, #tpu.memory_space<vmem_shared>>
    tpu.wait_indirect_dma semaphore(%arg11 : memref<!tpu.dma_semaphore, #tpu.memory_space<semaphore_mem>>) src(%arg5 : memref<500x16xf32, #tpu.memory_space<vmem>>) dst(%dma_wait3A_85 : memref<10000x16xf32, #tpu.memory_space<vmem_shared>>)
    %dma_wait3A_86 = arith.constant 19 : i32
    %dma_wait3A_87 = arith.constant 0 : i32
    %dma_wait3A_88 = tpu.memref_slice %arg4[%dma_wait3A_86, %dma_wait3A_87] : memref<20x500xi32, #tpu.memory_space<vmem>> -> memref<1x500xi32, #tpu.memory_space<vmem>>
    %dma_wait3A_89 = tpu.memref_squeeze %dma_wait3A_88 : memref<1x500xi32, #tpu.memory_space<vmem>> -> memref<500xi32, #tpu.memory_space<vmem>>
    %dma_wait3A_90 = arith.constant 0 : i32
    %dma_wait3A_91 = arith.constant 0 : i32
    %dma_wait3A_92 = tpu.memref_slice %arg8[%dma_wait3A_90, %dma_wait3A_91] : memref<10000x16xf32, #tpu.memory_space<vmem_shared>> -> memref<10000x16xf32, #tpu.memory_space<vmem_shared>>
    tpu.wait_indirect_dma semaphore(%arg12 : memref<!tpu.dma_semaphore, #tpu.memory_space<semaphore_mem>>) src(%arg5 : memref<500x16xf32, #tpu.memory_space<vmem>>) dst(%dma_wait3A_92 : memref<10000x16xf32, #tpu.memory_space<vmem_shared>>)
    %barrier3A_93 = arith.constant 0 : index
    tpu.barrier barrier_id(%barrier3A_93)
    %mul3A_94 = arith.constant 625 : i32
    %mul3A_95 = arith.muli %arg1, %mul3A_94 : i32
    "tpu.region"() ({
      %run_scoped3A = tpu.sem_alloc : memref<!tpu.dma_semaphore, #tpu.memory_space<semaphore_mem>>
      %dma_start3A_104 = arith.constant 0 : i32
      %dma_start3A_105 = arith.constant 0 : i32
      %dma_start3A_106 = tpu.memref_slice %arg6[%dma_start3A_104, %dma_start3A_105] : memref<640x16xf32, #tpu.memory_space<vmem>> -> memref<625x16xf32, #tpu.memory_space<vmem>>
      %dma_start3A_107 = arith.constant 0 : i32
      %dma_start3A_108 = tpu.memref_slice %arg8[%mul3A_95, %dma_start3A_107] : memref<10000x16xf32, #tpu.memory_space<vmem_shared>> -> memref<625x16xf32, #tpu.memory_space<vmem_shared>>
      %dma_start3A_109 = arith.constant 0 : i32
      %dma_start3A_110 = arith.constant 0 : i32
      %dma_start3A_111 = tpu.memref_slice %arg6[%dma_start3A_109, %dma_start3A_110] : memref<640x16xf32, #tpu.memory_space<vmem>> -> memref<625x16xf32, #tpu.memory_space<vmem>>
      %dma_start3A_112 = arith.constant 0 : i32
      %dma_start3A_113 = tpu.memref_slice %arg8[%mul3A_95, %dma_start3A_112] : memref<10000x16xf32, #tpu.memory_space<vmem_shared>> -> memref<625x16xf32, #tpu.memory_space<vmem_shared>>
      tpu.enqueue_dma source(%dma_start3A_113 : memref<625x16xf32, #tpu.memory_space<vmem_shared>>) target(%dma_start3A_111 : memref<625x16xf32, #tpu.memory_space<vmem>>) target_semaphore(%run_scoped3A : memref<!tpu.dma_semaphore, #tpu.memory_space<semaphore_mem>>)
      %dma_wait3A_114 = arith.constant 0 : i32
      %dma_wait3A_115 = arith.constant 0 : i32
      %dma_wait3A_116 = tpu.memref_slice %arg6[%dma_wait3A_114, %dma_wait3A_115] : memref<640x16xf32, #tpu.memory_space<vmem>> -> memref<625x16xf32, #tpu.memory_space<vmem>>
      %dma_wait3A_117 = arith.constant 0 : i32
      %dma_wait3A_118 = tpu.memref_slice %arg8[%mul3A_95, %dma_wait3A_117] : memref<10000x16xf32, #tpu.memory_space<vmem_shared>> -> memref<625x16xf32, #tpu.memory_space<vmem_shared>>
      %dma_wait3A_119 = arith.constant 0 : i32
      %dma_wait3A_120 = arith.constant 0 : i32
      %dma_wait3A_121 = tpu.memref_slice %arg6[%dma_wait3A_119, %dma_wait3A_120] : memref<640x16xf32, #tpu.memory_space<vmem>> -> memref<625x16xf32, #tpu.memory_space<vmem>>
      %dma_wait3A_122 = arith.constant 0 : i32
      %dma_wait3A_123 = tpu.memref_slice %arg8[%mul3A_95, %dma_wait3A_122] : memref<10000x16xf32, #tpu.memory_space<vmem_shared>> -> memref<625x16xf32, #tpu.memory_space<vmem_shared>>
      tpu.wait_dma2 semaphore(%run_scoped3A : memref<!tpu.dma_semaphore, #tpu.memory_space<semaphore_mem>>) src(%dma_wait3A_123 : memref<625x16xf32, #tpu.memory_space<vmem_shared>>) dst(%dma_wait3A_121 : memref<625x16xf32, #tpu.memory_space<vmem>>)
      tpu.yield
    }) : () -> ()
    %broadcast_in_dim3A_96 = arith.constant 0 : i32
    %broadcast_in_dim3A_97 = vector.broadcast %broadcast_in_dim3A_96 : i32 to vector<16xi32>
    %scan3A_98 = arith.constant 0 : i32
    %scan3A_99 = arith.constant 0 : i32
    %scan3A_100 = arith.constant 40 : i32
    %scan3A_101 = arith.addi %scan3A_99, %scan3A_100 : i32
    %scan3A_102 = arith.constant 1 : i32
    scf.for %scan3A_104 = %scan3A_99 to %scan3A_101 step %scan3A_102  : i32 {
      %mul3A_105 = arith.constant 16 : i32
      %mul3A_106 = arith.muli %scan3A_104, %mul3A_105 : i32
      %iota3A = tpu.iota {dimensions = array<i32: 0>} : vector<16xi32>
      %add3A_107 = vector.broadcast %mul3A_106 : i32 to vector<16xi32>
      %add3A_108 = arith.addi %add3A_107, %iota3A : vector<16xi32>
      %gather3A = tpu.vector_load_idx %arg6[%add3A_108, %broadcast_in_dim3A_97] : memref<640x16xf32, #tpu.memory_space<vmem>>[vector<16xi32>, vector<16xi32>], vector<16xf32>,
      %mul3A_109 = arith.constant 16 : i32
      %mul3A_110 = arith.muli %scan3A_104, %mul3A_109 : i32
      %swap3A = arith.index_cast %mul3A_110 : i32 to index
      %swap3A_111 = tpu.vector_load %arg7[%swap3A] {strides = array<i32>} : memref<640xf32, #tpu.memory_space<vmem>>, vector<16xf32>,
      tpu.vector_store %arg7[%swap3A], %gather3A {strides = array<i32>} : memref<640xf32, #tpu.memory_space<vmem>>, vector<16xf32>,
    }
    %scan3A_103 = arith.constant 40 : i32
    "tpu.region"() ({
      %run_scoped3A = tpu.sem_alloc : memref<!tpu.dma_semaphore, #tpu.memory_space<semaphore_mem>>
      %dma_start3A_104 = arith.constant 0 : i32
      %dma_start3A_105 = tpu.memref_slice %arg7[%dma_start3A_104] : memref<640xf32, #tpu.memory_space<vmem>> -> memref<625xf32, #tpu.memory_space<vmem>>
      %dma_start3A_106 = arith.constant 0 : i32
      %dma_start3A_107 = tpu.memref_slice %arg3[%arg0, %arg1, %dma_start3A_106] : memref<2x16x625xf32, #tpu.memory_space<hbm>> -> memref<1x1x625xf32, #tpu.memory_space<hbm>>
      %dma_start3A_108 = tpu.memref_squeeze %dma_start3A_107 : memref<1x1x625xf32, #tpu.memory_space<hbm>> -> memref<625xf32, #tpu.memory_space<hbm>>
      %dma_start3A_109 = arith.constant 0 : i32
      %dma_start3A_110 = tpu.memref_slice %arg3[%arg0, %arg1, %dma_start3A_109] : memref<2x16x625xf32, #tpu.memory_space<hbm>> -> memref<1x1x625xf32, #tpu.memory_space<hbm>>
      %dma_start3A_111 = tpu.memref_squeeze %dma_start3A_110 : memref<1x1x625xf32, #tpu.memory_space<hbm>> -> memref<625xf32, #tpu.memory_space<hbm>>
      %dma_start3A_112 = arith.constant 0 : i32
      %dma_start3A_113 = tpu.memref_slice %arg7[%dma_start3A_112] : memref<640xf32, #tpu.memory_space<vmem>> -> memref<625xf32, #tpu.memory_space<vmem>>
      tpu.enqueue_dma source(%dma_start3A_113 : memref<625xf32, #tpu.memory_space<vmem>>) target(%dma_start3A_111 : memref<625xf32, #tpu.memory_space<hbm>>) target_semaphore(%run_scoped3A : memref<!tpu.dma_semaphore, #tpu.memory_space<semaphore_mem>>)
      %dma_wait3A_114 = arith.constant 0 : i32
      %dma_wait3A_115 = tpu.memref_slice %arg7[%dma_wait3A_114] : memref<640xf32, #tpu.memory_space<vmem>> -> memref<625xf32, #tpu.memory_space<vmem>>
      %dma_wait3A_116 = arith.constant 0 : i32
      %dma_wait3A_117 = tpu.memref_slice %arg3[%arg0, %arg1, %dma_wait3A_116] : memref<2x16x625xf32, #tpu.memory_space<hbm>> -> memref<1x1x625xf32, #tpu.memory_space<hbm>>
      %dma_wait3A_118 = tpu.memref_squeeze %dma_wait3A_117 : memref<1x1x625xf32, #tpu.memory_space<hbm>> -> memref<625xf32, #tpu.memory_space<hbm>>
      %dma_wait3A_119 = arith.constant 0 : i32
      %dma_wait3A_120 = tpu.memref_slice %arg3[%arg0, %arg1, %dma_wait3A_119] : memref<2x16x625xf32, #tpu.memory_space<hbm>> -> memref<1x1x625xf32, #tpu.memory_space<hbm>>
      %dma_wait3A_121 = tpu.memref_squeeze %dma_wait3A_120 : memref<1x1x625xf32, #tpu.memory_space<hbm>> -> memref<625xf32, #tpu.memory_space<hbm>>
      %dma_wait3A_122 = arith.constant 0 : i32
      %dma_wait3A_123 = tpu.memref_slice %arg7[%dma_wait3A_122] : memref<640xf32, #tpu.memory_space<vmem>> -> memref<625xf32, #tpu.memory_space<vmem>>
      tpu.wait_dma2 semaphore(%run_scoped3A : memref<!tpu.dma_semaphore, #tpu.memory_space<semaphore_mem>>) src(%dma_wait3A_123 : memref<625xf32, #tpu.memory_space<vmem>>) dst(%dma_wait3A_121 : memref<625xf32, #tpu.memory_space<hbm>>)
      tpu.yield
    }) : () -> ()
    return
  }
}

#map = affine_map<(d0, d1) -> (0, 0)>
#map1 = affine_map<(d0, d1) -> (0, 0, 0)>
module attributes {stable_mosaic.version = 14 : i64} {
  func.func @_agg_kernel(%arg0: i32, %arg1: i32, %arg2: memref<10000x16xf32, #tpu.memory_space<hbm>>, %arg3: memref<32x20x500xi32, #tpu.memory_space<hbm>>, %arg4: memref<32x20x500xi32, #tpu.memory_space<hbm>>, %arg5: memref<2x10048x16xf32, #tpu.memory_space<hbm>>, %arg6: memref<20x500xi32, #tpu.memory_space<vmem>>, %arg7: memref<20x500xi32, #tpu.memory_space<vmem>>, %arg8: memref<625x16xf32, #tpu.memory_space<vmem>>, %arg9: memref<625x16xf32, #tpu.memory_space<vmem>>, %arg10: memref<500x16xf32, #tpu.memory_space<vmem>>, %arg11: memref<500x16xf32, #tpu.memory_space<vmem>>, %arg12: memref<500x16xf32, #tpu.memory_space<vmem>>, %arg13: memref<500x16xf32, #tpu.memory_space<vmem>>, %arg14: memref<10000x16xf32, #tpu.memory_space<vmem_shared>>, %arg15: memref<10000x16xf32, #tpu.memory_space<vmem_shared>>, %arg16: memref<!tpu.dma_semaphore, #tpu.memory_space<semaphore_mem>>, %arg17: memref<!tpu.dma_semaphore, #tpu.memory_space<semaphore_mem>>, %arg18: memref<!tpu.dma_semaphore, #tpu.memory_space<semaphore_mem>>, %arg19: memref<!tpu.dma_semaphore, #tpu.memory_space<semaphore_mem>>, %arg20: memref<!tpu.dma_semaphore, #tpu.memory_space<semaphore_mem>>, %arg21: memref<!tpu.dma_semaphore, #tpu.memory_space<semaphore_mem>>, %arg22: memref<!tpu.dma_semaphore, #tpu.memory_space<semaphore_mem>>, %arg23: memref<!tpu.dma_semaphore, #tpu.memory_space<semaphore_mem>>) attributes {dimension_semantics = [#tpu.dimension_semantics<core_parallel>, #tpu.dimension_semantics<subcore_parallel>], iteration_bounds = array<i64: 2, 16>, scalar_prefetch = 0 : i64, scratch_operands = 18 : i64, tpu.core_type = #tpu.core_type<sc_vector_subcore>, window_params = [{transform_indices = #map}, {transform_indices = #map1}, {transform_indices = #map1}, {transform_indices = #map1}]} {
    %mul3A = arith.constant 2 : i32
    %mul3A_0 = arith.muli %arg1, %mul3A : i32
    %add3A = arith.addi %mul3A_0, %arg0 : i32
    %dma_start3A = arith.constant 0 : i32
    %dma_start3A_1 = arith.constant 0 : i32
    %dma_start3A_2 = tpu.memref_slice %arg3[%add3A, %dma_start3A, %dma_start3A_1] : memref<32x20x500xi32, #tpu.memory_space<hbm>> -> memref<1x20x500xi32, #tpu.memory_space<hbm>>
    %dma_start3A_3 = tpu.memref_squeeze %dma_start3A_2 : memref<1x20x500xi32, #tpu.memory_space<hbm>> -> memref<20x500xi32, #tpu.memory_space<hbm>>
    %dma_start3A_4 = arith.constant 0 : i32
    %dma_start3A_5 = arith.constant 0 : i32
    %dma_start3A_6 = tpu.memref_slice %arg3[%add3A, %dma_start3A_4, %dma_start3A_5] : memref<32x20x500xi32, #tpu.memory_space<hbm>> -> memref<1x20x500xi32, #tpu.memory_space<hbm>>
    %dma_start3A_7 = tpu.memref_squeeze %dma_start3A_6 : memref<1x20x500xi32, #tpu.memory_space<hbm>> -> memref<20x500xi32, #tpu.memory_space<hbm>>
    tpu.enqueue_dma source(%dma_start3A_7 : memref<20x500xi32, #tpu.memory_space<hbm>>) target(%arg6 : memref<20x500xi32, #tpu.memory_space<vmem>>) target_semaphore(%arg16 : memref<!tpu.dma_semaphore, #tpu.memory_space<semaphore_mem>>)
    %dma_start3A_8 = arith.constant 0 : i32
    %dma_start3A_9 = arith.constant 0 : i32
    %dma_start3A_10 = tpu.memref_slice %arg4[%add3A, %dma_start3A_8, %dma_start3A_9] : memref<32x20x500xi32, #tpu.memory_space<hbm>> -> memref<1x20x500xi32, #tpu.memory_space<hbm>>
    %dma_start3A_11 = tpu.memref_squeeze %dma_start3A_10 : memref<1x20x500xi32, #tpu.memory_space<hbm>> -> memref<20x500xi32, #tpu.memory_space<hbm>>
    %dma_start3A_12 = arith.constant 0 : i32
    %dma_start3A_13 = arith.constant 0 : i32
    %dma_start3A_14 = tpu.memref_slice %arg4[%add3A, %dma_start3A_12, %dma_start3A_13] : memref<32x20x500xi32, #tpu.memory_space<hbm>> -> memref<1x20x500xi32, #tpu.memory_space<hbm>>
    %dma_start3A_15 = tpu.memref_squeeze %dma_start3A_14 : memref<1x20x500xi32, #tpu.memory_space<hbm>> -> memref<20x500xi32, #tpu.memory_space<hbm>>
    tpu.enqueue_dma source(%dma_start3A_15 : memref<20x500xi32, #tpu.memory_space<hbm>>) target(%arg7 : memref<20x500xi32, #tpu.memory_space<vmem>>) target_semaphore(%arg17 : memref<!tpu.dma_semaphore, #tpu.memory_space<semaphore_mem>>)
    %mul3A_16 = arith.constant 625 : i32
    %mul3A_17 = arith.muli %arg1, %mul3A_16 : i32
    %dma_start3A_18 = arith.constant 0 : i32
    %dma_start3A_19 = tpu.memref_slice %arg2[%mul3A_17, %dma_start3A_18] : memref<10000x16xf32, #tpu.memory_space<hbm>> -> memref<625x16xf32, #tpu.memory_space<hbm>>
    %dma_start3A_20 = arith.constant 0 : i32
    %dma_start3A_21 = tpu.memref_slice %arg2[%mul3A_17, %dma_start3A_20] : memref<10000x16xf32, #tpu.memory_space<hbm>> -> memref<625x16xf32, #tpu.memory_space<hbm>>
    tpu.enqueue_dma source(%dma_start3A_21 : memref<625x16xf32, #tpu.memory_space<hbm>>) target(%arg9 : memref<625x16xf32, #tpu.memory_space<vmem>>) target_semaphore(%arg18 : memref<!tpu.dma_semaphore, #tpu.memory_space<semaphore_mem>>)
    %broadcast_in_dim3A = arith.constant 0.000000e+00 : f32
    %broadcast_in_dim3A_22 = vector.broadcast %broadcast_in_dim3A : f32 to vector<16xf32>
    %scan3A = arith.constant 0 : i32
    %scan3A_23 = arith.constant 0 : i32
    %scan3A_24 = arith.constant 625 : i32
    %scan3A_25 = arith.addi %scan3A_23, %scan3A_24 : i32
    %scan3A_26 = arith.constant 1 : i32
    scf.for %scan3A_174 = %scan3A_23 to %scan3A_25 step %scan3A_26  : i32 {
      %swap3A = arith.index_cast %scan3A_174 : i32 to index
      %swap3A_175 = arith.constant 0 : index
      %swap3A_176 = tpu.vector_load %arg8[%swap3A, %swap3A_175] {strides = array<i32>} : memref<625x16xf32, #tpu.memory_space<vmem>>, vector<16xf32>,
      tpu.vector_store %arg8[%swap3A, %swap3A_175], %broadcast_in_dim3A_22 {strides = array<i32>} : memref<625x16xf32, #tpu.memory_space<vmem>>, vector<16xf32>,
    }
    %scan3A_27 = arith.constant 625 : i32
    %mul3A_28 = arith.constant 625 : i32
    %mul3A_29 = arith.muli %arg1, %mul3A_28 : i32
    "tpu.region"() ({
      %run_scoped3A = tpu.sem_alloc : memref<!tpu.dma_semaphore, #tpu.memory_space<semaphore_mem>>
      %dma_start3A_174 = arith.constant 0 : i32
      %dma_start3A_175 = tpu.memref_slice %arg15[%mul3A_29, %dma_start3A_174] : memref<10000x16xf32, #tpu.memory_space<vmem_shared>> -> memref<625x16xf32, #tpu.memory_space<vmem_shared>>
      %dma_start3A_176 = arith.constant 0 : i32
      %dma_start3A_177 = tpu.memref_slice %arg15[%mul3A_29, %dma_start3A_176] : memref<10000x16xf32, #tpu.memory_space<vmem_shared>> -> memref<625x16xf32, #tpu.memory_space<vmem_shared>>
      tpu.enqueue_dma source(%arg8 : memref<625x16xf32, #tpu.memory_space<vmem>>) target(%dma_start3A_177 : memref<625x16xf32, #tpu.memory_space<vmem_shared>>) target_semaphore(%run_scoped3A : memref<!tpu.dma_semaphore, #tpu.memory_space<semaphore_mem>>)
      %dma_wait3A_178 = arith.constant 0 : i32
      %dma_wait3A_179 = tpu.memref_slice %arg15[%mul3A_29, %dma_wait3A_178] : memref<10000x16xf32, #tpu.memory_space<vmem_shared>> -> memref<625x16xf32, #tpu.memory_space<vmem_shared>>
      %dma_wait3A_180 = arith.constant 0 : i32
      %dma_wait3A_181 = tpu.memref_slice %arg15[%mul3A_29, %dma_wait3A_180] : memref<10000x16xf32, #tpu.memory_space<vmem_shared>> -> memref<625x16xf32, #tpu.memory_space<vmem_shared>>
      tpu.wait_dma2 semaphore(%run_scoped3A : memref<!tpu.dma_semaphore, #tpu.memory_space<semaphore_mem>>) src(%arg8 : memref<625x16xf32, #tpu.memory_space<vmem>>) dst(%dma_wait3A_181 : memref<625x16xf32, #tpu.memory_space<vmem_shared>>)
      tpu.yield
    }) : () -> ()
    %dma_wait3A = arith.constant 0 : i32
    %dma_wait3A_30 = tpu.memref_slice %arg2[%mul3A_17, %dma_wait3A] : memref<10000x16xf32, #tpu.memory_space<hbm>> -> memref<625x16xf32, #tpu.memory_space<hbm>>
    %dma_wait3A_31 = arith.constant 0 : i32
    %dma_wait3A_32 = tpu.memref_slice %arg2[%mul3A_17, %dma_wait3A_31] : memref<10000x16xf32, #tpu.memory_space<hbm>> -> memref<625x16xf32, #tpu.memory_space<hbm>>
    tpu.wait_dma2 semaphore(%arg18 : memref<!tpu.dma_semaphore, #tpu.memory_space<semaphore_mem>>) src(%dma_wait3A_32 : memref<625x16xf32, #tpu.memory_space<hbm>>) dst(%arg9 : memref<625x16xf32, #tpu.memory_space<vmem>>)
    %mul3A_33 = arith.constant 625 : i32
    %mul3A_34 = arith.muli %arg1, %mul3A_33 : i32
    "tpu.region"() ({
      %run_scoped3A = tpu.sem_alloc : memref<!tpu.dma_semaphore, #tpu.memory_space<semaphore_mem>>
      %dma_start3A_174 = arith.constant 0 : i32
      %dma_start3A_175 = tpu.memref_slice %arg14[%mul3A_34, %dma_start3A_174] : memref<10000x16xf32, #tpu.memory_space<vmem_shared>> -> memref<625x16xf32, #tpu.memory_space<vmem_shared>>
      %dma_start3A_176 = arith.constant 0 : i32
      %dma_start3A_177 = tpu.memref_slice %arg14[%mul3A_34, %dma_start3A_176] : memref<10000x16xf32, #tpu.memory_space<vmem_shared>> -> memref<625x16xf32, #tpu.memory_space<vmem_shared>>
      tpu.enqueue_dma source(%arg9 : memref<625x16xf32, #tpu.memory_space<vmem>>) target(%dma_start3A_177 : memref<625x16xf32, #tpu.memory_space<vmem_shared>>) target_semaphore(%run_scoped3A : memref<!tpu.dma_semaphore, #tpu.memory_space<semaphore_mem>>)
      %dma_wait3A_178 = arith.constant 0 : i32
      %dma_wait3A_179 = tpu.memref_slice %arg14[%mul3A_34, %dma_wait3A_178] : memref<10000x16xf32, #tpu.memory_space<vmem_shared>> -> memref<625x16xf32, #tpu.memory_space<vmem_shared>>
      %dma_wait3A_180 = arith.constant 0 : i32
      %dma_wait3A_181 = tpu.memref_slice %arg14[%mul3A_34, %dma_wait3A_180] : memref<10000x16xf32, #tpu.memory_space<vmem_shared>> -> memref<625x16xf32, #tpu.memory_space<vmem_shared>>
      tpu.wait_dma2 semaphore(%run_scoped3A : memref<!tpu.dma_semaphore, #tpu.memory_space<semaphore_mem>>) src(%arg9 : memref<625x16xf32, #tpu.memory_space<vmem>>) dst(%dma_wait3A_181 : memref<625x16xf32, #tpu.memory_space<vmem_shared>>)
      tpu.yield
    }) : () -> ()
    %dma_wait3A_35 = arith.constant 0 : i32
    %dma_wait3A_36 = arith.constant 0 : i32
    %dma_wait3A_37 = tpu.memref_slice %arg3[%add3A, %dma_wait3A_35, %dma_wait3A_36] : memref<32x20x500xi32, #tpu.memory_space<hbm>> -> memref<1x20x500xi32, #tpu.memory_space<hbm>>
    %dma_wait3A_38 = tpu.memref_squeeze %dma_wait3A_37 : memref<1x20x500xi32, #tpu.memory_space<hbm>> -> memref<20x500xi32, #tpu.memory_space<hbm>>
    %dma_wait3A_39 = arith.constant 0 : i32
    %dma_wait3A_40 = arith.constant 0 : i32
    %dma_wait3A_41 = tpu.memref_slice %arg3[%add3A, %dma_wait3A_39, %dma_wait3A_40] : memref<32x20x500xi32, #tpu.memory_space<hbm>> -> memref<1x20x500xi32, #tpu.memory_space<hbm>>
    %dma_wait3A_42 = tpu.memref_squeeze %dma_wait3A_41 : memref<1x20x500xi32, #tpu.memory_space<hbm>> -> memref<20x500xi32, #tpu.memory_space<hbm>>
    tpu.wait_dma2 semaphore(%arg16 : memref<!tpu.dma_semaphore, #tpu.memory_space<semaphore_mem>>) src(%dma_wait3A_42 : memref<20x500xi32, #tpu.memory_space<hbm>>) dst(%arg6 : memref<20x500xi32, #tpu.memory_space<vmem>>)
    %dma_wait3A_43 = arith.constant 0 : i32
    %dma_wait3A_44 = arith.constant 0 : i32
    %dma_wait3A_45 = tpu.memref_slice %arg4[%add3A, %dma_wait3A_43, %dma_wait3A_44] : memref<32x20x500xi32, #tpu.memory_space<hbm>> -> memref<1x20x500xi32, #tpu.memory_space<hbm>>
    %dma_wait3A_46 = tpu.memref_squeeze %dma_wait3A_45 : memref<1x20x500xi32, #tpu.memory_space<hbm>> -> memref<20x500xi32, #tpu.memory_space<hbm>>
    %dma_wait3A_47 = arith.constant 0 : i32
    %dma_wait3A_48 = arith.constant 0 : i32
    %dma_wait3A_49 = tpu.memref_slice %arg4[%add3A, %dma_wait3A_47, %dma_wait3A_48] : memref<32x20x500xi32, #tpu.memory_space<hbm>> -> memref<1x20x500xi32, #tpu.memory_space<hbm>>
    %dma_wait3A_50 = tpu.memref_squeeze %dma_wait3A_49 : memref<1x20x500xi32, #tpu.memory_space<hbm>> -> memref<20x500xi32, #tpu.memory_space<hbm>>
    tpu.wait_dma2 semaphore(%arg17 : memref<!tpu.dma_semaphore, #tpu.memory_space<semaphore_mem>>) src(%dma_wait3A_50 : memref<20x500xi32, #tpu.memory_space<hbm>>) dst(%arg7 : memref<20x500xi32, #tpu.memory_space<vmem>>)
    %barrier3A = arith.constant 0 : index
    tpu.barrier barrier_id(%barrier3A)
    %dma_start3A_51 = arith.constant 0 : i32
    %dma_start3A_52 = arith.constant 0 : i32
    %dma_start3A_53 = tpu.memref_slice %arg6[%dma_start3A_51, %dma_start3A_52] : memref<20x500xi32, #tpu.memory_space<vmem>> -> memref<1x500xi32, #tpu.memory_space<vmem>>
    %dma_start3A_54 = tpu.memref_squeeze %dma_start3A_53 : memref<1x500xi32, #tpu.memory_space<vmem>> -> memref<500xi32, #tpu.memory_space<vmem>>
    %dma_start3A_55 = arith.constant 0 : i32
    %dma_start3A_56 = arith.constant 0 : i32
    %dma_start3A_57 = tpu.memref_slice %arg14[%dma_start3A_55, %dma_start3A_56] : memref<10000x16xf32, #tpu.memory_space<vmem_shared>> -> memref<10000x16xf32, #tpu.memory_space<vmem_shared>>
    tpu.enqueue_indirect_dma source(%dma_start3A_57 : memref<10000x16xf32, #tpu.memory_space<vmem_shared>>) target(%arg10 : memref<500x16xf32, #tpu.memory_space<vmem>>) offsets(%dma_start3A_54 : memref<500xi32, #tpu.memory_space<vmem>>) semaphore(%arg16 : memref<!tpu.dma_semaphore, #tpu.memory_space<semaphore_mem>>)
    %dma_start3A_58 = arith.constant 1 : i32
    %dma_start3A_59 = arith.constant 0 : i32
    %dma_start3A_60 = tpu.memref_slice %arg6[%dma_start3A_58, %dma_start3A_59] : memref<20x500xi32, #tpu.memory_space<vmem>> -> memref<1x500xi32, #tpu.memory_space<vmem>>
    %dma_start3A_61 = tpu.memref_squeeze %dma_start3A_60 : memref<1x500xi32, #tpu.memory_space<vmem>> -> memref<500xi32, #tpu.memory_space<vmem>>
    %dma_start3A_62 = arith.constant 0 : i32
    %dma_start3A_63 = arith.constant 0 : i32
    %dma_start3A_64 = tpu.memref_slice %arg14[%dma_start3A_62, %dma_start3A_63] : memref<10000x16xf32, #tpu.memory_space<vmem_shared>> -> memref<10000x16xf32, #tpu.memory_space<vmem_shared>>
    tpu.enqueue_indirect_dma source(%dma_start3A_64 : memref<10000x16xf32, #tpu.memory_space<vmem_shared>>) target(%arg11 : memref<500x16xf32, #tpu.memory_space<vmem>>) offsets(%dma_start3A_61 : memref<500xi32, #tpu.memory_space<vmem>>) semaphore(%arg17 : memref<!tpu.dma_semaphore, #tpu.memory_space<semaphore_mem>>)
    %dma_start3A_65 = arith.constant 2 : i32
    %dma_start3A_66 = arith.constant 0 : i32
    %dma_start3A_67 = tpu.memref_slice %arg6[%dma_start3A_65, %dma_start3A_66] : memref<20x500xi32, #tpu.memory_space<vmem>> -> memref<1x500xi32, #tpu.memory_space<vmem>>
    %dma_start3A_68 = tpu.memref_squeeze %dma_start3A_67 : memref<1x500xi32, #tpu.memory_space<vmem>> -> memref<500xi32, #tpu.memory_space<vmem>>
    %dma_start3A_69 = arith.constant 0 : i32
    %dma_start3A_70 = arith.constant 0 : i32
    %dma_start3A_71 = tpu.memref_slice %arg14[%dma_start3A_69, %dma_start3A_70] : memref<10000x16xf32, #tpu.memory_space<vmem_shared>> -> memref<10000x16xf32, #tpu.memory_space<vmem_shared>>
    tpu.enqueue_indirect_dma source(%dma_start3A_71 : memref<10000x16xf32, #tpu.memory_space<vmem_shared>>) target(%arg12 : memref<500x16xf32, #tpu.memory_space<vmem>>) offsets(%dma_start3A_68 : memref<500xi32, #tpu.memory_space<vmem>>) semaphore(%arg18 : memref<!tpu.dma_semaphore, #tpu.memory_space<semaphore_mem>>)
    %dma_start3A_72 = arith.constant 3 : i32
    %dma_start3A_73 = arith.constant 0 : i32
    %dma_start3A_74 = tpu.memref_slice %arg6[%dma_start3A_72, %dma_start3A_73] : memref<20x500xi32, #tpu.memory_space<vmem>> -> memref<1x500xi32, #tpu.memory_space<vmem>>
    %dma_start3A_75 = tpu.memref_squeeze %dma_start3A_74 : memref<1x500xi32, #tpu.memory_space<vmem>> -> memref<500xi32, #tpu.memory_space<vmem>>
    %dma_start3A_76 = arith.constant 0 : i32
    %dma_start3A_77 = arith.constant 0 : i32
    %dma_start3A_78 = tpu.memref_slice %arg14[%dma_start3A_76, %dma_start3A_77] : memref<10000x16xf32, #tpu.memory_space<vmem_shared>> -> memref<10000x16xf32, #tpu.memory_space<vmem_shared>>
    tpu.enqueue_indirect_dma source(%dma_start3A_78 : memref<10000x16xf32, #tpu.memory_space<vmem_shared>>) target(%arg13 : memref<500x16xf32, #tpu.memory_space<vmem>>) offsets(%dma_start3A_75 : memref<500xi32, #tpu.memory_space<vmem>>) semaphore(%arg19 : memref<!tpu.dma_semaphore, #tpu.memory_space<semaphore_mem>>)
    %scan3A_79 = arith.constant 0 : i32
    %scan3A_80 = arith.constant 0 : i32
    %scan3A_81 = arith.constant 4 : i32
    %scan3A_82 = arith.addi %scan3A_80, %scan3A_81 : i32
    %scan3A_83 = arith.constant 1 : i32
    scf.for %scan3A_174 = %scan3A_80 to %scan3A_82 step %scan3A_83  : i32 {
      %mul3A_175 = arith.constant 4 : i32
      %mul3A_176 = arith.muli %mul3A_175, %scan3A_174 : i32
      %add3A_177 = arith.constant 0 : i32
      %add3A_178 = arith.addi %mul3A_176, %add3A_177 : i32
      %dma_wait3A_179 = arith.constant 0 : i32
      %dma_wait3A_180 = tpu.memref_slice %arg6[%add3A_178, %dma_wait3A_179] : memref<20x500xi32, #tpu.memory_space<vmem>> -> memref<1x500xi32, #tpu.memory_space<vmem>>
      %dma_wait3A_181 = tpu.memref_squeeze %dma_wait3A_180 : memref<1x500xi32, #tpu.memory_space<vmem>> -> memref<500xi32, #tpu.memory_space<vmem>>
      %dma_wait3A_182 = arith.constant 0 : i32
      %dma_wait3A_183 = arith.constant 0 : i32
      %dma_wait3A_184 = tpu.memref_slice %arg14[%dma_wait3A_182, %dma_wait3A_183] : memref<10000x16xf32, #tpu.memory_space<vmem_shared>> -> memref<10000x16xf32, #tpu.memory_space<vmem_shared>>
      tpu.wait_indirect_dma semaphore(%arg16 : memref<!tpu.dma_semaphore, #tpu.memory_space<semaphore_mem>>) src(%dma_wait3A_184 : memref<10000x16xf32, #tpu.memory_space<vmem_shared>>) dst(%arg10 : memref<500x16xf32, #tpu.memory_space<vmem>>)
      %dma_start3A_185 = arith.constant 0 : i32
      %dma_start3A_186 = tpu.memref_slice %arg7[%add3A_178, %dma_start3A_185] : memref<20x500xi32, #tpu.memory_space<vmem>> -> memref<1x500xi32, #tpu.memory_space<vmem>>
      %dma_start3A_187 = tpu.memref_squeeze %dma_start3A_186 : memref<1x500xi32, #tpu.memory_space<vmem>> -> memref<500xi32, #tpu.memory_space<vmem>>
      %dma_start3A_188 = arith.constant 0 : i32
      %dma_start3A_189 = arith.constant 0 : i32
      %dma_start3A_190 = tpu.memref_slice %arg15[%dma_start3A_188, %dma_start3A_189] : memref<10000x16xf32, #tpu.memory_space<vmem_shared>> -> memref<10000x16xf32, #tpu.memory_space<vmem_shared>>
      tpu.enqueue_indirect_dma source(%arg10 : memref<500x16xf32, #tpu.memory_space<vmem>>) target(%dma_start3A_190 : memref<10000x16xf32, #tpu.memory_space<vmem_shared>>) offsets(%dma_start3A_187 : memref<500xi32, #tpu.memory_space<vmem>>) semaphore(%arg20 : memref<!tpu.dma_semaphore, #tpu.memory_space<semaphore_mem>>) {add = true}
      %mul3A_191 = arith.constant 4 : i32
      %mul3A_192 = arith.muli %mul3A_191, %scan3A_174 : i32
      %add3A_193 = arith.constant 1 : i32
      %add3A_194 = arith.addi %mul3A_192, %add3A_193 : i32
      %dma_wait3A_195 = arith.constant 0 : i32
      %dma_wait3A_196 = tpu.memref_slice %arg6[%add3A_194, %dma_wait3A_195] : memref<20x500xi32, #tpu.memory_space<vmem>> -> memref<1x500xi32, #tpu.memory_space<vmem>>
      %dma_wait3A_197 = tpu.memref_squeeze %dma_wait3A_196 : memref<1x500xi32, #tpu.memory_space<vmem>> -> memref<500xi32, #tpu.memory_space<vmem>>
      %dma_wait3A_198 = arith.constant 0 : i32
      %dma_wait3A_199 = arith.constant 0 : i32
      %dma_wait3A_200 = tpu.memref_slice %arg14[%dma_wait3A_198, %dma_wait3A_199] : memref<10000x16xf32, #tpu.memory_space<vmem_shared>> -> memref<10000x16xf32, #tpu.memory_space<vmem_shared>>
      tpu.wait_indirect_dma semaphore(%arg17 : memref<!tpu.dma_semaphore, #tpu.memory_space<semaphore_mem>>) src(%dma_wait3A_200 : memref<10000x16xf32, #tpu.memory_space<vmem_shared>>) dst(%arg11 : memref<500x16xf32, #tpu.memory_space<vmem>>)
      %dma_start3A_201 = arith.constant 0 : i32
      %dma_start3A_202 = tpu.memref_slice %arg7[%add3A_194, %dma_start3A_201] : memref<20x500xi32, #tpu.memory_space<vmem>> -> memref<1x500xi32, #tpu.memory_space<vmem>>
      %dma_start3A_203 = tpu.memref_squeeze %dma_start3A_202 : memref<1x500xi32, #tpu.memory_space<vmem>> -> memref<500xi32, #tpu.memory_space<vmem>>
      %dma_start3A_204 = arith.constant 0 : i32
      %dma_start3A_205 = arith.constant 0 : i32
      %dma_start3A_206 = tpu.memref_slice %arg15[%dma_start3A_204, %dma_start3A_205] : memref<10000x16xf32, #tpu.memory_space<vmem_shared>> -> memref<10000x16xf32, #tpu.memory_space<vmem_shared>>
      tpu.enqueue_indirect_dma source(%arg11 : memref<500x16xf32, #tpu.memory_space<vmem>>) target(%dma_start3A_206 : memref<10000x16xf32, #tpu.memory_space<vmem_shared>>) offsets(%dma_start3A_203 : memref<500xi32, #tpu.memory_space<vmem>>) semaphore(%arg21 : memref<!tpu.dma_semaphore, #tpu.memory_space<semaphore_mem>>) {add = true}
      %mul3A_207 = arith.constant 4 : i32
      %mul3A_208 = arith.muli %mul3A_207, %scan3A_174 : i32
      %add3A_209 = arith.constant 2 : i32
      %add3A_210 = arith.addi %mul3A_208, %add3A_209 : i32
      %dma_wait3A_211 = arith.constant 0 : i32
      %dma_wait3A_212 = tpu.memref_slice %arg6[%add3A_210, %dma_wait3A_211] : memref<20x500xi32, #tpu.memory_space<vmem>> -> memref<1x500xi32, #tpu.memory_space<vmem>>
      %dma_wait3A_213 = tpu.memref_squeeze %dma_wait3A_212 : memref<1x500xi32, #tpu.memory_space<vmem>> -> memref<500xi32, #tpu.memory_space<vmem>>
      %dma_wait3A_214 = arith.constant 0 : i32
      %dma_wait3A_215 = arith.constant 0 : i32
      %dma_wait3A_216 = tpu.memref_slice %arg14[%dma_wait3A_214, %dma_wait3A_215] : memref<10000x16xf32, #tpu.memory_space<vmem_shared>> -> memref<10000x16xf32, #tpu.memory_space<vmem_shared>>
      tpu.wait_indirect_dma semaphore(%arg18 : memref<!tpu.dma_semaphore, #tpu.memory_space<semaphore_mem>>) src(%dma_wait3A_216 : memref<10000x16xf32, #tpu.memory_space<vmem_shared>>) dst(%arg12 : memref<500x16xf32, #tpu.memory_space<vmem>>)
      %dma_start3A_217 = arith.constant 0 : i32
      %dma_start3A_218 = tpu.memref_slice %arg7[%add3A_210, %dma_start3A_217] : memref<20x500xi32, #tpu.memory_space<vmem>> -> memref<1x500xi32, #tpu.memory_space<vmem>>
      %dma_start3A_219 = tpu.memref_squeeze %dma_start3A_218 : memref<1x500xi32, #tpu.memory_space<vmem>> -> memref<500xi32, #tpu.memory_space<vmem>>
      %dma_start3A_220 = arith.constant 0 : i32
      %dma_start3A_221 = arith.constant 0 : i32
      %dma_start3A_222 = tpu.memref_slice %arg15[%dma_start3A_220, %dma_start3A_221] : memref<10000x16xf32, #tpu.memory_space<vmem_shared>> -> memref<10000x16xf32, #tpu.memory_space<vmem_shared>>
      tpu.enqueue_indirect_dma source(%arg12 : memref<500x16xf32, #tpu.memory_space<vmem>>) target(%dma_start3A_222 : memref<10000x16xf32, #tpu.memory_space<vmem_shared>>) offsets(%dma_start3A_219 : memref<500xi32, #tpu.memory_space<vmem>>) semaphore(%arg22 : memref<!tpu.dma_semaphore, #tpu.memory_space<semaphore_mem>>) {add = true}
      %mul3A_223 = arith.constant 4 : i32
      %mul3A_224 = arith.muli %mul3A_223, %scan3A_174 : i32
      %add3A_225 = arith.constant 3 : i32
      %add3A_226 = arith.addi %mul3A_224, %add3A_225 : i32
      %dma_wait3A_227 = arith.constant 0 : i32
      %dma_wait3A_228 = tpu.memref_slice %arg6[%add3A_226, %dma_wait3A_227] : memref<20x500xi32, #tpu.memory_space<vmem>> -> memref<1x500xi32, #tpu.memory_space<vmem>>
      %dma_wait3A_229 = tpu.memref_squeeze %dma_wait3A_228 : memref<1x500xi32, #tpu.memory_space<vmem>> -> memref<500xi32, #tpu.memory_space<vmem>>
      %dma_wait3A_230 = arith.constant 0 : i32
      %dma_wait3A_231 = arith.constant 0 : i32
      %dma_wait3A_232 = tpu.memref_slice %arg14[%dma_wait3A_230, %dma_wait3A_231] : memref<10000x16xf32, #tpu.memory_space<vmem_shared>> -> memref<10000x16xf32, #tpu.memory_space<vmem_shared>>
      tpu.wait_indirect_dma semaphore(%arg19 : memref<!tpu.dma_semaphore, #tpu.memory_space<semaphore_mem>>) src(%dma_wait3A_232 : memref<10000x16xf32, #tpu.memory_space<vmem_shared>>) dst(%arg13 : memref<500x16xf32, #tpu.memory_space<vmem>>)
      %dma_start3A_233 = arith.constant 0 : i32
      %dma_start3A_234 = tpu.memref_slice %arg7[%add3A_226, %dma_start3A_233] : memref<20x500xi32, #tpu.memory_space<vmem>> -> memref<1x500xi32, #tpu.memory_space<vmem>>
      %dma_start3A_235 = tpu.memref_squeeze %dma_start3A_234 : memref<1x500xi32, #tpu.memory_space<vmem>> -> memref<500xi32, #tpu.memory_space<vmem>>
      %dma_start3A_236 = arith.constant 0 : i32
      %dma_start3A_237 = arith.constant 0 : i32
      %dma_start3A_238 = tpu.memref_slice %arg15[%dma_start3A_236, %dma_start3A_237] : memref<10000x16xf32, #tpu.memory_space<vmem_shared>> -> memref<10000x16xf32, #tpu.memory_space<vmem_shared>>
      tpu.enqueue_indirect_dma source(%arg13 : memref<500x16xf32, #tpu.memory_space<vmem>>) target(%dma_start3A_238 : memref<10000x16xf32, #tpu.memory_space<vmem_shared>>) offsets(%dma_start3A_235 : memref<500xi32, #tpu.memory_space<vmem>>) semaphore(%arg23 : memref<!tpu.dma_semaphore, #tpu.memory_space<semaphore_mem>>) {add = true}
      %mul3A_239 = arith.constant 4 : i32
      %mul3A_240 = arith.muli %mul3A_239, %scan3A_174 : i32
      %add3A_241 = arith.constant 0 : i32
      %add3A_242 = arith.addi %mul3A_240, %add3A_241 : i32
      %dma_wait3A_243 = arith.constant 0 : i32
      %dma_wait3A_244 = tpu.memref_slice %arg7[%add3A_242, %dma_wait3A_243] : memref<20x500xi32, #tpu.memory_space<vmem>> -> memref<1x500xi32, #tpu.memory_space<vmem>>
      %dma_wait3A_245 = tpu.memref_squeeze %dma_wait3A_244 : memref<1x500xi32, #tpu.memory_space<vmem>> -> memref<500xi32, #tpu.memory_space<vmem>>
      %dma_wait3A_246 = arith.constant 0 : i32
      %dma_wait3A_247 = arith.constant 0 : i32
      %dma_wait3A_248 = tpu.memref_slice %arg15[%dma_wait3A_246, %dma_wait3A_247] : memref<10000x16xf32, #tpu.memory_space<vmem_shared>> -> memref<10000x16xf32, #tpu.memory_space<vmem_shared>>
      tpu.wait_indirect_dma semaphore(%arg20 : memref<!tpu.dma_semaphore, #tpu.memory_space<semaphore_mem>>) src(%arg10 : memref<500x16xf32, #tpu.memory_space<vmem>>) dst(%dma_wait3A_248 : memref<10000x16xf32, #tpu.memory_space<vmem_shared>>)
      %add3A_249 = arith.constant 4 : i32
      %add3A_250 = arith.addi %add3A_242, %add3A_249 : i32
      %dma_start3A_251 = arith.constant 0 : i32
      %dma_start3A_252 = tpu.memref_slice %arg6[%add3A_250, %dma_start3A_251] : memref<20x500xi32, #tpu.memory_space<vmem>> -> memref<1x500xi32, #tpu.memory_space<vmem>>
      %dma_start3A_253 = tpu.memref_squeeze %dma_start3A_252 : memref<1x500xi32, #tpu.memory_space<vmem>> -> memref<500xi32, #tpu.memory_space<vmem>>
      %dma_start3A_254 = arith.constant 0 : i32
      %dma_start3A_255 = arith.constant 0 : i32
      %dma_start3A_256 = tpu.memref_slice %arg14[%dma_start3A_254, %dma_start3A_255] : memref<10000x16xf32, #tpu.memory_space<vmem_shared>> -> memref<10000x16xf32, #tpu.memory_space<vmem_shared>>
      tpu.enqueue_indirect_dma source(%dma_start3A_256 : memref<10000x16xf32, #tpu.memory_space<vmem_shared>>) target(%arg10 : memref<500x16xf32, #tpu.memory_space<vmem>>) offsets(%dma_start3A_253 : memref<500xi32, #tpu.memory_space<vmem>>) semaphore(%arg16 : memref<!tpu.dma_semaphore, #tpu.memory_space<semaphore_mem>>)
      %mul3A_257 = arith.constant 4 : i32
      %mul3A_258 = arith.muli %mul3A_257, %scan3A_174 : i32
      %add3A_259 = arith.constant 1 : i32
      %add3A_260 = arith.addi %mul3A_258, %add3A_259 : i32
      %dma_wait3A_261 = arith.constant 0 : i32
      %dma_wait3A_262 = tpu.memref_slice %arg7[%add3A_260, %dma_wait3A_261] : memref<20x500xi32, #tpu.memory_space<vmem>> -> memref<1x500xi32, #tpu.memory_space<vmem>>
      %dma_wait3A_263 = tpu.memref_squeeze %dma_wait3A_262 : memref<1x500xi32, #tpu.memory_space<vmem>> -> memref<500xi32, #tpu.memory_space<vmem>>
      %dma_wait3A_264 = arith.constant 0 : i32
      %dma_wait3A_265 = arith.constant 0 : i32
      %dma_wait3A_266 = tpu.memref_slice %arg15[%dma_wait3A_264, %dma_wait3A_265] : memref<10000x16xf32, #tpu.memory_space<vmem_shared>> -> memref<10000x16xf32, #tpu.memory_space<vmem_shared>>
      tpu.wait_indirect_dma semaphore(%arg21 : memref<!tpu.dma_semaphore, #tpu.memory_space<semaphore_mem>>) src(%arg11 : memref<500x16xf32, #tpu.memory_space<vmem>>) dst(%dma_wait3A_266 : memref<10000x16xf32, #tpu.memory_space<vmem_shared>>)
      %add3A_267 = arith.constant 4 : i32
      %add3A_268 = arith.addi %add3A_260, %add3A_267 : i32
      %dma_start3A_269 = arith.constant 0 : i32
      %dma_start3A_270 = tpu.memref_slice %arg6[%add3A_268, %dma_start3A_269] : memref<20x500xi32, #tpu.memory_space<vmem>> -> memref<1x500xi32, #tpu.memory_space<vmem>>
      %dma_start3A_271 = tpu.memref_squeeze %dma_start3A_270 : memref<1x500xi32, #tpu.memory_space<vmem>> -> memref<500xi32, #tpu.memory_space<vmem>>
      %dma_start3A_272 = arith.constant 0 : i32
      %dma_start3A_273 = arith.constant 0 : i32
      %dma_start3A_274 = tpu.memref_slice %arg14[%dma_start3A_272, %dma_start3A_273] : memref<10000x16xf32, #tpu.memory_space<vmem_shared>> -> memref<10000x16xf32, #tpu.memory_space<vmem_shared>>
      tpu.enqueue_indirect_dma source(%dma_start3A_274 : memref<10000x16xf32, #tpu.memory_space<vmem_shared>>) target(%arg11 : memref<500x16xf32, #tpu.memory_space<vmem>>) offsets(%dma_start3A_271 : memref<500xi32, #tpu.memory_space<vmem>>) semaphore(%arg17 : memref<!tpu.dma_semaphore, #tpu.memory_space<semaphore_mem>>)
      %mul3A_275 = arith.constant 4 : i32
      %mul3A_276 = arith.muli %mul3A_275, %scan3A_174 : i32
      %add3A_277 = arith.constant 2 : i32
      %add3A_278 = arith.addi %mul3A_276, %add3A_277 : i32
      %dma_wait3A_279 = arith.constant 0 : i32
      %dma_wait3A_280 = tpu.memref_slice %arg7[%add3A_278, %dma_wait3A_279] : memref<20x500xi32, #tpu.memory_space<vmem>> -> memref<1x500xi32, #tpu.memory_space<vmem>>
      %dma_wait3A_281 = tpu.memref_squeeze %dma_wait3A_280 : memref<1x500xi32, #tpu.memory_space<vmem>> -> memref<500xi32, #tpu.memory_space<vmem>>
      %dma_wait3A_282 = arith.constant 0 : i32
      %dma_wait3A_283 = arith.constant 0 : i32
      %dma_wait3A_284 = tpu.memref_slice %arg15[%dma_wait3A_282, %dma_wait3A_283] : memref<10000x16xf32, #tpu.memory_space<vmem_shared>> -> memref<10000x16xf32, #tpu.memory_space<vmem_shared>>
      tpu.wait_indirect_dma semaphore(%arg22 : memref<!tpu.dma_semaphore, #tpu.memory_space<semaphore_mem>>) src(%arg12 : memref<500x16xf32, #tpu.memory_space<vmem>>) dst(%dma_wait3A_284 : memref<10000x16xf32, #tpu.memory_space<vmem_shared>>)
      %add3A_285 = arith.constant 4 : i32
      %add3A_286 = arith.addi %add3A_278, %add3A_285 : i32
      %dma_start3A_287 = arith.constant 0 : i32
      %dma_start3A_288 = tpu.memref_slice %arg6[%add3A_286, %dma_start3A_287] : memref<20x500xi32, #tpu.memory_space<vmem>> -> memref<1x500xi32, #tpu.memory_space<vmem>>
      %dma_start3A_289 = tpu.memref_squeeze %dma_start3A_288 : memref<1x500xi32, #tpu.memory_space<vmem>> -> memref<500xi32, #tpu.memory_space<vmem>>
      %dma_start3A_290 = arith.constant 0 : i32
      %dma_start3A_291 = arith.constant 0 : i32
      %dma_start3A_292 = tpu.memref_slice %arg14[%dma_start3A_290, %dma_start3A_291] : memref<10000x16xf32, #tpu.memory_space<vmem_shared>> -> memref<10000x16xf32, #tpu.memory_space<vmem_shared>>
      tpu.enqueue_indirect_dma source(%dma_start3A_292 : memref<10000x16xf32, #tpu.memory_space<vmem_shared>>) target(%arg12 : memref<500x16xf32, #tpu.memory_space<vmem>>) offsets(%dma_start3A_289 : memref<500xi32, #tpu.memory_space<vmem>>) semaphore(%arg18 : memref<!tpu.dma_semaphore, #tpu.memory_space<semaphore_mem>>)
      %mul3A_293 = arith.constant 4 : i32
      %mul3A_294 = arith.muli %mul3A_293, %scan3A_174 : i32
      %add3A_295 = arith.constant 3 : i32
      %add3A_296 = arith.addi %mul3A_294, %add3A_295 : i32
      %dma_wait3A_297 = arith.constant 0 : i32
      %dma_wait3A_298 = tpu.memref_slice %arg7[%add3A_296, %dma_wait3A_297] : memref<20x500xi32, #tpu.memory_space<vmem>> -> memref<1x500xi32, #tpu.memory_space<vmem>>
      %dma_wait3A_299 = tpu.memref_squeeze %dma_wait3A_298 : memref<1x500xi32, #tpu.memory_space<vmem>> -> memref<500xi32, #tpu.memory_space<vmem>>
      %dma_wait3A_300 = arith.constant 0 : i32
      %dma_wait3A_301 = arith.constant 0 : i32
      %dma_wait3A_302 = tpu.memref_slice %arg15[%dma_wait3A_300, %dma_wait3A_301] : memref<10000x16xf32, #tpu.memory_space<vmem_shared>> -> memref<10000x16xf32, #tpu.memory_space<vmem_shared>>
      tpu.wait_indirect_dma semaphore(%arg23 : memref<!tpu.dma_semaphore, #tpu.memory_space<semaphore_mem>>) src(%arg13 : memref<500x16xf32, #tpu.memory_space<vmem>>) dst(%dma_wait3A_302 : memref<10000x16xf32, #tpu.memory_space<vmem_shared>>)
      %add3A_303 = arith.constant 4 : i32
      %add3A_304 = arith.addi %add3A_296, %add3A_303 : i32
      %dma_start3A_305 = arith.constant 0 : i32
      %dma_start3A_306 = tpu.memref_slice %arg6[%add3A_304, %dma_start3A_305] : memref<20x500xi32, #tpu.memory_space<vmem>> -> memref<1x500xi32, #tpu.memory_space<vmem>>
      %dma_start3A_307 = tpu.memref_squeeze %dma_start3A_306 : memref<1x500xi32, #tpu.memory_space<vmem>> -> memref<500xi32, #tpu.memory_space<vmem>>
      %dma_start3A_308 = arith.constant 0 : i32
      %dma_start3A_309 = arith.constant 0 : i32
      %dma_start3A_310 = tpu.memref_slice %arg14[%dma_start3A_308, %dma_start3A_309] : memref<10000x16xf32, #tpu.memory_space<vmem_shared>> -> memref<10000x16xf32, #tpu.memory_space<vmem_shared>>
      tpu.enqueue_indirect_dma source(%dma_start3A_310 : memref<10000x16xf32, #tpu.memory_space<vmem_shared>>) target(%arg13 : memref<500x16xf32, #tpu.memory_space<vmem>>) offsets(%dma_start3A_307 : memref<500xi32, #tpu.memory_space<vmem>>) semaphore(%arg19 : memref<!tpu.dma_semaphore, #tpu.memory_space<semaphore_mem>>)
    }
    %scan3A_84 = arith.constant 4 : i32
    %dma_wait3A_85 = arith.constant 16 : i32
    %dma_wait3A_86 = arith.constant 0 : i32
    %dma_wait3A_87 = tpu.memref_slice %arg6[%dma_wait3A_85, %dma_wait3A_86] : memref<20x500xi32, #tpu.memory_space<vmem>> -> memref<1x500xi32, #tpu.memory_space<vmem>>
    %dma_wait3A_88 = tpu.memref_squeeze %dma_wait3A_87 : memref<1x500xi32, #tpu.memory_space<vmem>> -> memref<500xi32, #tpu.memory_space<vmem>>
    %dma_wait3A_89 = arith.constant 0 : i32
    %dma_wait3A_90 = arith.constant 0 : i32
    %dma_wait3A_91 = tpu.memref_slice %arg14[%dma_wait3A_89, %dma_wait3A_90] : memref<10000x16xf32, #tpu.memory_space<vmem_shared>> -> memref<10000x16xf32, #tpu.memory_space<vmem_shared>>
    tpu.wait_indirect_dma semaphore(%arg16 : memref<!tpu.dma_semaphore, #tpu.memory_space<semaphore_mem>>) src(%dma_wait3A_91 : memref<10000x16xf32, #tpu.memory_space<vmem_shared>>) dst(%arg10 : memref<500x16xf32, #tpu.memory_space<vmem>>)
    %dma_start3A_92 = arith.constant 16 : i32
    %dma_start3A_93 = arith.constant 0 : i32
    %dma_start3A_94 = tpu.memref_slice %arg7[%dma_start3A_92, %dma_start3A_93] : memref<20x500xi32, #tpu.memory_space<vmem>> -> memref<1x500xi32, #tpu.memory_space<vmem>>
    %dma_start3A_95 = tpu.memref_squeeze %dma_start3A_94 : memref<1x500xi32, #tpu.memory_space<vmem>> -> memref<500xi32, #tpu.memory_space<vmem>>
    %dma_start3A_96 = arith.constant 0 : i32
    %dma_start3A_97 = arith.constant 0 : i32
    %dma_start3A_98 = tpu.memref_slice %arg15[%dma_start3A_96, %dma_start3A_97] : memref<10000x16xf32, #tpu.memory_space<vmem_shared>> -> memref<10000x16xf32, #tpu.memory_space<vmem_shared>>
    tpu.enqueue_indirect_dma source(%arg10 : memref<500x16xf32, #tpu.memory_space<vmem>>) target(%dma_start3A_98 : memref<10000x16xf32, #tpu.memory_space<vmem_shared>>) offsets(%dma_start3A_95 : memref<500xi32, #tpu.memory_space<vmem>>) semaphore(%arg20 : memref<!tpu.dma_semaphore, #tpu.memory_space<semaphore_mem>>) {add = true}
    %dma_wait3A_99 = arith.constant 17 : i32
    %dma_wait3A_100 = arith.constant 0 : i32
    %dma_wait3A_101 = tpu.memref_slice %arg6[%dma_wait3A_99, %dma_wait3A_100] : memref<20x500xi32, #tpu.memory_space<vmem>> -> memref<1x500xi32, #tpu.memory_space<vmem>>
    %dma_wait3A_102 = tpu.memref_squeeze %dma_wait3A_101 : memref<1x500xi32, #tpu.memory_space<vmem>> -> memref<500xi32, #tpu.memory_space<vmem>>
    %dma_wait3A_103 = arith.constant 0 : i32
    %dma_wait3A_104 = arith.constant 0 : i32
    %dma_wait3A_105 = tpu.memref_slice %arg14[%dma_wait3A_103, %dma_wait3A_104] : memref<10000x16xf32, #tpu.memory_space<vmem_shared>> -> memref<10000x16xf32, #tpu.memory_space<vmem_shared>>
    tpu.wait_indirect_dma semaphore(%arg17 : memref<!tpu.dma_semaphore, #tpu.memory_space<semaphore_mem>>) src(%dma_wait3A_105 : memref<10000x16xf32, #tpu.memory_space<vmem_shared>>) dst(%arg11 : memref<500x16xf32, #tpu.memory_space<vmem>>)
    %dma_start3A_106 = arith.constant 17 : i32
    %dma_start3A_107 = arith.constant 0 : i32
    %dma_start3A_108 = tpu.memref_slice %arg7[%dma_start3A_106, %dma_start3A_107] : memref<20x500xi32, #tpu.memory_space<vmem>> -> memref<1x500xi32, #tpu.memory_space<vmem>>
    %dma_start3A_109 = tpu.memref_squeeze %dma_start3A_108 : memref<1x500xi32, #tpu.memory_space<vmem>> -> memref<500xi32, #tpu.memory_space<vmem>>
    %dma_start3A_110 = arith.constant 0 : i32
    %dma_start3A_111 = arith.constant 0 : i32
    %dma_start3A_112 = tpu.memref_slice %arg15[%dma_start3A_110, %dma_start3A_111] : memref<10000x16xf32, #tpu.memory_space<vmem_shared>> -> memref<10000x16xf32, #tpu.memory_space<vmem_shared>>
    tpu.enqueue_indirect_dma source(%arg11 : memref<500x16xf32, #tpu.memory_space<vmem>>) target(%dma_start3A_112 : memref<10000x16xf32, #tpu.memory_space<vmem_shared>>) offsets(%dma_start3A_109 : memref<500xi32, #tpu.memory_space<vmem>>) semaphore(%arg21 : memref<!tpu.dma_semaphore, #tpu.memory_space<semaphore_mem>>) {add = true}
    %dma_wait3A_113 = arith.constant 18 : i32
    %dma_wait3A_114 = arith.constant 0 : i32
    %dma_wait3A_115 = tpu.memref_slice %arg6[%dma_wait3A_113, %dma_wait3A_114] : memref<20x500xi32, #tpu.memory_space<vmem>> -> memref<1x500xi32, #tpu.memory_space<vmem>>
    %dma_wait3A_116 = tpu.memref_squeeze %dma_wait3A_115 : memref<1x500xi32, #tpu.memory_space<vmem>> -> memref<500xi32, #tpu.memory_space<vmem>>
    %dma_wait3A_117 = arith.constant 0 : i32
    %dma_wait3A_118 = arith.constant 0 : i32
    %dma_wait3A_119 = tpu.memref_slice %arg14[%dma_wait3A_117, %dma_wait3A_118] : memref<10000x16xf32, #tpu.memory_space<vmem_shared>> -> memref<10000x16xf32, #tpu.memory_space<vmem_shared>>
    tpu.wait_indirect_dma semaphore(%arg18 : memref<!tpu.dma_semaphore, #tpu.memory_space<semaphore_mem>>) src(%dma_wait3A_119 : memref<10000x16xf32, #tpu.memory_space<vmem_shared>>) dst(%arg12 : memref<500x16xf32, #tpu.memory_space<vmem>>)
    %dma_start3A_120 = arith.constant 18 : i32
    %dma_start3A_121 = arith.constant 0 : i32
    %dma_start3A_122 = tpu.memref_slice %arg7[%dma_start3A_120, %dma_start3A_121] : memref<20x500xi32, #tpu.memory_space<vmem>> -> memref<1x500xi32, #tpu.memory_space<vmem>>
    %dma_start3A_123 = tpu.memref_squeeze %dma_start3A_122 : memref<1x500xi32, #tpu.memory_space<vmem>> -> memref<500xi32, #tpu.memory_space<vmem>>
    %dma_start3A_124 = arith.constant 0 : i32
    %dma_start3A_125 = arith.constant 0 : i32
    %dma_start3A_126 = tpu.memref_slice %arg15[%dma_start3A_124, %dma_start3A_125] : memref<10000x16xf32, #tpu.memory_space<vmem_shared>> -> memref<10000x16xf32, #tpu.memory_space<vmem_shared>>
    tpu.enqueue_indirect_dma source(%arg12 : memref<500x16xf32, #tpu.memory_space<vmem>>) target(%dma_start3A_126 : memref<10000x16xf32, #tpu.memory_space<vmem_shared>>) offsets(%dma_start3A_123 : memref<500xi32, #tpu.memory_space<vmem>>) semaphore(%arg22 : memref<!tpu.dma_semaphore, #tpu.memory_space<semaphore_mem>>) {add = true}
    %dma_wait3A_127 = arith.constant 19 : i32
    %dma_wait3A_128 = arith.constant 0 : i32
    %dma_wait3A_129 = tpu.memref_slice %arg6[%dma_wait3A_127, %dma_wait3A_128] : memref<20x500xi32, #tpu.memory_space<vmem>> -> memref<1x500xi32, #tpu.memory_space<vmem>>
    %dma_wait3A_130 = tpu.memref_squeeze %dma_wait3A_129 : memref<1x500xi32, #tpu.memory_space<vmem>> -> memref<500xi32, #tpu.memory_space<vmem>>
    %dma_wait3A_131 = arith.constant 0 : i32
    %dma_wait3A_132 = arith.constant 0 : i32
    %dma_wait3A_133 = tpu.memref_slice %arg14[%dma_wait3A_131, %dma_wait3A_132] : memref<10000x16xf32, #tpu.memory_space<vmem_shared>> -> memref<10000x16xf32, #tpu.memory_space<vmem_shared>>
    tpu.wait_indirect_dma semaphore(%arg19 : memref<!tpu.dma_semaphore, #tpu.memory_space<semaphore_mem>>) src(%dma_wait3A_133 : memref<10000x16xf32, #tpu.memory_space<vmem_shared>>) dst(%arg13 : memref<500x16xf32, #tpu.memory_space<vmem>>)
    %dma_start3A_134 = arith.constant 19 : i32
    %dma_start3A_135 = arith.constant 0 : i32
    %dma_start3A_136 = tpu.memref_slice %arg7[%dma_start3A_134, %dma_start3A_135] : memref<20x500xi32, #tpu.memory_space<vmem>> -> memref<1x500xi32, #tpu.memory_space<vmem>>
    %dma_start3A_137 = tpu.memref_squeeze %dma_start3A_136 : memref<1x500xi32, #tpu.memory_space<vmem>> -> memref<500xi32, #tpu.memory_space<vmem>>
    %dma_start3A_138 = arith.constant 0 : i32
    %dma_start3A_139 = arith.constant 0 : i32
    %dma_start3A_140 = tpu.memref_slice %arg15[%dma_start3A_138, %dma_start3A_139] : memref<10000x16xf32, #tpu.memory_space<vmem_shared>> -> memref<10000x16xf32, #tpu.memory_space<vmem_shared>>
    tpu.enqueue_indirect_dma source(%arg13 : memref<500x16xf32, #tpu.memory_space<vmem>>) target(%dma_start3A_140 : memref<10000x16xf32, #tpu.memory_space<vmem_shared>>) offsets(%dma_start3A_137 : memref<500xi32, #tpu.memory_space<vmem>>) semaphore(%arg23 : memref<!tpu.dma_semaphore, #tpu.memory_space<semaphore_mem>>) {add = true}
    %dma_wait3A_141 = arith.constant 16 : i32
    %dma_wait3A_142 = arith.constant 0 : i32
    %dma_wait3A_143 = tpu.memref_slice %arg7[%dma_wait3A_141, %dma_wait3A_142] : memref<20x500xi32, #tpu.memory_space<vmem>> -> memref<1x500xi32, #tpu.memory_space<vmem>>
    %dma_wait3A_144 = tpu.memref_squeeze %dma_wait3A_143 : memref<1x500xi32, #tpu.memory_space<vmem>> -> memref<500xi32, #tpu.memory_space<vmem>>
    %dma_wait3A_145 = arith.constant 0 : i32
    %dma_wait3A_146 = arith.constant 0 : i32
    %dma_wait3A_147 = tpu.memref_slice %arg15[%dma_wait3A_145, %dma_wait3A_146] : memref<10000x16xf32, #tpu.memory_space<vmem_shared>> -> memref<10000x16xf32, #tpu.memory_space<vmem_shared>>
    tpu.wait_indirect_dma semaphore(%arg20 : memref<!tpu.dma_semaphore, #tpu.memory_space<semaphore_mem>>) src(%arg10 : memref<500x16xf32, #tpu.memory_space<vmem>>) dst(%dma_wait3A_147 : memref<10000x16xf32, #tpu.memory_space<vmem_shared>>)
    %dma_wait3A_148 = arith.constant 17 : i32
    %dma_wait3A_149 = arith.constant 0 : i32
    %dma_wait3A_150 = tpu.memref_slice %arg7[%dma_wait3A_148, %dma_wait3A_149] : memref<20x500xi32, #tpu.memory_space<vmem>> -> memref<1x500xi32, #tpu.memory_space<vmem>>
    %dma_wait3A_151 = tpu.memref_squeeze %dma_wait3A_150 : memref<1x500xi32, #tpu.memory_space<vmem>> -> memref<500xi32, #tpu.memory_space<vmem>>
    %dma_wait3A_152 = arith.constant 0 : i32
    %dma_wait3A_153 = arith.constant 0 : i32
    %dma_wait3A_154 = tpu.memref_slice %arg15[%dma_wait3A_152, %dma_wait3A_153] : memref<10000x16xf32, #tpu.memory_space<vmem_shared>> -> memref<10000x16xf32, #tpu.memory_space<vmem_shared>>
    tpu.wait_indirect_dma semaphore(%arg21 : memref<!tpu.dma_semaphore, #tpu.memory_space<semaphore_mem>>) src(%arg11 : memref<500x16xf32, #tpu.memory_space<vmem>>) dst(%dma_wait3A_154 : memref<10000x16xf32, #tpu.memory_space<vmem_shared>>)
    %dma_wait3A_155 = arith.constant 18 : i32
    %dma_wait3A_156 = arith.constant 0 : i32
    %dma_wait3A_157 = tpu.memref_slice %arg7[%dma_wait3A_155, %dma_wait3A_156] : memref<20x500xi32, #tpu.memory_space<vmem>> -> memref<1x500xi32, #tpu.memory_space<vmem>>
    %dma_wait3A_158 = tpu.memref_squeeze %dma_wait3A_157 : memref<1x500xi32, #tpu.memory_space<vmem>> -> memref<500xi32, #tpu.memory_space<vmem>>
    %dma_wait3A_159 = arith.constant 0 : i32
    %dma_wait3A_160 = arith.constant 0 : i32
    %dma_wait3A_161 = tpu.memref_slice %arg15[%dma_wait3A_159, %dma_wait3A_160] : memref<10000x16xf32, #tpu.memory_space<vmem_shared>> -> memref<10000x16xf32, #tpu.memory_space<vmem_shared>>
    tpu.wait_indirect_dma semaphore(%arg22 : memref<!tpu.dma_semaphore, #tpu.memory_space<semaphore_mem>>) src(%arg12 : memref<500x16xf32, #tpu.memory_space<vmem>>) dst(%dma_wait3A_161 : memref<10000x16xf32, #tpu.memory_space<vmem_shared>>)
    %dma_wait3A_162 = arith.constant 19 : i32
    %dma_wait3A_163 = arith.constant 0 : i32
    %dma_wait3A_164 = tpu.memref_slice %arg7[%dma_wait3A_162, %dma_wait3A_163] : memref<20x500xi32, #tpu.memory_space<vmem>> -> memref<1x500xi32, #tpu.memory_space<vmem>>
    %dma_wait3A_165 = tpu.memref_squeeze %dma_wait3A_164 : memref<1x500xi32, #tpu.memory_space<vmem>> -> memref<500xi32, #tpu.memory_space<vmem>>
    %dma_wait3A_166 = arith.constant 0 : i32
    %dma_wait3A_167 = arith.constant 0 : i32
    %dma_wait3A_168 = tpu.memref_slice %arg15[%dma_wait3A_166, %dma_wait3A_167] : memref<10000x16xf32, #tpu.memory_space<vmem_shared>> -> memref<10000x16xf32, #tpu.memory_space<vmem_shared>>
    tpu.wait_indirect_dma semaphore(%arg23 : memref<!tpu.dma_semaphore, #tpu.memory_space<semaphore_mem>>) src(%arg13 : memref<500x16xf32, #tpu.memory_space<vmem>>) dst(%dma_wait3A_168 : memref<10000x16xf32, #tpu.memory_space<vmem_shared>>)
    %barrier3A_169 = arith.constant 0 : index
    tpu.barrier barrier_id(%barrier3A_169)
    %mul3A_170 = arith.constant 625 : i32
    %mul3A_171 = arith.muli %arg1, %mul3A_170 : i32
    %mul3A_172 = arith.constant 625 : i32
    %mul3A_173 = arith.muli %arg1, %mul3A_172 : i32
    "tpu.region"() ({
      %run_scoped3A = tpu.sem_alloc : memref<!tpu.dma_semaphore, #tpu.memory_space<semaphore_mem>>
      %dma_start3A_174 = arith.constant 0 : i32
      %dma_start3A_175 = tpu.memref_slice %arg5[%arg0, %mul3A_173, %dma_start3A_174] : memref<2x10048x16xf32, #tpu.memory_space<hbm>> -> memref<1x625x16xf32, #tpu.memory_space<hbm>>
      %dma_start3A_176 = tpu.memref_squeeze %dma_start3A_175 : memref<1x625x16xf32, #tpu.memory_space<hbm>> -> memref<625x16xf32, #tpu.memory_space<hbm>>
      %dma_start3A_177 = arith.constant 0 : i32
      %dma_start3A_178 = tpu.memref_slice %arg15[%mul3A_171, %dma_start3A_177] : memref<10000x16xf32, #tpu.memory_space<vmem_shared>> -> memref<625x16xf32, #tpu.memory_space<vmem_shared>>
      tpu.enqueue_dma source(%dma_start3A_178 : memref<625x16xf32, #tpu.memory_space<vmem_shared>>) target(%dma_start3A_176 : memref<625x16xf32, #tpu.memory_space<hbm>>) target_semaphore(%run_scoped3A : memref<!tpu.dma_semaphore, #tpu.memory_space<semaphore_mem>>)
      %dma_wait3A_179 = arith.constant 0 : i32
      %dma_wait3A_180 = tpu.memref_slice %arg5[%arg0, %mul3A_173, %dma_wait3A_179] : memref<2x10048x16xf32, #tpu.memory_space<hbm>> -> memref<1x625x16xf32, #tpu.memory_space<hbm>>
      %dma_wait3A_181 = tpu.memref_squeeze %dma_wait3A_180 : memref<1x625x16xf32, #tpu.memory_space<hbm>> -> memref<625x16xf32, #tpu.memory_space<hbm>>
      %dma_wait3A_182 = arith.constant 0 : i32
      %dma_wait3A_183 = tpu.memref_slice %arg15[%mul3A_171, %dma_wait3A_182] : memref<10000x16xf32, #tpu.memory_space<vmem_shared>> -> memref<625x16xf32, #tpu.memory_space<vmem_shared>>
      tpu.wait_dma2 semaphore(%run_scoped3A : memref<!tpu.dma_semaphore, #tpu.memory_space<semaphore_mem>>) src(%dma_wait3A_183 : memref<625x16xf32, #tpu.memory_space<vmem_shared>>) dst(%dma_wait3A_181 : memref<625x16xf32, #tpu.memory_space<hbm>>)
      tpu.yield
    }) : () -> ()
    return
  }
}

module attributes {stable_mosaic.version = 14 : i64} {
  func.func @_matmul1_body(%arg0: memref<10000x128xf32, #tpu.memory_space<vmem>>, %arg1: memref<128x16xf32, #tpu.memory_space<vmem>>, %arg2: memref<10000x16xf32, #tpu.memory_space<vmem>>) attributes {dimension_semantics = [], scalar_prefetch = 0 : i64, scratch_operands = 0 : i64, tpu.core_type = #tpu.core_type<tc>} {
    %get3A = arith.constant 0 : index
    %get3A_0 = arith.constant 0 : index
    %get3A_1 = vector.load %arg0[%get3A, %get3A_0] : memref<10000x128xf32, #tpu.memory_space<vmem>>, vector<10000x128xf32>
    %get3A_2 = arith.constant 0 : index
    %get3A_3 = arith.constant 0 : index
    %get3A_4 = vector.load %arg1[%get3A_2, %get3A_3] : memref<128x16xf32, #tpu.memory_space<vmem>>, vector<128x16xf32>
    %dot_general3A = arith.constant dense<0.000000e+00> : vector<10000x16xf32>
    %dot_general3A_5 = tpu.matmul %get3A_1, %get3A_4, %dot_general3A {dimension_numbers = #tpu.dot_dimension_numbers<[1], [0], [0], [1], [0, 0, 1, 1], [], []>, transpose_lhs_hint = false} : vector<10000x128xf32>, vector<128x16xf32>, vector<10000x16xf32> -> vector<10000x16xf32>
    %swap3A = arith.constant 0 : index
    %swap3A_6 = arith.constant 0 : index
    %swap3A_7 = vector.load %arg2[%swap3A, %swap3A_6] : memref<10000x16xf32, #tpu.memory_space<vmem>>, vector<10000x16xf32>
    tpu.vector_store %arg2[%swap3A, %swap3A_6], %dot_general3A_5 {strides = array<i32>} : memref<10000x16xf32, #tpu.memory_space<vmem>>, vector<10000x16xf32>,
    return
  }
}

module attributes {stable_mosaic.version = 14 : i64} {
  func.func @_dense2_body(%arg0: memref<1250x128xf32, #tpu.memory_space<vmem>>, %arg1: memref<2512x128xf32, #tpu.memory_space<vmem>>, %arg2: memref<1250x128xf32, #tpu.memory_space<vmem>>, %arg3: memref<1x128xf32, #tpu.memory_space<vmem>>, %arg4: memref<128x128xf32, #tpu.memory_space<vmem>>, %arg5: memref<1250x128xf32, #tpu.memory_space<vmem>>) attributes {dimension_semantics = [], scalar_prefetch = 0 : i64, scratch_operands = 0 : i64, tpu.core_type = #tpu.core_type<tc>} {
    %get3A = arith.constant 0 : index
    %get3A_0 = arith.constant 0 : index
    %get3A_1 = vector.load %arg2[%get3A, %get3A_0] : memref<1250x128xf32, #tpu.memory_space<vmem>>, vector<1250x128xf32>
    %get3A_2 = arith.constant 0 : index
    %get3A_3 = arith.constant 0 : index
    %get3A_4 = vector.load %arg1[%get3A_2, %get3A_3] : memref<2512x128xf32, #tpu.memory_space<vmem>>, vector<2512x128xf32>
    %get3A_5 = arith.constant 0 : index
    %get3A_6 = arith.constant 0 : index
    %get3A_7 = vector.load %arg0[%get3A_5, %get3A_6] : memref<1250x128xf32, #tpu.memory_space<vmem>>, vector<1250x128xf32>
    %slice3A = vector.extract_strided_slice %get3A_4 {offsets = [0, 0], sizes = [1250, 128], strides = [1, 1]} : vector<2512x128xf32> to vector<1250x128xf32>
    %add3A = arith.addf %get3A_7, %slice3A : vector<1250x128xf32>
    %slice3A_8 = vector.extract_strided_slice %get3A_4 {offsets = [1256, 0], sizes = [1250, 128], strides = [1, 1]} : vector<2512x128xf32> to vector<1250x128xf32>
    %add3A_9 = arith.addf %add3A, %slice3A_8 : vector<1250x128xf32>
    %mul3A = arith.mulf %get3A_1, %add3A_9 : vector<1250x128xf32>
    %get3A_10 = arith.constant 0 : index
    %get3A_11 = arith.constant 0 : index
    %get3A_12 = vector.load %arg3[%get3A_10, %get3A_11] : memref<1x128xf32, #tpu.memory_space<vmem>>, vector<1x128xf32>
    %add3A_13 = vector.broadcast %get3A_12 : vector<1x128xf32> to vector<1250x128xf32>
    %add3A_14 = arith.addf %mul3A, %add3A_13 : vector<1250x128xf32>
    %max3A = arith.constant 0.000000e+00 : f32
    %max3A_15 = vector.broadcast %max3A : f32 to vector<1250x128xf32>
    %max3A_16 = arith.maximumf %add3A_14, %max3A_15 : vector<1250x128xf32>
    %get3A_17 = arith.constant 0 : index
    %get3A_18 = arith.constant 0 : index
    %get3A_19 = vector.load %arg4[%get3A_17, %get3A_18] : memref<128x128xf32, #tpu.memory_space<vmem>>, vector<128x128xf32>
    %dot_general3A = arith.constant dense<0.000000e+00> : vector<1250x128xf32>
    %dot_general3A_20 = tpu.matmul %max3A_16, %get3A_19, %dot_general3A {dimension_numbers = #tpu.dot_dimension_numbers<[1], [0], [0], [1], [0, 0, 1, 1], [], []>, transpose_lhs_hint = false} : vector<1250x128xf32>, vector<128x128xf32>, vector<1250x128xf32> -> vector<1250x128xf32>
    %mul3A_21 = arith.mulf %dot_general3A_20, %get3A_1 : vector<1250x128xf32>
    %swap3A = arith.constant 0 : index
    %swap3A_22 = arith.constant 0 : index
    %swap3A_23 = vector.load %arg5[%swap3A, %swap3A_22] : memref<1250x128xf32, #tpu.memory_space<vmem>>, vector<1250x128xf32>
    tpu.vector_store %arg5[%swap3A, %swap3A_22], %mul3A_21 {strides = array<i32>} : memref<1250x128xf32, #tpu.memory_space<vmem>>, vector<1250x128xf32>,
    return
  }
}

module attributes {stable_mosaic.version = 14 : i64} {
  func.func @_dense3_body(%arg0: memref<1250x128xf32, #tpu.memory_space<vmem>>, %arg1: memref<2512x128xf32, #tpu.memory_space<vmem>>, %arg2: memref<1250x128xf32, #tpu.memory_space<vmem>>, %arg3: memref<1x128xf32, #tpu.memory_space<vmem>>, %arg4: memref<1250x128xf32, #tpu.memory_space<vmem>>) attributes {dimension_semantics = [], scalar_prefetch = 0 : i64, scratch_operands = 0 : i64, tpu.core_type = #tpu.core_type<tc>} {
    %get3A = arith.constant 0 : index
    %get3A_0 = arith.constant 0 : index
    %get3A_1 = vector.load %arg1[%get3A, %get3A_0] : memref<2512x128xf32, #tpu.memory_space<vmem>>, vector<2512x128xf32>
    %get3A_2 = arith.constant 0 : index
    %get3A_3 = arith.constant 0 : index
    %get3A_4 = vector.load %arg2[%get3A_2, %get3A_3] : memref<1250x128xf32, #tpu.memory_space<vmem>>, vector<1250x128xf32>
    %get3A_5 = arith.constant 0 : index
    %get3A_6 = arith.constant 0 : index
    %get3A_7 = vector.load %arg0[%get3A_5, %get3A_6] : memref<1250x128xf32, #tpu.memory_space<vmem>>, vector<1250x128xf32>
    %slice3A = vector.extract_strided_slice %get3A_1 {offsets = [0, 0], sizes = [1250, 128], strides = [1, 1]} : vector<2512x128xf32> to vector<1250x128xf32>
    %add3A = arith.addf %get3A_7, %slice3A : vector<1250x128xf32>
    %slice3A_8 = vector.extract_strided_slice %get3A_1 {offsets = [1256, 0], sizes = [1250, 128], strides = [1, 1]} : vector<2512x128xf32> to vector<1250x128xf32>
    %add3A_9 = arith.addf %add3A, %slice3A_8 : vector<1250x128xf32>
    %mul3A = arith.mulf %get3A_4, %add3A_9 : vector<1250x128xf32>
    %get3A_10 = arith.constant 0 : index
    %get3A_11 = arith.constant 0 : index
    %get3A_12 = vector.load %arg3[%get3A_10, %get3A_11] : memref<1x128xf32, #tpu.memory_space<vmem>>, vector<1x128xf32>
    %add3A_13 = vector.broadcast %get3A_12 : vector<1x128xf32> to vector<1250x128xf32>
    %add3A_14 = arith.addf %mul3A, %add3A_13 : vector<1250x128xf32>
    %swap3A = arith.constant 0 : index
    %swap3A_15 = arith.constant 0 : index
    %swap3A_16 = vector.load %arg4[%swap3A, %swap3A_15] : memref<1250x128xf32, #tpu.memory_space<vmem>>, vector<1250x128xf32>
    tpu.vector_store %arg4[%swap3A, %swap3A_15], %add3A_14 {strides = array<i32>} : memref<1250x128xf32, #tpu.memory_space<vmem>>, vector<1250x128xf32>,
    return
  }
}

</mosaic_0001>

<sc_bundles>
// kernel: kernel.11.cloned.1.call-start
scs
__scs_entry_jumppad:
0x0: {  	(pc) =	sbr.rel $0x88, $3  }
0x1: {  	(tag) =	ssettag $0x0;
	lr =	simm.s32 $0x1  }
0x2: {  	[smem:$0x3F9B] =	sst lr;
	_ =	strace $0xD0000000  }
0x3: {  	_ = 	snop  }
0x4: {  	_ = 	snop  }
0x5: {  	_ = 	snop  }
0x6: {  	_ = 	snop  }
0x7: {  	_ = 	snop  }
__scs_overlays_trampoline_lowered:
0x8: {  	[smem:$0x3FAA] =	sst s0  }
0x9: {  	[smem:$0x3FAB] =	sst s1  }
0xa: {  	[smem:$0x3FAC] =	sst s2  }
0xb: {  	[smem:$0x3FAD] =	sst s3  }
0xc: {  	[smem:$0x3FAE] =	sst s4  }
0xd: {  	[smem:$0x3FAF] =	sst s5  }
0xe: {  	[smem:$0x3FB0] =	sst s6  }
0xf: {  	[smem:$0x3FB1] =	sst s7  }
0x10: {  	[smem:$0x3FB2] =	sst s8  }
0x11: {  	[smem:$0x3FB3] =	sst s9;
	s0 =	simm.s32 @!p0 $0x0  }
0x12: {  	s1 =	sld [smem:$0x3F99];
	s0 =	simm.s32 @p0 $0x1  }
0x13: {  	[smem:$0x3FB4] =	sst s0;
	s0 =	simm.s32 @!p1 $0x0  }
0x14: {  	s2 =	sld [smem:$0x3F98];
	s0 =	simm.s32 @p1 $0x1  }
0x15: {  	[smem:$0x3FB5] =	sst s0;
	s0 =	simm.s32 @!p2 $0x0  }
0x16: {  	s3 =	sld [smem:$0x3FDB];
	s0 =	simm.s32 @p2 $0x1  }
0x17: {  	s4 =	simm.s32 $0x1BF5;
	[smem:$0x3FB7] =	sst s0  }
0x18: {  	s0 =	sld [smem:$0x3F9A];
	_ =	swait.ge [sflag:s4], $0x0  }
0x19: {  	s7 =	sld [smem:$0x3F9B]  }
0x1a: {  	s8 =	sadd.s32 $0xFFFFE003, lr  }
0x1b: {  	s9 =	sadd.s32 $0xFFFFFEF7, lr;
	s5 =	simm.s32 $0xFFFFFFFF;
	p2 =	slt.u32 s8, $0xFFFFF086  }
0x1c: {  	p1 =	slt.u32 s9, $0xF7A;
	s5 =	simm.s32 @!p2 $0x0  }
0x1d: {  	s5 =	simm.s32 @p1 $0x1;
	p0 =	seq.s32 s7, s2  }
0x1e: {  	s7 =	smul.u32 @!p0 $0xF7A, s2;
	p2 =	seq.s32 @!p0 s5, $0x0  }
0x1f: {  	s9 =	smul.u32 $0xF7A, s1;
	s8 =	simm.s32 @!p0 $0x1BF5;
	p2 =	por !p2, p0  }
0x20: {  	[sflag:s8] =	ssyncset.s32 @!p0 $0xFFFFF086;
	s6 =	sadd.s32 @!p0 s3, s7;
	s7 =	simm.s32 @!p0 $0x108  }
0x21: {  	s3 =	sadd.s32 s3, s9;
	s6 =	sadd.s32 @!p0 $0x88, s6;
	s7 =	simm.s32 @p2 $0x1082  }
0x22: {  	[simem:s7], [sflag:s8] =	dma.local @!p0 [hbm:s6], $0xF7A  }
0x23: {  	s9 =	sor.u32 $0xD0000000, s2;
	s6 =	simm.s32 $0x108;
	_ =	swait.ge @!p0 [sflag:s8], $0x0  }
0x24: {  	s3 =	sadd.s32 $0x88, s3;
	s6 =	simm.s32 @!p1 $0x1082;
	[sflag:s4] =	ssyncset.s32 $0xFFFFF086  }
0x25: {  	[simem:s6], [sflag:s4] =	dma.local [hbm:s3], $0xF7A  }
0x26: {  	[smem:$0x3F9B] =	sst s1;
	(tag) =	ssettag s2;
	_ =	strace s9  }
0x27: {  	s1 =	sld [smem:$0x3FAB]  }
0x28: {  	s2 =	sld [smem:$0x3FAC]  }
0x29: {  	s4 =	sld [smem:$0x3FAE]  }
0x2a: {  	p0 =	seq.s32 s5, $0x0;
	s5 =	sld [smem:$0x3FAF]  }
0x2b: {  	s6 =	sld [smem:$0x3FB0]  }
0x2c: {  	s7 =	sld [smem:$0x3FB1]  }
0x2d: {  	s3 =	simm.s32 $0x108;
	s8 =	sld [smem:$0x3FB2]  }
0x2e: {  	s3 =	simm.s32 @!p0 $0x1082;
	s9 =	sld [smem:$0x3FB3]  }
0x2f: {  	lr =	sadd.s32 s0, s3;
	s0 =	sld [smem:$0x3FAA]  }
0x30: {  	s3 =	sld [smem:$0x3FAD]  }
0x31: {  	[smem:$0x3FB6] =	sst s10  }
0x32: {  	s10 =	sld [smem:$0x3FB4];
	_ =	sdelay $0x3  }
0x33: {  	p0 =	seq.s32 s10, $0x1;
	s10 =	sld [smem:$0x3FB6];
	_ =	sdelay $0x3  }
0x34: {  	[smem:$0x3FB6] =	sst s10  }
0x35: {  	s10 =	sld [smem:$0x3FB5];
	_ =	sdelay $0x3  }
0x36: {  	p1 =	seq.s32 s10, $0x1;
	s10 =	sld [smem:$0x3FB6];
	_ =	sdelay $0x3  }
0x37: {  	[smem:$0x3FB6] =	sst s10  }
0x38: {  	s10 =	sld [smem:$0x3FB7]  }
0x39: {  	_ = 	snop;
	(pc) =	sbr.ind lr, $3  }
0x3a: {  	_ = 	snop  }
0x3b: {  	_ = 	snop  }
0x3c: {  	p2 =	seq.s32 s10, $0x1;
	s10 =	sld [smem:$0x3FB6]  }
0x3d: {  	_ =	shalt  }
0x3e: {  	_ =	shalt  }
0x3f: {  	_ =	shalt  }
0x40: {  	_ =	shalt  }
0x41: {  	_ =	shalt  }
0x42: {  	_ =	shalt  }
0x43: {  	_ =	shalt  }
0x44: {  	_ =	shalt  }
0x45: {  	_ =	shalt  }
0x46: {  	_ =	shalt  }
0x47: {  	_ =	shalt  }
0x48: {  	_ =	shalt  }
0x49: {  	_ =	shalt  }
0x4a: {  	_ =	shalt  }
0x4b: {  	_ =	shalt  }
0x4c: {  	_ =	shalt  }
0x4d: {  	_ =	shalt  }
0x4e: {  	_ =	shalt  }
0x4f: {  	_ =	shalt  }
0x50: {  	_ =	shalt  }
0x51: {  	_ =	shalt  }
0x52: {  	_ =	shalt  }
0x53: {  	_ =	shalt  }
0x54: {  	_ =	shalt  }
0x55: {  	_ =	shalt  }
0x56: {  	_ =	shalt  }
0x57: {  	_ =	shalt  }
0x58: {  	_ =	shalt  }
0x59: {  	_ =	shalt  }
0x5a: {  	_ =	shalt  }
0x5b: {  	_ =	shalt  }
0x5c: {  	_ =	shalt  }
0x5d: {  	_ =	shalt  }
0x5e: {  	_ =	shalt  }
0x5f: {  	_ =	shalt  }
0x60: {  	_ =	shalt  }
0x61: {  	_ =	shalt  }
0x62: {  	_ =	shalt  }
0x63: {  	_ =	shalt  }
0x64: {  	_ =	shalt  }
0x65: {  	_ =	shalt  }
0x66: {  	_ =	shalt  }
0x67: {  	_ =	shalt  }
0x68: {  	_ =	shalt  }
0x69: {  	_ =	shalt  }
0x6a: {  	_ =	shalt  }
0x6b: {  	_ =	shalt  }
0x6c: {  	_ =	shalt  }
0x6d: {  	_ =	shalt  }
0x6e: {  	_ =	shalt  }
0x6f: {  	_ =	shalt  }
0x70: {  	_ =	shalt  }
0x71: {  	_ =	shalt  }
0x72: {  	_ =	shalt  }
0x73: {  	_ =	shalt  }
0x74: {  	_ =	shalt  }
0x75: {  	_ =	shalt  }
0x76: {  	_ =	shalt  }
0x77: {  	_ =	shalt  }
0x78: {  	_ =	shalt  }
0x79: {  	_ =	shalt  }
0x7a: {  	_ =	shalt  }
0x7b: {  	_ =	shalt  }
0x7c: {  	_ =	shalt  }
0x7d: {  	_ =	shalt  }
0x7e: {  	_ =	shalt  }
0x7f: {  	_ =	shalt  }
0x80: {  	_ =	shalt  }
0x81: {  	_ =	shalt  }
0x82: {  	_ =	shalt  }
0x83: {  	_ =	shalt  }
0x84: {  	_ =	shalt  }
0x85: {  	_ =	shalt  }
0x86: {  	_ =	shalt  }
0x87: {  	_ =	shalt  }
.Lfunc_end0:
.L_simem_size_0:
called_computation.1_lowered:
.L_overlay_start_0:
0x88: {  	s2 =	sld [smem:$0x3FD9]  }
0x89: {  	s3 =	sld [smem:$0x3FFE];
	_ =	sdelay $0x1  }
0x8a: {  	s1 =	srdreg.scid  }
0x8b: {  	s0 =	sand.u32 $0x1, s1  }
0x8c: {  	s17 =	sshll.u32 s0, $0xA;
	s2 =	sadd.s32 s3, s2  }
0x8d: {  	s2 =	sadd.s32 s2, s17  }
0x8e: {  	[smem:$0x3FC2] =	sst s2  }
0x8f: {  	_ = 	snop  }
0x90: {  	s2 =	sld [smem:$0x3FD0];
	(tm) =	ssettm $0x1  }
0x91: {  	s18 =	sld [smem:$0x3FFB];
	_ =	sdelay $0x3  }
0x92: {  	_ =	strace s18  }
0x93: {  	s3 =	sld [smem:$0x3FFC];
	_ =	sdelay $0x3  }
0x94: {  	_ =	strace s3  }
0x95: {  	s3 =	sld [smem:$0x3FFD];
	_ =	sdelay $0x3  }
0x96: {  	_ =	strace s3  }
0x97: {  	_ =	strace $0x8FFFFFFF  }
0x98: {  	s19 =	sld [smem:$0x3FDB];
	_ =	sdelay $0x1  }
0x99: {  	s4 =	simm.s32 $_scs_section_size  }
0x9a: {  	s5 =	simm.s32 $_size__tile_overlayer_lowered;
	s6 =	simm.s32 $_tile_overlayer_lowered  }
0x9b: {  	s22 =	simm.s32 $0x1BFF;
	s21 =	sshll.u32 s6, $0x1;
	s3 =	sadd.s32 s4, s19  }
0x9c: {  	s7 =	simm.s32 $0x0;
	s20 =	sshll.u32 s5, $0x1;
	s5 =	sadd.s32 s21, s3  }
0x9d: {  	[timem:s7], [sflag:s22] =	dma.local [hbm:s5], s20  }
0x9e: {  	_ =	swait.ge [sflag:s22], s20  }
0x9f: {  	s4 =	ssub.s32 $0x0, s20;
	[sflag:s22] =	ssyncset.done $0x0  }
0xa0: {  	[sflag:s22] =	ssyncadd.s32 s4;
	_ =	sdelay $0x1  }
0xa1: {  	s23 =	simm.s32 $0x1B8B  }
0xa2: {  	_ =	swait.ge [sflag:s23], $0x1  }
0xa3: {  	[sflag:s23] =	ssyncset.done $0x0  }
0xa4: {  	s25 =	simm.s32 $0x1B8E;
	s24 =	sld [smem:$0x3FFE];
	[sflag:s23] =	ssyncadd.s32 $0xFFFFFFFF  }
0xa5: {  	s26 =	simm.s32 $execute0_lowered;
	[smem:$0x3FD2] =	sst s25  }
0xa6: {  	s5 =	sshll.u32 s26, $0x1;
	_ =	strace $0x80000049;
	[dreg:$0x1] =	wrdreg $0xFFFFFFFF  }
0xa7: {  	s28 =	simm.s32 $_size_execute0_lowered;
	s3 =	sadd.s32 s3, s5;
	[dreg:$0x0] =	wrdreg $0x0  }
0xa8: {  	s5 =	sshll.u32 s28, $0x1;
	[dreg:$0x2] =	wrdreg s3  }
0xa9: {  	[dreg:$0x3] =	wrdreg s5  }
0xaa: {  	[dreg:$0x4] =	wrdreg $0xC0  }
0xab: {  	_ =	task [dreg:s7], $0x5FFFF  }
0xac: {  	[dreg:$0x1] =	wrdreg $0xFFFFFFFF  }
0xad: {  	[dreg:$0x0] =	wrdreg $0x60  }
0xae: {  	[dreg:$0x2] =	wrdreg s2  }
0xaf: {  	[dreg:$0x3] =	wrdreg s24  }
0xb0: {  	[dreg:$0x4] =	wrdreg $0x194000  }
0xb1: {  	[dreg:$0x5] =	wrdreg $0x16CF00  }
0xb2: {  	[dreg:$0x6] =	wrdreg $0x9  }
0xb3: {  	_ =	task.clear_ibuf [dreg:s7], $0x7FFFF;
	_ =	strace $0x90000049  }
0xb4: {  	s29 =	simm.s32 $0x9;
	_ =	strace $0x8000004B  }
0xb5: {  	_ =	swait.ge [sflag:s29], $0x1  }
0xb6: {  	[sflag:s29] =	ssyncadd.s32 $0xFFFFFFFF  }
0xb7: {  	_ =	strace $0x9000004B  }
0xb8: {  	_ =	sfence  }
0xb9: {  	s30 =	sld [smem:$0x0];
	_ =	sdelay $0x2  }
0xba: {  	s31 =	sshll.u32 s1, $0xD;
	s1 =	sshrl.u32 s1, $0x2  }
0xbb: {  	s3 =	sand.u32 $0x4000, s31;
	s1 =	sadd.s32 s1, s30  }
0xbc: {  	s0 =	sor.u32 s3, s0;
	s1 =	sshll.u32 s1, $0x11  }
0xbd: {  	s0 =	sor.u32 s1, s0  }
0xbe: {  	s0 =	sadd.s32 $0x8F2B, s0  }
0xbf: {  	[sflag:s0] =	ssyncadd.remote.s32 $0x1  }
0xc0: {  	_ =	sfence.sel $0xFFFF  }
0xc1: {  	[dreg:$0x0] =	wrdreg $0xFFFFFFFF;
	(pc) =	sbr.abs _section_cstart, $3  }
0xc2: {  	[dreg:$0x1] =	wrdreg $0xFFFFFFFF  }
0xc3: {  	_ =	task.clear_ibuf [dreg:s7], $0x2FFFF;
	_ =	strace $0x9FFFFFFF  }
0xc4: {  	(tm) =	ssettm $0x7FFFFFFF  }
0xc5: {  	_ =	shalt  }
tec
execute0_lowered:
.L_overlay_start_1:
0x0: {  	(tag) =	ssettag $0x1  }
0x1: {  	s0 =	rddreg [dreg:$0x0]  }
0x2: {  	s8 =	stileid.u32;
	s5 =	rddreg [dreg:$0x1]  }
0x3: {  	s1 =	srdreg.scid;
	s2 =	rddreg [dreg:$0x2]  }
0x4: {  	s18 =	simm.s32 $0x75D0;
	s19 =	simm.s32 $0x7848;
	s28 =	simm.s32 $0x2  }
0x5: {  	s29 =	simm.s32 $0x1F4;
	s30 =	simm.s32 $0xEFF0;
	s20 =	simm.s32 $0x12E70  }
0x6: {  	s31 =	simm.s32 $0x14DB0;
	s17 =	simm.s32 $0x6;
	s16 =	simm.s32 $0x0  }
0x7: {  	s1 =	sand.u32 $0x1, s1;
	s3 =	sshll.u32 s8, $0x1;
	s6 =	smul.u32 $0x278, s8  }
0x8: {  	s8 =	smul.u32 $0x2710, s8;
	s4 =	sor.u32 s1, s3;
	s3 =	rddreg [dreg:$0x3]  }
0x9: {  	s9 =	smul.u32 $0x27400, s1;
	s11 =	ssub.s32 $0x2, s1;
	p0 =	sne.s32 s1, $0x0  }
0xa: {  	s1 =	simm.s32 $0x10F30;
	s7 =	smul.u32 $0x4EC, s4;
	s4 =	simm.s32 $0x0  }
0xb: {  	s6 =	sshrl.u32 s6, $0x3;
	s10 =	sshrl.u32 s8, $0x3;
	s12 =	sshrl.u32 s11, $0x1  }
0xc: {  	s24 =	sadd.s32 s8, s3;
	[smem:$0x7FF] =	sst s4;
	s6 =	sadd.s32 s6, s5  }
0xd: {  	s9 =	sadd.s32 s8, s9;
	s11 =	ssub.s32 s11, s12;
	s0 =	sadd.s32 s0, s10  }
0xe: {  	_ =	strace $0x8000004A;
	s7 =	sadd.s32 s7, s5;
	s9 =	sshrl.u32 s9, $0x3  }
0xf: {  	[dreg:$0x7] =	wrdreg s0;
	s22 =	sadd.s32 $0xC400, s6;
	s23 =	sadd.s32 $0xC8F0, s6  }
0x10: {  	[dreg:$0xa] =	wrdreg s24;
	s15 =	smax.u32 s11, $0x1;
	s24 =	simm.s32 $0x5  }
0x11: {  	s0 =	simm.s32 $0x8;
	s9 =	sadd.s32 s9, s5;
	[dreg:$0x8] =	wrdreg s22  }
0x12: {  	s5 =	sadd.s32 s10, s5;
	s21 =	sadd.s32 $0xCE00, s7;
	[dreg:$0x9] =	wrdreg s23  }
0x13: {  	s7 =	sadd.s32 $0x2600, s7;
	s10 =	sadd.s32 s8, s2;
	[dreg:$0x5] =	wrdreg s21  }
0x14: {  	s22 =	simm.s32 $0x3;
	s23 =	simm.s32 $0x4;
	[dreg:$0x6] =	wrdreg s7  }
0x15: {  	s25 =	sadd.s32 $0x20A00, s5;
	s26 =	sadd.s32 $0x25A00, s5;
	s14 =	sadd.s32 $0x16C00, s9  }
0x16: {  	s7 =	simm.s32 $0x2760;
	s21 =	simm.s32 $0x9;
	[dreg:$0xb] =	wrdreg s25  }
0x17: {  	v0 =	vimm.f32 $0.0e+00;
	v1 =	vimm.s32 $0x270;
	[dreg:$0xc] =	wrdreg s26;
	s26 =	simm.s32 $0x1;
	s25 =	simm.s32 $0x7  }
.LBB2_1:
0x18: {  	s5 =	rddreg [dreg:$0x5]  }
0x19: {  	[tilespmem:s4], [sflag:$0x1] =	stream.linear.gather [hbm4b:s5+s4], $0x2760, $0x38;
	[tilespmem:$0x1BB10] =	vst v63  }
0x1a: {  	s9 =	rddreg [dreg:$0x6]  }
0x1b: {  	[tilespmem:s7], [sflag:$0x2] =	stream.linear.gather [hbm4b:s9+s4], $0x2760, $0x38;
	[tilespmem:$0x1BB10] =	vst v63  }
0x1c: {  	s11 =	rddreg [dreg:$0x7];
	s6 =	simm.s32 $0x4EC0  }
0x1d: {  	[tilespmem:s6], [sflag:$0x3] =	stream.linear.gather [hbm4b:s11+s4], $0x2710, $0x38;
	[tilespmem:$0x1BB10] =	vst v63  }
0x1e: {  	s12 =	rddreg [dreg:$0x8]  }
0x1f: {  	[tilespmem:s18], [sflag:$0x4] =	stream.linear.gather [hbm4b:s12+s4], $0x278, $0x38;
	[tilespmem:$0x1BB10] =	vst v63  }
0x20: {  	s13 =	rddreg [dreg:$0x9];
	s5 =	simm.s32 $0x40;
	s6 =	simm.s32 $0x0  }
0x21: {  	[tilespmem:s19], [sflag:$0x5] =	stream.linear.gather [hbm4b:s13+s4], $0x278, $0x38;
	[tilespmem:$0x1BB10] =	vst v63  }
.LBB2_2:
0x22: {  	p1 =	sne.s32 s5, $0x9C00;
	[tilespmem:s6+$0xC8E0] =	vst v0;
	s6 =	smov.u32 s5;
	s5 =	sadd.s32 $0x40, s5  }
.Ltmp0:
0x23: {  	(pc) =	sbr.rel @p1 .LBB2_2-.Ltmp0, $2  }
0x24: {  	_ =	sdelay $0x2  }
0x25: {  	s6 =	sshra.s32 s6, $0x2  }
0x26: {  	[tilespmem:s6+$0xC8E0] =	vst v0;
	s5 =	simm.s32 $0xC8E0  }
0x27: {  	[spmem:s10] =	stream.linear.scatter [tilespmem:s5], [sflag:$0x9], $0x2710, $0x38;
	[tilespmem:$0x1BB10] =	vst v63  }
0x28: {  	_ =	swait.ge [sflag:s21], $0x2710  }
0x29: {  	[sflag:s21] =	ssyncset.done $0x0  }
0x2a: {  	[sflag:s21] =	ssyncadd.s32 $0xFFFFD8F0  }
0x2b: {  	s11 =	simm.s32 $0x0;
	_ =	swait.ge [sflag:s22], $0x2710  }
0x2c: {  	v2 =	vmov s11;
	[sflag:s22] =	ssyncset.done $0x0  }
0x2d: {  	v2 =	vand.u32 $0xFFFFFFFC, v2;
	[sflag:s22] =	ssyncadd.s32 $0xFFFFD8F0  }
0x2e: {  	v2 =	vbroadcast v2, $0x0;
	_ =	swait.ge [sflag:s23], $0x278  }
0x2f: {  	[sflag:s23] =	ssyncset.done $0x0  }
0x30: {  	[sflag:s23] =	ssyncadd.s32 $0xFFFFFD88  }
0x31: {  	_ =	swait.ge [sflag:s24], $0x278  }
0x32: {  	[sflag:s24] =	ssyncset.done $0x0  }
0x33: {  	[sflag:s24] =	ssyncadd.s32 $0xFFFFFD88  }
0x34: {  	v3 =	vld.idx.msk [tilespmem:v2+s18+$0x0], $0xffff  }
0x35: {  	v2 =	vld.idx.msk [tilespmem:v2+s19+$0x0], $0xffff;
	_ =	sdelay $0x4  }
0x36: {  	v2 =	vadd.f32 v2, v3;
	_ =	sdelay $0x1  }
0x37: {  	v2 =	vadd.f32 $1.000000000e+00, v2;
	_ =	sdelay $0x1  }
0x38: {  	v3 =	vshrl.u32 v2, $0x1;
	v2 =	vmul.f32 $5.000000000e-01, v2  }
0x39: {  	v3 =	vsub.s32 $0x5F3759DF, v3  }
0x3a: {  	v4 =	vmul.f32 v3, v2;
	_ =	sdelay $0x1  }
0x3b: {  	v4 =	vmul.f32 v3, v4;
	_ =	sdelay $0x1  }
0x3c: {  	v4 =	vsub.f32 $1.500000000e+00, v4;
	_ =	sdelay $0x1  }
0x3d: {  	v3 =	vmul.f32 v3, v4;
	_ =	sdelay $0x1  }
0x3e: {  	v4 =	vmul.f32 v3, v2;
	_ =	sdelay $0x1  }
0x3f: {  	v4 =	vmul.f32 v4, v3;
	_ =	sdelay $0x1  }
0x40: {  	v4 =	vsub.f32 $1.500000000e+00, v4;
	_ =	sdelay $0x1  }
0x41: {  	v3 =	vmul.f32 v4, v3;
	_ =	sdelay $0x1  }
0x42: {  	v2 =	vmul.f32 v3, v2;
	_ =	sdelay $0x1  }
0x43: {  	v2 =	vmul.f32 v2, v3;
	_ =	sdelay $0x1  }
0x44: {  	v2 =	vsub.f32 $1.500000000e+00, v2;
	_ =	sdelay $0x1  }
0x45: {  	v2 =	vmul.f32 v2, v3  }
0x46: {  	s7 =	simm.s32 $0xA1F0  }
0x47: {  	s12 =	simm.s32 $0x1;
	s5 =	simm.s32 $0x4EE0;
	[tilespmem:s7+$0xFFFFFFE0] =	vst v2  }
0x48: {  	v4 =	vmov s12;
	v3 =	vld [tilespmem:s5+$0xFFFFFFE0]  }
0x49: {  	v4 =	vand.u32 $0xFFFFFFFD, v4  }
0x4a: {  	v4 =	vbroadcast v4, $0x0;
	_ =	sdelay $0x2  }
0x4b: {  	v2 =	vmul.f32 v2, v3  }
0x4c: {  	s6 =	simm.s32 $0x7AE0  }
0x4d: {  	[tilespmem:s6+$0xFFFFFFE0] =	vst v2  }
0x4e: {  	v2 =	vld.idx.msk [tilespmem:v4+s18+$0x0], $0xffff  }
0x4f: {  	v3 =	vld.idx.msk [tilespmem:v4+s19+$0x0], $0xffff;
	_ =	sdelay $0x4  }
0x50: {  	v2 =	vadd.f32 v3, v2;
	_ =	sdelay $0x1  }
0x51: {  	v2 =	vadd.f32 $1.000000000e+00, v2;
	_ =	sdelay $0x1  }
0x52: {  	v3 =	vshrl.u32 v2, $0x1;
	v2 =	vmul.f32 $5.000000000e-01, v2  }
0x53: {  	v3 =	vsub.s32 $0x5F3759DF, v3  }
0x54: {  	v4 =	vmul.f32 v3, v2;
	_ =	sdelay $0x1  }
0x55: {  	v4 =	vmul.f32 v3, v4;
	_ =	sdelay $0x1  }
0x56: {  	v4 =	vsub.f32 $1.500000000e+00, v4;
	_ =	sdelay $0x1  }
0x57: {  	v3 =	vmul.f32 v3, v4;
	_ =	sdelay $0x1  }
0x58: {  	v4 =	vmul.f32 v3, v2;
	_ =	sdelay $0x1  }
0x59: {  	v4 =	vmul.f32 v4, v3;
	_ =	sdelay $0x1  }
0x5a: {  	v4 =	vsub.f32 $1.500000000e+00, v4;
	_ =	sdelay $0x1  }
0x5b: {  	v3 =	vmul.f32 v4, v3;
	_ =	sdelay $0x1  }
0x5c: {  	v2 =	vmul.f32 v3, v2;
	_ =	sdelay $0x1  }
0x5d: {  	v2 =	vmul.f32 v2, v3;
	_ =	sdelay $0x1  }
0x5e: {  	v2 =	vsub.f32 $1.500000000e+00, v2;
	_ =	sdelay $0x1  }
0x5f: {  	v2 =	vmul.f32 v2, v3;
	_ =	sdelay $0x1  }
0x60: {  	s8 =	simm.s32 $0x2;
	[tilespmem:s7+$0xFFFFFFF0] =	vst v2  }
0x61: {  	v4 =	vmov s8;
	v3 =	vld [tilespmem:s5+$0xFFFFFFF0]  }
0x62: {  	v4 =	vand.u32 $0xFFFFFFFE, v4  }
0x63: {  	v4 =	vbroadcast v4, $0x0;
	_ =	sdelay $0x2  }
0x64: {  	v2 =	vmul.f32 v2, v3;
	_ =	sdelay $0x1  }
0x65: {  	[tilespmem:s6+$0xFFFFFFF0] =	vst v2  }
0x66: {  	v2 =	vld.idx.msk [tilespmem:v4+s18+$0x0], $0xffff  }
0x67: {  	v3 =	vld.idx.msk [tilespmem:v4+s19+$0x0], $0xffff;
	_ =	sdelay $0x4  }
0x68: {  	v2 =	vadd.f32 v3, v2;
	_ =	sdelay $0x1  }
0x69: {  	v2 =	vadd.f32 $1.000000000e+00, v2;
	_ =	sdelay $0x1  }
0x6a: {  	v3 =	vshrl.u32 v2, $0x1;
	v2 =	vmul.f32 $5.000000000e-01, v2  }
0x6b: {  	v3 =	vsub.s32 $0x5F3759DF, v3  }
0x6c: {  	v4 =	vmul.f32 v3, v2;
	_ =	sdelay $0x1  }
0x6d: {  	v4 =	vmul.f32 v3, v4;
	_ =	sdelay $0x1  }
0x6e: {  	v4 =	vsub.f32 $1.500000000e+00, v4;
	_ =	sdelay $0x1  }
0x6f: {  	v3 =	vmul.f32 v3, v4;
	_ =	sdelay $0x1  }
0x70: {  	v4 =	vmul.f32 v3, v2;
	_ =	sdelay $0x1  }
0x71: {  	v4 =	vmul.f32 v4, v3;
	_ =	sdelay $0x1  }
0x72: {  	v4 =	vsub.f32 $1.500000000e+00, v4;
	_ =	sdelay $0x1  }
0x73: {  	v3 =	vmul.f32 v4, v3;
	_ =	sdelay $0x1  }
0x74: {  	v2 =	vmul.f32 v3, v2;
	_ =	sdelay $0x1  }
0x75: {  	v2 =	vmul.f32 v2, v3;
	_ =	sdelay $0x1  }
0x76: {  	v2 =	vsub.f32 $1.500000000e+00, v2;
	_ =	sdelay $0x1  }
0x77: {  	v2 =	vmul.f32 v2, v3;
	_ =	sdelay $0x1  }
0x78: {  	[tilespmem:s7+$0x0] =	vst v2  }
0x79: {  	v3 =	vld [tilespmem:s5+$0x0];
	_ =	sdelay $0x1  }
0x7a: {  	s13 =	simm.s32 $0x3  }
0x7b: {  	v4 =	vmov s13;
	_ =	sdelay $0x1  }
0x7c: {  	v2 =	vmul.f32 v2, v3;
	_ =	sdelay $0x1  }
0x7d: {  	[tilespmem:s6+$0x0] =	vst v2  }
0x7e: {  	v2 =	vld.idx.msk [tilespmem:v4+s18+$0x0], $0xffff  }
0x7f: {  	v3 =	vld.idx.msk [tilespmem:v4+s19+$0x0], $0xffff;
	_ =	sdelay $0x4  }
0x80: {  	v2 =	vadd.f32 v3, v2;
	_ =	sdelay $0x1  }
0x81: {  	v2 =	vadd.f32 $1.000000000e+00, v2;
	_ =	sdelay $0x1  }
0x82: {  	v3 =	vshrl.u32 v2, $0x1;
	v2 =	vmul.f32 $5.000000000e-01, v2  }
0x83: {  	v3 =	vsub.s32 $0x5F3759DF, v3  }
0x84: {  	v4 =	vmul.f32 v3, v2;
	_ =	sdelay $0x1  }
0x85: {  	v4 =	vmul.f32 v3, v4;
	_ =	sdelay $0x1  }
0x86: {  	v4 =	vsub.f32 $1.500000000e+00, v4;
	_ =	sdelay $0x1  }
0x87: {  	v3 =	vmul.f32 v3, v4;
	_ =	sdelay $0x1  }
0x88: {  	v4 =	vmul.f32 v3, v2;
	_ =	sdelay $0x1  }
0x89: {  	v4 =	vmul.f32 v4, v3;
	_ =	sdelay $0x1  }
0x8a: {  	v4 =	vsub.f32 $1.500000000e+00, v4;
	_ =	sdelay $0x1  }
0x8b: {  	v3 =	vmul.f32 v4, v3;
	_ =	sdelay $0x1  }
0x8c: {  	v2 =	vmul.f32 v3, v2;
	_ =	sdelay $0x1  }
0x8d: {  	v2 =	vmul.f32 v2, v3;
	_ =	sdelay $0x1  }
0x8e: {  	v2 =	vsub.f32 $1.500000000e+00, v2;
	_ =	sdelay $0x1  }
0x8f: {  	v2 =	vmul.f32 v2, v3  }
0x90: {  	s8 =	simm.s32 $0x4  }
0x91: {  	v3 =	vmov s8;
	[tilespmem:s7+$0x10] =	vst v2  }
0x92: {  	v3 =	vand.u32 $0xFFFFFFFC, v3;
	v4 =	vld [tilespmem:s5+$0x10]  }
0x93: {  	s9 =	simm.s32 $0x7AE0;
	s11 =	simm.s32 $0x8;
	v3 =	vbroadcast v3, $0x0;
	s7 =	simm.s32 $0xA230  }
.LBB2_4:
0x94: {  	s5 =	sadd.s32 $0x40, s5  }
0x95: {  	s6 =	sadd.s32 $0x40, s6;
	s12 =	smov.u32 s11;
	s13 =	sadd.s32 $0x4, s11  }
0x96: {  	p1 =	slt.u32 s11, $0x26C  }
0x97: {  	v2 =	vmul.f32 v2, v4;
	_ =	sdelay $0x1  }
0x98: {  	[tilespmem:s9+$0x10] =	vst v2;
	s9 =	smov.u32 s6  }
0x99: {  	v2 =	vld.idx.msk [tilespmem:v3+s18+$0x0], $0xffff  }
0x9a: {  	v3 =	vld.idx.msk [tilespmem:v3+s19+$0x0], $0xffff;
	_ =	sdelay $0x5  }
0x9b: {  	v2 =	vadd.f32 v3, v2;
	_ =	sdelay $0x1  }
0x9c: {  	v2 =	vadd.f32 $1.000000000e+00, v2;
	_ =	sdelay $0x1  }
0x9d: {  	v3 =	vshrl.u32 v2, $0x1;
	v2 =	vmul.f32 $5.000000000e-01, v2  }
0x9e: {  	v3 =	vsub.s32 $0x5F3759DF, v3  }
0x9f: {  	v4 =	vmul.f32 v3, v2;
	_ =	sdelay $0x1  }
0xa0: {  	v4 =	vmul.f32 v3, v4;
	_ =	sdelay $0x1  }
0xa1: {  	v4 =	vsub.f32 $1.500000000e+00, v4;
	_ =	sdelay $0x1  }
0xa2: {  	v3 =	vmul.f32 v3, v4;
	_ =	sdelay $0x1  }
0xa3: {  	v4 =	vmul.f32 v3, v2;
	_ =	sdelay $0x1  }
0xa4: {  	v4 =	vmul.f32 v4, v3;
	_ =	sdelay $0x1  }
0xa5: {  	v4 =	vsub.f32 $1.500000000e+00, v4;
	_ =	sdelay $0x1  }
0xa6: {  	v3 =	vmul.f32 v4, v3;
	_ =	sdelay $0x1  }
0xa7: {  	v2 =	vmul.f32 v3, v2;
	_ =	sdelay $0x1  }
0xa8: {  	v2 =	vmul.f32 v2, v3;
	_ =	sdelay $0x1  }
0xa9: {  	v2 =	vsub.f32 $1.500000000e+00, v2;
	_ =	sdelay $0x1  }
0xaa: {  	v2 =	vmul.f32 v2, v3;
	_ =	sdelay $0x1  }
0xab: {  	s11 =	sadd.s32 $0x1, s8;
	[tilespmem:s7+$0xFFFFFFE0] =	vst v2  }
0xac: {  	v4 =	vmov s11;
	v3 =	vld [tilespmem:s5+$0xFFFFFFE0]  }
0xad: {  	v4 =	vand.u32 $0xFFFFFFFD, v4  }
0xae: {  	v4 =	vbroadcast v4, $0x0;
	_ =	sdelay $0x2  }
0xaf: {  	v2 =	vmul.f32 v2, v3;
	_ =	sdelay $0x1  }
0xb0: {  	[tilespmem:s6+$0xFFFFFFE0] =	vst v2  }
0xb1: {  	v2 =	vld.idx.msk [tilespmem:v4+s18+$0x0], $0xffff  }
0xb2: {  	v3 =	vld.idx.msk [tilespmem:v4+s19+$0x0], $0xffff;
	_ =	sdelay $0x5  }
0xb3: {  	v2 =	vadd.f32 v3, v2;
	_ =	sdelay $0x1  }
0xb4: {  	v2 =	vadd.f32 $1.000000000e+00, v2;
	_ =	sdelay $0x1  }
0xb5: {  	v3 =	vshrl.u32 v2, $0x1;
	v2 =	vmul.f32 $5.000000000e-01, v2  }
0xb6: {  	v3 =	vsub.s32 $0x5F3759DF, v3  }
0xb7: {  	v4 =	vmul.f32 v3, v2;
	_ =	sdelay $0x1  }
0xb8: {  	v4 =	vmul.f32 v3, v4;
	_ =	sdelay $0x1  }
0xb9: {  	v4 =	vsub.f32 $1.500000000e+00, v4;
	_ =	sdelay $0x1  }
0xba: {  	v3 =	vmul.f32 v3, v4;
	_ =	sdelay $0x1  }
0xbb: {  	v4 =	vmul.f32 v3, v2;
	_ =	sdelay $0x1  }
0xbc: {  	v4 =	vmul.f32 v4, v3;
	_ =	sdelay $0x1  }
0xbd: {  	v4 =	vsub.f32 $1.500000000e+00, v4;
	_ =	sdelay $0x1  }
0xbe: {  	v3 =	vmul.f32 v4, v3;
	_ =	sdelay $0x1  }
0xbf: {  	v2 =	vmul.f32 v3, v2;
	_ =	sdelay $0x1  }
0xc0: {  	v2 =	vmul.f32 v2, v3;
	_ =	sdelay $0x1  }
0xc1: {  	v2 =	vsub.f32 $1.500000000e+00, v2;
	_ =	sdelay $0x1  }
0xc2: {  	v2 =	vmul.f32 v2, v3;
	_ =	sdelay $0x1  }
0xc3: {  	s11 =	sadd.s32 $0x2, s8;
	[tilespmem:s7+$0xFFFFFFF0] =	vst v2  }
0xc4: {  	v4 =	vmov s11;
	v3 =	vld [tilespmem:s5+$0xFFFFFFF0]  }
0xc5: {  	v4 =	vand.u32 $0xFFFFFFFE, v4  }
0xc6: {  	v4 =	vbroadcast v4, $0x0;
	_ =	sdelay $0x2  }
0xc7: {  	v2 =	vmul.f32 v2, v3;
	_ =	sdelay $0x1  }
0xc8: {  	[tilespmem:s6+$0xFFFFFFF0] =	vst v2  }
0xc9: {  	v2 =	vld.idx.msk [tilespmem:v4+s18+$0x0], $0xffff  }
0xca: {  	v3 =	vld.idx.msk [tilespmem:v4+s19+$0x0], $0xffff;
	_ =	sdelay $0x5  }
0xcb: {  	v2 =	vadd.f32 v3, v2;
	_ =	sdelay $0x1  }
0xcc: {  	v2 =	vadd.f32 $1.000000000e+00, v2;
	_ =	sdelay $0x1  }
0xcd: {  	v3 =	vshrl.u32 v2, $0x1;
	v2 =	vmul.f32 $5.000000000e-01, v2  }
0xce: {  	v3 =	vsub.s32 $0x5F3759DF, v3  }
0xcf: {  	v4 =	vmul.f32 v3, v2;
	_ =	sdelay $0x1  }
0xd0: {  	v4 =	vmul.f32 v3, v4;
	_ =	sdelay $0x1  }
0xd1: {  	v4 =	vsub.f32 $1.500000000e+00, v4;
	_ =	sdelay $0x1  }
0xd2: {  	v3 =	vmul.f32 v3, v4;
	_ =	sdelay $0x1  }
0xd3: {  	v4 =	vmul.f32 v3, v2;
	_ =	sdelay $0x1  }
0xd4: {  	v4 =	vmul.f32 v4, v3;
	_ =	sdelay $0x1  }
0xd5: {  	v4 =	vsub.f32 $1.500000000e+00, v4;
	_ =	sdelay $0x1  }
0xd6: {  	v3 =	vmul.f32 v4, v3;
	_ =	sdelay $0x1  }
0xd7: {  	v2 =	vmul.f32 v3, v2;
	_ =	sdelay $0x1  }
0xd8: {  	v2 =	vmul.f32 v2, v3;
	_ =	sdelay $0x1  }
0xd9: {  	v2 =	vsub.f32 $1.500000000e+00, v2;
	_ =	sdelay $0x1  }
0xda: {  	v2 =	vmul.f32 v2, v3;
	_ =	sdelay $0x1  }
0xdb: {  	[tilespmem:s7+$0x0] =	vst v2  }
0xdc: {  	v3 =	vld [tilespmem:s5+$0x0];
	_ =	sdelay $0x1  }
0xdd: {  	s11 =	sadd.s32 $0x3, s8;
	s8 =	smov.u32 s12  }
0xde: {  	v4 =	vmov s11;
	_ =	sdelay $0x1  }
0xdf: {  	v2 =	vmul.f32 v2, v3;
	_ =	sdelay $0x1  }
0xe0: {  	[tilespmem:s6+$0x0] =	vst v2  }
0xe1: {  	v2 =	vld.idx.msk [tilespmem:v4+s18+$0x0], $0xffff  }
0xe2: {  	v3 =	vld.idx.msk [tilespmem:v4+s19+$0x0], $0xffff;
	_ =	sdelay $0x5  }
0xe3: {  	v2 =	vadd.f32 v3, v2;
	_ =	sdelay $0x1  }
0xe4: {  	v2 =	vadd.f32 $1.000000000e+00, v2;
	_ =	sdelay $0x1  }
0xe5: {  	v3 =	vshrl.u32 v2, $0x1;
	v2 =	vmul.f32 $5.000000000e-01, v2  }
0xe6: {  	v3 =	vsub.s32 $0x5F3759DF, v3  }
0xe7: {  	v4 =	vmul.f32 v3, v2;
	_ =	sdelay $0x1  }
0xe8: {  	v4 =	vmul.f32 v3, v4;
	_ =	sdelay $0x1  }
0xe9: {  	v4 =	vsub.f32 $1.500000000e+00, v4;
	_ =	sdelay $0x1  }
0xea: {  	v3 =	vmul.f32 v3, v4;
	_ =	sdelay $0x1  }
0xeb: {  	v4 =	vmul.f32 v3, v2;
	_ =	sdelay $0x1  }
0xec: {  	v4 =	vmul.f32 v4, v3;
	_ =	sdelay $0x1  }
0xed: {  	v4 =	vsub.f32 $1.500000000e+00, v4;
	_ =	sdelay $0x1  }
0xee: {  	v3 =	vmul.f32 v4, v3;
	_ =	sdelay $0x1  }
0xef: {  	v2 =	vmul.f32 v3, v2;
	_ =	sdelay $0x1  }
0xf0: {  	v2 =	vmul.f32 v2, v3;
	_ =	sdelay $0x1  }
0xf1: {  	v2 =	vsub.f32 $1.500000000e+00, v2;
	_ =	sdelay $0x1  }
0xf2: {  	v2 =	vmul.f32 v2, v3  }
.Ltmp1:
0xf3: {  	(pc) =	sbr.rel @p1 .LBB2_4-.Ltmp1, $4  }
0xf4: {  	[tilespmem:s7+$0x10] =	vst v2  }
0xf5: {  	v3 =	vmov s8;
	v4 =	vld [tilespmem:s5+$0x10]  }
0xf6: {  	v3 =	vand.u32 $0xFFFFFFFC, v3  }
0xf7: {  	s11 =	smov.u32 s13;
	v3 =	vbroadcast v3, $0x0;
	s7 =	sadd.s32 $0x40, s7  }
0xf8: {  	_ =	sdelay $0x1  }
0xf9: {  	v2 =	vmul.f32 v2, v4;
	_ =	sdelay $0x1  }
0xfa: {  	[tilespmem:s9+$0x10] =	vst v2  }
0xfb: {  	v2 =	vld.idx.msk [tilespmem:v3+s18+$0x0], $0xffff  }
0xfc: {  	v3 =	vld.idx.msk [tilespmem:v3+s19+$0x0], $0xffff;
	_ =	sdelay $0x4  }
0xfd: {  	v2 =	vadd.f32 v3, v2;
	_ =	sdelay $0x1  }
0xfe: {  	v2 =	vadd.f32 $1.000000000e+00, v2;
	_ =	sdelay $0x1  }
0xff: {  	v3 =	vshrl.u32 v2, $0x1;
	v2 =	vmul.f32 $5.000000000e-01, v2  }
0x100: {  	v3 =	vsub.s32 $0x5F3759DF, v3  }
0x101: {  	v55 =	vmul.f32 v3, v2;
	_ =	sdelay $0x1  }
0x102: {  	v4 =	vmul.f32 v3, v55;
	_ =	sdelay $0x1  }
0x103: {  	v4 =	vsub.f32 $1.500000000e+00, v4;
	_ =	sdelay $0x1  }
0x104: {  	v3 =	vmul.f32 v3, v4;
	_ =	sdelay $0x1  }
0x105: {  	v4 =	vmul.f32 v3, v2;
	_ =	sdelay $0x1  }
0x106: {  	v4 =	vmul.f32 v4, v3;
	_ =	sdelay $0x1  }
0x107: {  	v4 =	vsub.f32 $1.500000000e+00, v4;
	_ =	sdelay $0x1  }
0x108: {  	v3 =	vmul.f32 v4, v3;
	_ =	sdelay $0x1  }
0x109: {  	v2 =	vmul.f32 v3, v2;
	_ =	sdelay $0x1  }
0x10a: {  	v2 =	vmul.f32 v2, v3;
	_ =	sdelay $0x1  }
0x10b: {  	v2 =	vsub.f32 $1.500000000e+00, v2;
	_ =	sdelay $0x1  }
0x10c: {  	v2 =	vmul.f32 v2, v3;
	_ =	sdelay $0x1  }
0x10d: {  	s5 =	sadd.s32 $0x40, s5;
	s11 =	sadd.s32 $0x1, s8;
	[tilespmem:s7+$0xFFFFFFE0] =	vst v2  }
0x10e: {  	v56 =	vmov s11;
	v3 =	vld [tilespmem:s5+$0xFFFFFFE0]  }
0x10f: {  	v4 =	vand.u32 $0xFFFFFFFD, v56  }
0x110: {  	v4 =	vbroadcast v4, $0x0;
	_ =	sdelay $0x2  }
0x111: {  	v2 =	vmul.f32 v2, v3  }
0x112: {  	s6 =	sadd.s32 $0x40, s6  }
0x113: {  	[tilespmem:s6+$0xFFFFFFE0] =	vst v2  }
0x114: {  	v2 =	vld.idx.msk [tilespmem:v4+s18+$0x0], $0xffff  }
0x115: {  	v3 =	vld.idx.msk [tilespmem:v4+s19+$0x0], $0xffff;
	_ =	sdelay $0x4  }
0x116: {  	v2 =	vadd.f32 v3, v2;
	_ =	sdelay $0x1  }
0x117: {  	v2 =	vadd.f32 $1.000000000e+00, v2;
	_ =	sdelay $0x1  }
0x118: {  	v3 =	vshrl.u32 v2, $0x1;
	v2 =	vmul.f32 $5.000000000e-01, v2  }
0x119: {  	v3 =	vsub.s32 $0x5F3759DF, v3  }
0x11a: {  	v57 =	vmul.f32 v3, v2;
	_ =	sdelay $0x1  }
0x11b: {  	v4 =	vmul.f32 v3, v57;
	_ =	sdelay $0x1  }
0x11c: {  	v4 =	vsub.f32 $1.500000000e+00, v4;
	_ =	sdelay $0x1  }
0x11d: {  	v3 =	vmul.f32 v3, v4;
	_ =	sdelay $0x1  }
0x11e: {  	v4 =	vmul.f32 v3, v2;
	_ =	sdelay $0x1  }
0x11f: {  	v4 =	vmul.f32 v4, v3;
	_ =	sdelay $0x1  }
0x120: {  	v4 =	vsub.f32 $1.500000000e+00, v4;
	_ =	sdelay $0x1  }
0x121: {  	v3 =	vmul.f32 v4, v3;
	_ =	sdelay $0x1  }
0x122: {  	v2 =	vmul.f32 v3, v2;
	_ =	sdelay $0x1  }
0x123: {  	v2 =	vmul.f32 v2, v3;
	_ =	sdelay $0x1  }
0x124: {  	v2 =	vsub.f32 $1.500000000e+00, v2;
	_ =	sdelay $0x1  }
0x125: {  	v2 =	vmul.f32 v2, v3;
	_ =	sdelay $0x1  }
0x126: {  	s12 =	sadd.s32 $0x2, s8;
	[tilespmem:s7+$0xFFFFFFF0] =	vst v2  }
0x127: {  	v3 =	vmov s12;
	v58 =	vld [tilespmem:s5+$0xFFFFFFF0]  }
0x128: {  	v3 =	vand.u32 $0xFFFFFFFE, v3  }
0x129: {  	v3 =	vbroadcast v3, $0x0;
	_ =	sdelay $0x2  }
0x12a: {  	v2 =	vmul.f32 v2, v58;
	_ =	sdelay $0x1  }
0x12b: {  	[tilespmem:s6+$0xFFFFFFF0] =	vst v2  }
0x12c: {  	v2 =	vld.idx.msk [tilespmem:v3+s18+$0x0], $0xffff  }
0x12d: {  	v3 =	vld.idx.msk [tilespmem:v3+s19+$0x0], $0xffff;
	_ =	sdelay $0x4  }
0x12e: {  	v2 =	vadd.f32 v3, v2;
	_ =	sdelay $0x1  }
0x12f: {  	v2 =	vadd.f32 $1.000000000e+00, v2;
	_ =	sdelay $0x1  }
0x130: {  	v3 =	vshrl.u32 v2, $0x1;
	v2 =	vmul.f32 $5.000000000e-01, v2  }
0x131: {  	v3 =	vsub.s32 $0x5F3759DF, v3  }
0x132: {  	v59 =	vmul.f32 v3, v2;
	_ =	sdelay $0x1  }
0x133: {  	v4 =	vmul.f32 v3, v59;
	_ =	sdelay $0x1  }
0x134: {  	v4 =	vsub.f32 $1.500000000e+00, v4;
	_ =	sdelay $0x1  }
0x135: {  	v3 =	vmul.f32 v3, v4;
	_ =	sdelay $0x1  }
0x136: {  	v4 =	vmul.f32 v3, v2;
	_ =	sdelay $0x1  }
0x137: {  	v4 =	vmul.f32 v4, v3;
	_ =	sdelay $0x1  }
0x138: {  	v4 =	vsub.f32 $1.500000000e+00, v4;
	_ =	sdelay $0x1  }
0x139: {  	v3 =	vmul.f32 v4, v3;
	_ =	sdelay $0x1  }
0x13a: {  	v2 =	vmul.f32 v3, v2;
	_ =	sdelay $0x1  }
0x13b: {  	v2 =	vmul.f32 v2, v3;
	_ =	sdelay $0x1  }
0x13c: {  	v2 =	vsub.f32 $1.500000000e+00, v2;
	_ =	sdelay $0x1  }
0x13d: {  	v2 =	vmul.f32 v2, v3;
	_ =	sdelay $0x1  }
0x13e: {  	[tilespmem:s7+$0x0] =	vst v2  }
0x13f: {  	v3 =	vld [tilespmem:s5+$0x0];
	_ =	sdelay $0x1  }
0x140: {  	s13 =	sadd.s32 $0x3, s8  }
0x141: {  	v60 =	vmov s13;
	_ =	sdelay $0x1  }
0x142: {  	v2 =	vmul.f32 v2, v3;
	_ =	sdelay $0x1  }
0x143: {  	[tilespmem:s6+$0x0] =	vst v2  }
0x144: {  	v2 =	vld.idx.msk [tilespmem:v60+s18+$0x0], $0xffff  }
0x145: {  	v3 =	vld.idx.msk [tilespmem:v60+s19+$0x0], $0xffff;
	_ =	sdelay $0x4  }
0x146: {  	v2 =	vadd.f32 v3, v2;
	_ =	sdelay $0x1  }
0x147: {  	v2 =	vadd.f32 $1.000000000e+00, v2;
	_ =	sdelay $0x1  }
0x148: {  	v3 =	vshrl.u32 v2, $0x1;
	v2 =	vmul.f32 $5.000000000e-01, v2  }
0x149: {  	v3 =	vsub.s32 $0x5F3759DF, v3  }
0x14a: {  	v61 =	vmul.f32 v3, v2;
	_ =	sdelay $0x1  }
0x14b: {  	v4 =	vmul.f32 v3, v61;
	_ =	sdelay $0x1  }
0x14c: {  	v4 =	vsub.f32 $1.500000000e+00, v4;
	_ =	sdelay $0x1  }
0x14d: {  	v3 =	vmul.f32 v3, v4;
	_ =	sdelay $0x1  }
0x14e: {  	v4 =	vmul.f32 v3, v2;
	_ =	sdelay $0x1  }
0x14f: {  	v4 =	vmul.f32 v4, v3;
	_ =	sdelay $0x1  }
0x150: {  	v4 =	vsub.f32 $1.500000000e+00, v4;
	_ =	sdelay $0x1  }
0x151: {  	v3 =	vmul.f32 v4, v3;
	_ =	sdelay $0x1  }
0x152: {  	v2 =	vmul.f32 v3, v2;
	_ =	sdelay $0x1  }
0x153: {  	v2 =	vmul.f32 v2, v3;
	_ =	sdelay $0x1  }
0x154: {  	v2 =	vsub.f32 $1.500000000e+00, v2;
	_ =	sdelay $0x1  }
0x155: {  	v2 =	vmul.f32 v2, v3;
	_ =	sdelay $0x1  }
0x156: {  	[tilespmem:s7+$0x10] =	vst v2  }
0x157: {  	v3 =	vld [tilespmem:s5+$0x10];
	_ =	sdelay $0x4  }
0x158: {  	v2 =	vmul.f32 v2, v3;
	_ =	sdelay $0x1  }
0x159: {  	[tilespmem:s6+$0x10] =	vst v2  }
0x15a: {  	v2 =	vld.idx.msk [tilespmem:v1+s18+$0x0], $0xffff  }
0x15b: {  	v3 =	vld.idx.msk [tilespmem:v1+s19+$0x0], $0xffff;
	_ =	sdelay $0x4  }
0x15c: {  	v2 =	vadd.f32 v3, v2;
	_ =	sdelay $0x1  }
0x15d: {  	v2 =	vadd.f32 $1.000000000e+00, v2;
	_ =	sdelay $0x1  }
0x15e: {  	v3 =	vshrl.u32 v2, $0x1;
	v2 =	vmul.f32 $5.000000000e-01, v2  }
0x15f: {  	v3 =	vsub.s32 $0x5F3759DF, v3  }
0x160: {  	v62 =	vmul.f32 v3, v2;
	_ =	sdelay $0x1  }
0x161: {  	v4 =	vmul.f32 v3, v62;
	_ =	sdelay $0x1  }
0x162: {  	v4 =	vsub.f32 $1.500000000e+00, v4;
	_ =	sdelay $0x1  }
0x163: {  	v3 =	vmul.f32 v3, v4;
	_ =	sdelay $0x1  }
0x164: {  	v4 =	vmul.f32 v3, v2;
	_ =	sdelay $0x1  }
0x165: {  	v4 =	vmul.f32 v4, v3;
	_ =	sdelay $0x1  }
0x166: {  	v4 =	vsub.f32 $1.500000000e+00, v4;
	_ =	sdelay $0x1  }
0x167: {  	v3 =	vmul.f32 v4, v3;
	_ =	sdelay $0x1  }
0x168: {  	v2 =	vmul.f32 v3, v2;
	_ =	sdelay $0x1  }
0x169: {  	v2 =	vmul.f32 v2, v3  }
0x16a: {  	v63 =	vld [tilespmem:$0x75C0]  }
0x16b: {  	v2 =	vsub.f32 $1.500000000e+00, v2;
	_ =	sdelay $0x1  }
0x16c: {  	v2 =	vmul.f32 v2, v3;
	_ =	sdelay $0x1  }
0x16d: {  	v3 =	vmul.f32 v2, v63  }
0x16e: {  	[tilespmem:$0xC8D0] =	vst v2  }
0x16f: {  	s8 =	simm.s32 $0x7AC0;
	s7 =	rddreg [dreg:$0xa];
	[tilespmem:$0xA1C0] =	vst v3  }
0x170: {  	[spmem:s7] =	stream.linear.scatter [tilespmem:s8], [sflag:$0x9], $0x2710, $0x38;
	[tilespmem:$0x1BB10] =	vst v63  }
0x171: {  	_ =	swait.ge [sflag:s21], $0x2710  }
0x172: {  	s5 =	simm.s32 @!p0 $0x0;
	[sflag:s21] =	ssyncset.done $0x0  }
0x173: {  	s6 =	simm.s32 @!p0 $0x7AC0;
	s7 =	rddreg [dreg:$0xb];
	[sflag:s21] =	ssyncadd.s32 $0xFFFFD8F0  }
0x174: {  	[hbm4b:s7+s5] =	stream.linear.scatter @!p0 [tilespmem:s6], [sflag:$0x9], $0x2710, $0x38;
	[tilespmem:$0x1BB10] =	vst v63  }
0x175: {  	s6 =	simm.s32 @!p0 $0x9  }
0x176: {  	_ =	swait.ge @!p0 [sflag:s6], $0x2710  }
0x177: {  	[sflag:s6] =	ssyncset.done @!p0 $0x0  }
0x178: {  	s7 =	simm.s32 @!p0 $0xA1D0;
	s8 =	rddreg [dreg:$0xc];
	[sflag:s6] =	ssyncadd.s32 @!p0 $0xFFFFD8F0  }
0x179: {  	[hbm4b:s8+s5] =	stream.linear.scatter @!p0 [tilespmem:s7], [sflag:$0x9], $0x2710, $0x38;
	[tilespmem:$0x1BB10] =	vst v63  }
0x17a: {  	_ =	swait.ge @!p0 [sflag:s6], $0x2710  }
0x17b: {  	[sflag:s6] =	ssyncset.done @!p0 $0x0  }
0x17c: {  	[sflag:s6] =	ssyncadd.s32 @!p0 $0xFFFFD8F0  }
0x17d: {  	_ =	swait.ge [sflag:s26], $0x2760  }
0x17e: {  	[sflag:s26] =	ssyncset.done $0x0  }
0x17f: {  	[sflag:s26] =	ssyncadd.s32 $0xFFFFD8A0  }
0x180: {  	_ =	swait.ge [sflag:s28], $0x2760  }
0x181: {  	[sflag:s28] =	ssyncset.done $0x0  }
0x182: {  	[sflag:s28] =	ssyncadd.s32 $0xFFFFD8A0  }
0x183: {  	[bflag:$0x0] =	sbarrier.arrive $0xFFFF  }
0x184: {  	[tilespmem:s30], [sflag:$0x1] =	stream.indirect.gather [spmem:s3], $0x10, s4, s29, $0xb8;
	[tilespmem:$0x1BB10] =	vst v63  }
0x185: {  	s9 =	simm.s32 $0x1F8  }
0x186: {  	[tilespmem:s1], [sflag:$0x2] =	stream.indirect.gather [spmem:s3], $0x10, s9, s29, $0xb8;
	[tilespmem:$0x1BB10] =	vst v63  }
0x187: {  	s11 =	simm.s32 $0x3F0  }
0x188: {  	[tilespmem:s20], [sflag:$0x3] =	stream.indirect.gather [spmem:s3], $0x10, s11, s29, $0xb8;
	[tilespmem:$0x1BB10] =	vst v63  }
0x189: {  	s12 =	simm.s32 $0x5E8  }
0x18a: {  	[tilespmem:s31], [sflag:$0x4] =	stream.indirect.gather [spmem:s3], $0x10, s12, s29, $0xb8;
	[tilespmem:$0x1BB10] =	vst v63  }
0x18b: {  	_ =	swait.ge [sflag:s26], $0x1F40  }
0x18c: {  	[sflag:s26] =	ssyncset.done $0x0  }
0x18d: {  	s7 =	simm.s32 $0x2760;
	[sflag:s26] =	ssyncadd.s32 $0xFFFFE0C0  }
0x18e: {  	[spmem:s2] =	stream.indirect.scatter.add.f32 [tilespmem:s30], [sflag:$0x5], $0x10, s7, s29, $0xb8;
	[tilespmem:$0x1BB10] =	vst v63  }
0x18f: {  	_ =	swait.ge [sflag:s28], $0x1F40  }
0x190: {  	[sflag:s28] =	ssyncset.done $0x0  }
0x191: {  	s13 =	simm.s32 $0x2958;
	[sflag:s28] =	ssyncadd.s32 $0xFFFFE0C0  }
0x192: {  	[spmem:s2] =	stream.indirect.scatter.add.f32 [tilespmem:s1], [sflag:$0x6], $0x10, s13, s29, $0xb8;
	[tilespmem:$0x1BB10] =	vst v63  }
0x193: {  	_ =	swait.ge [sflag:s22], $0x1F40  }
0x194: {  	[sflag:s22] =	ssyncset.done $0x0  }
0x195: {  	s6 =	simm.s32 $0x2B50;
	[sflag:s22] =	ssyncadd.s32 $0xFFFFE0C0  }
0x196: {  	[spmem:s2] =	stream.indirect.scatter.add.f32 [tilespmem:s20], [sflag:$0x7], $0x10, s6, s29, $0xb8;
	[tilespmem:$0x1BB10] =	vst v63  }
0x197: {  	_ =	swait.ge [sflag:s23], $0x1F40  }
0x198: {  	[sflag:s23] =	ssyncset.done $0x0  }
0x199: {  	s8 =	simm.s32 $0x2D48;
	[sflag:s23] =	ssyncadd.s32 $0xFFFFE0C0  }
0x19a: {  	[spmem:s2] =	stream.indirect.scatter.add.f32 [tilespmem:s31], [sflag:$0x8], $0x10, s8, s29, $0xb8;
	[tilespmem:$0x1BB10] =	vst v63  }
0x19b: {  	_ =	swait.ge [sflag:s24], $0x1F40  }
0x19c: {  	[sflag:s24] =	ssyncset.done $0x0  }
0x19d: {  	s9 =	simm.s32 $0x7E0;
	[sflag:s24] =	ssyncadd.s32 $0xFFFFE0C0  }
0x19e: {  	[tilespmem:s30], [sflag:$0x1] =	stream.indirect.gather [spmem:s3], $0x10, s9, s29, $0xb8;
	[tilespmem:$0x1BB10] =	vst v63  }
0x19f: {  	_ =	swait.ge [sflag:s17], $0x1F40  }
0x1a0: {  	[sflag:s17] =	ssyncset.done $0x0  }
0x1a1: {  	s11 =	simm.s32 $0x9D8;
	[sflag:s17] =	ssyncadd.s32 $0xFFFFE0C0  }
0x1a2: {  	[tilespmem:s1], [sflag:$0x2] =	stream.indirect.gather [spmem:s3], $0x10, s11, s29, $0xb8;
	[tilespmem:$0x1BB10] =	vst v63  }
0x1a3: {  	_ =	swait.ge [sflag:s25], $0x1F40  }
0x1a4: {  	[sflag:s25] =	ssyncset.done $0x0  }
0x1a5: {  	s12 =	simm.s32 $0xBD0;
	[sflag:s25] =	ssyncadd.s32 $0xFFFFE0C0  }
0x1a6: {  	[tilespmem:s20], [sflag:$0x3] =	stream.indirect.gather [spmem:s3], $0x10, s12, s29, $0xb8;
	[tilespmem:$0x1BB10] =	vst v63  }
0x1a7: {  	_ =	swait.ge [sflag:s0], $0x1F40  }
0x1a8: {  	[sflag:s0] =	ssyncset.done $0x0  }
0x1a9: {  	s13 =	simm.s32 $0xDC8;
	[sflag:s0] =	ssyncadd.s32 $0xFFFFE0C0  }
0x1aa: {  	[tilespmem:s31], [sflag:$0x4] =	stream.indirect.gather [spmem:s3], $0x10, s13, s29, $0xb8;
	[tilespmem:$0x1BB10] =	vst v63  }
0x1ab: {  	_ =	swait.ge [sflag:s26], $0x1F40  }
0x1ac: {  	[sflag:s26] =	ssyncset.done $0x0  }
0x1ad: {  	s6 =	simm.s32 $0x2F40;
	[sflag:s26] =	ssyncadd.s32 $0xFFFFE0C0  }
0x1ae: {  	[spmem:s2] =	stream.indirect.scatter.add.f32 [tilespmem:s30], [sflag:$0x5], $0x10, s6, s29, $0xb8;
	[tilespmem:$0x1BB10] =	vst v63  }
0x1af: {  	_ =	swait.ge [sflag:s28], $0x1F40  }
0x1b0: {  	[sflag:s28] =	ssyncset.done $0x0  }
0x1b1: {  	s8 =	simm.s32 $0x3138;
	[sflag:s28] =	ssyncadd.s32 $0xFFFFE0C0  }
0x1b2: {  	[spmem:s2] =	stream.indirect.scatter.add.f32 [tilespmem:s1], [sflag:$0x6], $0x10, s8, s29, $0xb8;
	[tilespmem:$0x1BB10] =	vst v63  }
0x1b3: {  	_ =	swait.ge [sflag:s22], $0x1F40  }
0x1b4: {  	[sflag:s22] =	ssyncset.done $0x0  }
0x1b5: {  	s9 =	simm.s32 $0x3330;
	[sflag:s22] =	ssyncadd.s32 $0xFFFFE0C0  }
0x1b6: {  	[spmem:s2] =	stream.indirect.scatter.add.f32 [tilespmem:s20], [sflag:$0x7], $0x10, s9, s29, $0xb8;
	[tilespmem:$0x1BB10] =	vst v63  }
0x1b7: {  	_ =	swait.ge [sflag:s23], $0x1F40  }
0x1b8: {  	[sflag:s23] =	ssyncset.done $0x0  }
0x1b9: {  	s11 =	simm.s32 $0x3528;
	[sflag:s23] =	ssyncadd.s32 $0xFFFFE0C0  }
0x1ba: {  	[spmem:s2] =	stream.indirect.scatter.add.f32 [tilespmem:s31], [sflag:$0x8], $0x10, s11, s29, $0xb8;
	[tilespmem:$0x1BB10] =	vst v63  }
0x1bb: {  	_ =	swait.ge [sflag:s24], $0x1F40  }
0x1bc: {  	[sflag:s24] =	ssyncset.done $0x0  }
0x1bd: {  	s12 =	simm.s32 $0xFC0;
	[sflag:s24] =	ssyncadd.s32 $0xFFFFE0C0  }
0x1be: {  	[tilespmem:s30], [sflag:$0x1] =	stream.indirect.gather [spmem:s3], $0x10, s12, s29, $0xb8;
	[tilespmem:$0x1BB10] =	vst v63  }
0x1bf: {  	_ =	swait.ge [sflag:s17], $0x1F40  }
0x1c0: {  	[sflag:s17] =	ssyncset.done $0x0  }
0x1c1: {  	s13 =	simm.s32 $0x11B8;
	[sflag:s17] =	ssyncadd.s32 $0xFFFFE0C0  }
0x1c2: {  	[tilespmem:s1], [sflag:$0x2] =	stream.indirect.gather [spmem:s3], $0x10, s13, s29, $0xb8;
	[tilespmem:$0x1BB10] =	vst v63  }
0x1c3: {  	_ =	swait.ge [sflag:s25], $0x1F40  }
0x1c4: {  	[sflag:s25] =	ssyncset.done $0x0  }
0x1c5: {  	s6 =	simm.s32 $0x13B0;
	[sflag:s25] =	ssyncadd.s32 $0xFFFFE0C0  }
0x1c6: {  	[tilespmem:s20], [sflag:$0x3] =	stream.indirect.gather [spmem:s3], $0x10, s6, s29, $0xb8;
	[tilespmem:$0x1BB10] =	vst v63  }
0x1c7: {  	_ =	swait.ge [sflag:s0], $0x1F40  }
0x1c8: {  	[sflag:s0] =	ssyncset.done $0x0  }
0x1c9: {  	s8 =	simm.s32 $0x15A8;
	[sflag:s0] =	ssyncadd.s32 $0xFFFFE0C0  }
0x1ca: {  	[tilespmem:s31], [sflag:$0x4] =	stream.indirect.gather [spmem:s3], $0x10, s8, s29, $0xb8;
	[tilespmem:$0x1BB10] =	vst v63  }
0x1cb: {  	_ =	swait.ge [sflag:s26], $0x1F40  }
0x1cc: {  	[sflag:s26] =	ssyncset.done $0x0  }
0x1cd: {  	s9 =	simm.s32 $0x3720;
	[sflag:s26] =	ssyncadd.s32 $0xFFFFE0C0  }
0x1ce: {  	[spmem:s2] =	stream.indirect.scatter.add.f32 [tilespmem:s30], [sflag:$0x5], $0x10, s9, s29, $0xb8;
	[tilespmem:$0x1BB10] =	vst v63  }
0x1cf: {  	_ =	swait.ge [sflag:s28], $0x1F40  }
0x1d0: {  	[sflag:s28] =	ssyncset.done $0x0  }
0x1d1: {  	s11 =	simm.s32 $0x3918;
	[sflag:s28] =	ssyncadd.s32 $0xFFFFE0C0  }
0x1d2: {  	[spmem:s2] =	stream.indirect.scatter.add.f32 [tilespmem:s1], [sflag:$0x6], $0x10, s11, s29, $0xb8;
	[tilespmem:$0x1BB10] =	vst v63  }
0x1d3: {  	_ =	swait.ge [sflag:s22], $0x1F40  }
0x1d4: {  	[sflag:s22] =	ssyncset.done $0x0  }
0x1d5: {  	s12 =	simm.s32 $0x3B10;
	[sflag:s22] =	ssyncadd.s32 $0xFFFFE0C0  }
0x1d6: {  	[spmem:s2] =	stream.indirect.scatter.add.f32 [tilespmem:s20], [sflag:$0x7], $0x10, s12, s29, $0xb8;
	[tilespmem:$0x1BB10] =	vst v63  }
0x1d7: {  	_ =	swait.ge [sflag:s23], $0x1F40  }
0x1d8: {  	[sflag:s23] =	ssyncset.done $0x0  }
0x1d9: {  	s13 =	simm.s32 $0x3D08;
	[sflag:s23] =	ssyncadd.s32 $0xFFFFE0C0  }
0x1da: {  	[spmem:s2] =	stream.indirect.scatter.add.f32 [tilespmem:s31], [sflag:$0x8], $0x10, s13, s29, $0xb8;
	[tilespmem:$0x1BB10] =	vst v63  }
0x1db: {  	_ =	swait.ge [sflag:s24], $0x1F40  }
0x1dc: {  	[sflag:s24] =	ssyncset.done $0x0  }
0x1dd: {  	s6 =	simm.s32 $0x17A0;
	[sflag:s24] =	ssyncadd.s32 $0xFFFFE0C0  }
0x1de: {  	[tilespmem:s30], [sflag:$0x1] =	stream.indirect.gather [spmem:s3], $0x10, s6, s29, $0xb8;
	[tilespmem:$0x1BB10] =	vst v63  }
0x1df: {  	_ =	swait.ge [sflag:s17], $0x1F40  }
0x1e0: {  	[sflag:s17] =	ssyncset.done $0x0  }
0x1e1: {  	s8 =	simm.s32 $0x1998;
	[sflag:s17] =	ssyncadd.s32 $0xFFFFE0C0  }
0x1e2: {  	[tilespmem:s1], [sflag:$0x2] =	stream.indirect.gather [spmem:s3], $0x10, s8, s29, $0xb8;
	[tilespmem:$0x1BB10] =	vst v63  }
0x1e3: {  	_ =	swait.ge [sflag:s25], $0x1F40  }
0x1e4: {  	[sflag:s25] =	ssyncset.done $0x0  }
0x1e5: {  	s9 =	simm.s32 $0x1B90;
	[sflag:s25] =	ssyncadd.s32 $0xFFFFE0C0  }
0x1e6: {  	[tilespmem:s20], [sflag:$0x3] =	stream.indirect.gather [spmem:s3], $0x10, s9, s29, $0xb8;
	[tilespmem:$0x1BB10] =	vst v63  }
0x1e7: {  	_ =	swait.ge [sflag:s0], $0x1F40  }
0x1e8: {  	[sflag:s0] =	ssyncset.done $0x0  }
0x1e9: {  	s11 =	simm.s32 $0x1D88;
	[sflag:s0] =	ssyncadd.s32 $0xFFFFE0C0  }
0x1ea: {  	[tilespmem:s31], [sflag:$0x4] =	stream.indirect.gather [spmem:s3], $0x10, s11, s29, $0xb8;
	[tilespmem:$0x1BB10] =	vst v63  }
0x1eb: {  	_ =	swait.ge [sflag:s26], $0x1F40  }
0x1ec: {  	[sflag:s26] =	ssyncset.done $0x0  }
0x1ed: {  	s12 =	simm.s32 $0x3F00;
	[sflag:s26] =	ssyncadd.s32 $0xFFFFE0C0  }
0x1ee: {  	[spmem:s2] =	stream.indirect.scatter.add.f32 [tilespmem:s30], [sflag:$0x5], $0x10, s12, s29, $0xb8;
	[tilespmem:$0x1BB10] =	vst v63  }
0x1ef: {  	_ =	swait.ge [sflag:s28], $0x1F40  }
0x1f0: {  	[sflag:s28] =	ssyncset.done $0x0  }
0x1f1: {  	s13 =	simm.s32 $0x40F8;
	[sflag:s28] =	ssyncadd.s32 $0xFFFFE0C0  }
0x1f2: {  	[spmem:s2] =	stream.indirect.scatter.add.f32 [tilespmem:s1], [sflag:$0x6], $0x10, s13, s29, $0xb8;
	[tilespmem:$0x1BB10] =	vst v63  }
0x1f3: {  	_ =	swait.ge [sflag:s22], $0x1F40  }
0x1f4: {  	[sflag:s22] =	ssyncset.done $0x0  }
0x1f5: {  	s6 =	simm.s32 $0x42F0;
	[sflag:s22] =	ssyncadd.s32 $0xFFFFE0C0  }
0x1f6: {  	[spmem:s2] =	stream.indirect.scatter.add.f32 [tilespmem:s20], [sflag:$0x7], $0x10, s6, s29, $0xb8;
	[tilespmem:$0x1BB10] =	vst v63  }
0x1f7: {  	_ =	swait.ge [sflag:s23], $0x1F40  }
0x1f8: {  	[sflag:s23] =	ssyncset.done $0x0  }
0x1f9: {  	s8 =	simm.s32 $0x44E8;
	[sflag:s23] =	ssyncadd.s32 $0xFFFFE0C0  }
0x1fa: {  	[spmem:s2] =	stream.indirect.scatter.add.f32 [tilespmem:s31], [sflag:$0x8], $0x10, s8, s29, $0xb8;
	[tilespmem:$0x1BB10] =	vst v63  }
0x1fb: {  	_ =	swait.ge [sflag:s24], $0x1F40  }
0x1fc: {  	[sflag:s24] =	ssyncset.done $0x0  }
0x1fd: {  	s9 =	simm.s32 $0x1F80;
	[sflag:s24] =	ssyncadd.s32 $0xFFFFE0C0  }
0x1fe: {  	[tilespmem:s30], [sflag:$0x1] =	stream.indirect.gather [spmem:s3], $0x10, s9, s29, $0xb8;
	[tilespmem:$0x1BB10] =	vst v63  }
0x1ff: {  	_ =	swait.ge [sflag:s17], $0x1F40  }
0x200: {  	[sflag:s17] =	ssyncset.done $0x0  }
0x201: {  	s11 =	simm.s32 $0x2178;
	[sflag:s17] =	ssyncadd.s32 $0xFFFFE0C0  }
0x202: {  	[tilespmem:s1], [sflag:$0x2] =	stream.indirect.gather [spmem:s3], $0x10, s11, s29, $0xb8;
	[tilespmem:$0x1BB10] =	vst v63  }
0x203: {  	_ =	swait.ge [sflag:s25], $0x1F40  }
0x204: {  	[sflag:s25] =	ssyncset.done $0x0  }
0x205: {  	s12 =	simm.s32 $0x2370;
	[sflag:s25] =	ssyncadd.s32 $0xFFFFE0C0  }
0x206: {  	[tilespmem:s20], [sflag:$0x3] =	stream.indirect.gather [spmem:s3], $0x10, s12, s29, $0xb8;
	[tilespmem:$0x1BB10] =	vst v63  }
0x207: {  	_ =	swait.ge [sflag:s0], $0x1F40  }
0x208: {  	[sflag:s0] =	ssyncset.done $0x0  }
0x209: {  	s13 =	simm.s32 $0x2568;
	[sflag:s0] =	ssyncadd.s32 $0xFFFFE0C0  }
0x20a: {  	[tilespmem:s31], [sflag:$0x4] =	stream.indirect.gather [spmem:s3], $0x10, s13, s29, $0xb8;
	[tilespmem:$0x1BB10] =	vst v63  }
0x20b: {  	_ =	swait.ge [sflag:s26], $0x1F40  }
0x20c: {  	[sflag:s26] =	ssyncset.done $0x0  }
0x20d: {  	s6 =	simm.s32 $0x46E0;
	[sflag:s26] =	ssyncadd.s32 $0xFFFFE0C0  }
0x20e: {  	[spmem:s2] =	stream.indirect.scatter.add.f32 [tilespmem:s30], [sflag:$0x5], $0x10, s6, s29, $0xb8;
	[tilespmem:$0x1BB10] =	vst v63  }
0x20f: {  	_ =	swait.ge [sflag:s28], $0x1F40  }
0x210: {  	[sflag:s28] =	ssyncset.done $0x0  }
0x211: {  	s8 =	simm.s32 $0x48D8;
	[sflag:s28] =	ssyncadd.s32 $0xFFFFE0C0  }
0x212: {  	[spmem:s2] =	stream.indirect.scatter.add.f32 [tilespmem:s1], [sflag:$0x6], $0x10, s8, s29, $0xb8;
	[tilespmem:$0x1BB10] =	vst v63  }
0x213: {  	_ =	swait.ge [sflag:s22], $0x1F40  }
0x214: {  	[sflag:s22] =	ssyncset.done $0x0  }
0x215: {  	s9 =	simm.s32 $0x4AD0;
	[sflag:s22] =	ssyncadd.s32 $0xFFFFE0C0  }
0x216: {  	[spmem:s2] =	stream.indirect.scatter.add.f32 [tilespmem:s20], [sflag:$0x7], $0x10, s9, s29, $0xb8;
	[tilespmem:$0x1BB10] =	vst v63  }
0x217: {  	_ =	swait.ge [sflag:s23], $0x1F40  }
0x218: {  	[sflag:s23] =	ssyncset.done $0x0  }
0x219: {  	s11 =	simm.s32 $0x4CC8;
	[sflag:s23] =	ssyncadd.s32 $0xFFFFE0C0  }
0x21a: {  	[spmem:s2] =	stream.indirect.scatter.add.f32 [tilespmem:s31], [sflag:$0x8], $0x10, s11, s29, $0xb8;
	[tilespmem:$0x1BB10] =	vst v63  }
0x21b: {  	_ =	swait.ge [sflag:s24], $0x1F40  }
0x21c: {  	[sflag:s24] =	ssyncset.done $0x0  }
0x21d: {  	[sflag:s24] =	ssyncadd.s32 $0xFFFFE0C0  }
0x21e: {  	_ =	swait.ge [sflag:s17], $0x1F40  }
0x21f: {  	[sflag:s17] =	ssyncset.done $0x0  }
0x220: {  	[sflag:s17] =	ssyncadd.s32 $0xFFFFE0C0  }
0x221: {  	_ =	swait.ge [sflag:s25], $0x1F40  }
0x222: {  	[sflag:s25] =	ssyncset.done $0x0  }
0x223: {  	[sflag:s25] =	ssyncadd.s32 $0xFFFFE0C0  }
0x224: {  	s12 =	stileid.u32;
	_ =	swait.ge [sflag:s0], $0x1F40  }
0x225: {  	s16 =	sadd.s32 $0x1, s16;
	s5 =	sshll.u32 s12, $0x6;
	[sflag:s0] =	ssyncset.done $0x0  }
0x226: {  	p1 =	sne.s32 s16, s15;
	s5 =	sor.u32 $0x1C09, s5;
	[sflag:s0] =	ssyncadd.s32 $0xFFFFE0C0  }
.Ltmp2:
0x227: {  	s13 =	sshrl.u32 s10, $0x3;
	[bflag:$0x0] =	sbarrier.arrive $0xFFFF;
	(pc) =	sbr.rel @p1 .LBB2_1-.Ltmp2, $4  }
0x228: {  	[hbm:s14], [sflag:s5] =	dma.local [spmem:s13], $0x4E2  }
0x229: {  	_ =	swait.ge [sflag:s21], $0x4E2  }
0x22a: {  	[sflag:s21] =	ssyncset.done $0x0  }
0x22b: {  	[sflag:s21] =	ssyncadd.s32 $0xFFFFFB1E  }
0x22c: {  	_ =	sfence.sel $0x180000  }
0x22d: {  	[bflag:$0x0] =	sbarrier.arrive $0xFFFF  }
0x22e: {  	_ =	strace $0x9000004A  }
0x22f: {  	s0 =	stileid.u32;
	[bflag:$0x2] =	sbarrier.arrive $0xFFFF  }
0x230: {  	p0 =	sne.s32 s0, $0x0;
	s0 =	rddreg [dreg:$0x4]  }
0x231: {  	s0 =	sadd.s32 @!p0 $0x100000, s0  }
0x232: {  	[sflag:s0] =	ssyncadd.tile.s32 @!p0 $0x1;
	_ =	shalt  }
.Lfunc_end2:
_tile_overlayer_lowered:
.L_overlay_start_2:
0x233: {  	(tag) =	ssettag $0x2  }
0x234: {  	s0 =	rddreg [dreg:$0x0];
	s2 =	stileid.u32  }
0x235: {  	s1 =	rddreg [dreg:$0x1];
	p0 =	sne.s32 s2, $0x0  }
0x236: {  	s3 =	rddreg [dreg:$0x2];
	[bflag:$0x3] =	sbarrier.arrive $0xFFFF;
	s2 =	simm.s32 @!p0 $0x1C09  }
0x237: {  	[timem:s3], [sflag:s2] =	dma.local @!p0 [hbm:s0], s1  }
0x238: {  	s0 =	simm.s32 @!p0 $0x9  }
0x239: {  	_ =	swait.ge @!p0 [sflag:s0], s1  }
0x23a: {  	s1 =	ssub.s32 @!p0 $0x0, s1;
	[sflag:s0] =	ssyncset.done @!p0 $0x0  }
0x23b: {  	[sflag:s0] =	ssyncadd.s32 @!p0 s1  }
0x23c: {  	[bflag:$0x3] =	sbarrier.arrive $0xFFFF  }
0x23d: {  	_ =	shalt  }

// kernel: kernel.14.cloned.1.call-start
scs
__scs_entry_jumppad:
0x0: {  	(pc) =	sbr.rel $0x88, $3  }
0x1: {  	(tag) =	ssettag $0x0;
	lr =	simm.s32 $0x1  }
0x2: {  	[smem:$0x3F9B] =	sst lr;
	_ =	strace $0xD0000000  }
0x3: {  	_ = 	snop  }
0x4: {  	_ = 	snop  }
0x5: {  	_ = 	snop  }
0x6: {  	_ = 	snop  }
0x7: {  	_ = 	snop  }
__scs_overlays_trampoline_lowered:
0x8: {  	[smem:$0x3FAA] =	sst s0  }
0x9: {  	[smem:$0x3FAB] =	sst s1  }
0xa: {  	[smem:$0x3FAC] =	sst s2  }
0xb: {  	[smem:$0x3FAD] =	sst s3  }
0xc: {  	[smem:$0x3FAE] =	sst s4  }
0xd: {  	[smem:$0x3FAF] =	sst s5  }
0xe: {  	[smem:$0x3FB0] =	sst s6  }
0xf: {  	[smem:$0x3FB1] =	sst s7  }
0x10: {  	[smem:$0x3FB2] =	sst s8  }
0x11: {  	[smem:$0x3FB3] =	sst s9;
	s0 =	simm.s32 @!p0 $0x0  }
0x12: {  	s1 =	sld [smem:$0x3F99];
	s0 =	simm.s32 @p0 $0x1  }
0x13: {  	[smem:$0x3FB4] =	sst s0;
	s0 =	simm.s32 @!p1 $0x0  }
0x14: {  	s2 =	sld [smem:$0x3F98];
	s0 =	simm.s32 @p1 $0x1  }
0x15: {  	[smem:$0x3FB5] =	sst s0;
	s0 =	simm.s32 @!p2 $0x0  }
0x16: {  	s3 =	sld [smem:$0x3FDB];
	s0 =	simm.s32 @p2 $0x1  }
0x17: {  	s4 =	simm.s32 $0x1BF5;
	[smem:$0x3FB7] =	sst s0  }
0x18: {  	s0 =	sld [smem:$0x3F9A];
	_ =	swait.ge [sflag:s4], $0x0  }
0x19: {  	s7 =	sld [smem:$0x3F9B]  }
0x1a: {  	s8 =	sadd.s32 $0xFFFFE003, lr  }
0x1b: {  	s9 =	sadd.s32 $0xFFFFFEF7, lr;
	s5 =	simm.s32 $0xFFFFFFFF;
	p2 =	slt.u32 s8, $0xFFFFF086  }
0x1c: {  	p1 =	slt.u32 s9, $0xF7A;
	s5 =	simm.s32 @!p2 $0x0  }
0x1d: {  	s5 =	simm.s32 @p1 $0x1;
	p0 =	seq.s32 s7, s2  }
0x1e: {  	s7 =	smul.u32 @!p0 $0xF7A, s2;
	p2 =	seq.s32 @!p0 s5, $0x0  }
0x1f: {  	s9 =	smul.u32 $0xF7A, s1;
	s8 =	simm.s32 @!p0 $0x1BF5;
	p2 =	por !p2, p0  }
0x20: {  	[sflag:s8] =	ssyncset.s32 @!p0 $0xFFFFF086;
	s6 =	sadd.s32 @!p0 s3, s7;
	s7 =	simm.s32 @!p0 $0x108  }
0x21: {  	s3 =	sadd.s32 s3, s9;
	s6 =	sadd.s32 @!p0 $0x88, s6;
	s7 =	simm.s32 @p2 $0x1082  }
0x22: {  	[simem:s7], [sflag:s8] =	dma.local @!p0 [hbm:s6], $0xF7A  }
0x23: {  	s9 =	sor.u32 $0xD0000000, s2;
	s6 =	simm.s32 $0x108;
	_ =	swait.ge @!p0 [sflag:s8], $0x0  }
0x24: {  	s3 =	sadd.s32 $0x88, s3;
	s6 =	simm.s32 @!p1 $0x1082;
	[sflag:s4] =	ssyncset.s32 $0xFFFFF086  }
0x25: {  	[simem:s6], [sflag:s4] =	dma.local [hbm:s3], $0xF7A  }
0x26: {  	[smem:$0x3F9B] =	sst s1;
	(tag) =	ssettag s2;
	_ =	strace s9  }
0x27: {  	s1 =	sld [smem:$0x3FAB]  }
0x28: {  	s2 =	sld [smem:$0x3FAC]  }
0x29: {  	s4 =	sld [smem:$0x3FAE]  }
0x2a: {  	p0 =	seq.s32 s5, $0x0;
	s5 =	sld [smem:$0x3FAF]  }
0x2b: {  	s6 =	sld [smem:$0x3FB0]  }
0x2c: {  	s7 =	sld [smem:$0x3FB1]  }
0x2d: {  	s3 =	simm.s32 $0x108;
	s8 =	sld [smem:$0x3FB2]  }
0x2e: {  	s3 =	simm.s32 @!p0 $0x1082;
	s9 =	sld [smem:$0x3FB3]  }
0x2f: {  	lr =	sadd.s32 s0, s3;
	s0 =	sld [smem:$0x3FAA]  }
0x30: {  	s3 =	sld [smem:$0x3FAD]  }
0x31: {  	[smem:$0x3FB6] =	sst s10  }
0x32: {  	s10 =	sld [smem:$0x3FB4];
	_ =	sdelay $0x3  }
0x33: {  	p0 =	seq.s32 s10, $0x1;
	s10 =	sld [smem:$0x3FB6];
	_ =	sdelay $0x3  }
0x34: {  	[smem:$0x3FB6] =	sst s10  }
0x35: {  	s10 =	sld [smem:$0x3FB5];
	_ =	sdelay $0x3  }
0x36: {  	p1 =	seq.s32 s10, $0x1;
	s10 =	sld [smem:$0x3FB6];
	_ =	sdelay $0x3  }
0x37: {  	[smem:$0x3FB6] =	sst s10  }
0x38: {  	s10 =	sld [smem:$0x3FB7]  }
0x39: {  	_ = 	snop;
	(pc) =	sbr.ind lr, $3  }
0x3a: {  	_ = 	snop  }
0x3b: {  	_ = 	snop  }
0x3c: {  	p2 =	seq.s32 s10, $0x1;
	s10 =	sld [smem:$0x3FB6]  }
0x3d: {  	_ =	shalt  }
0x3e: {  	_ =	shalt  }
0x3f: {  	_ =	shalt  }
0x40: {  	_ =	shalt  }
0x41: {  	_ =	shalt  }
0x42: {  	_ =	shalt  }
0x43: {  	_ =	shalt  }
0x44: {  	_ =	shalt  }
0x45: {  	_ =	shalt  }
0x46: {  	_ =	shalt  }
0x47: {  	_ =	shalt  }
0x48: {  	_ =	shalt  }
0x49: {  	_ =	shalt  }
0x4a: {  	_ =	shalt  }
0x4b: {  	_ =	shalt  }
0x4c: {  	_ =	shalt  }
0x4d: {  	_ =	shalt  }
0x4e: {  	_ =	shalt  }
0x4f: {  	_ =	shalt  }
0x50: {  	_ =	shalt  }
0x51: {  	_ =	shalt  }
0x52: {  	_ =	shalt  }
0x53: {  	_ =	shalt  }
0x54: {  	_ =	shalt  }
0x55: {  	_ =	shalt  }
0x56: {  	_ =	shalt  }
0x57: {  	_ =	shalt  }
0x58: {  	_ =	shalt  }
0x59: {  	_ =	shalt  }
0x5a: {  	_ =	shalt  }
0x5b: {  	_ =	shalt  }
0x5c: {  	_ =	shalt  }
0x5d: {  	_ =	shalt  }
0x5e: {  	_ =	shalt  }
0x5f: {  	_ =	shalt  }
0x60: {  	_ =	shalt  }
0x61: {  	_ =	shalt  }
0x62: {  	_ =	shalt  }
0x63: {  	_ =	shalt  }
0x64: {  	_ =	shalt  }
0x65: {  	_ =	shalt  }
0x66: {  	_ =	shalt  }
0x67: {  	_ =	shalt  }
0x68: {  	_ =	shalt  }
0x69: {  	_ =	shalt  }
0x6a: {  	_ =	shalt  }
0x6b: {  	_ =	shalt  }
0x6c: {  	_ =	shalt  }
0x6d: {  	_ =	shalt  }
0x6e: {  	_ =	shalt  }
0x6f: {  	_ =	shalt  }
0x70: {  	_ =	shalt  }
0x71: {  	_ =	shalt  }
0x72: {  	_ =	shalt  }
0x73: {  	_ =	shalt  }
0x74: {  	_ =	shalt  }
0x75: {  	_ =	shalt  }
0x76: {  	_ =	shalt  }
0x77: {  	_ =	shalt  }
0x78: {  	_ =	shalt  }
0x79: {  	_ =	shalt  }
0x7a: {  	_ =	shalt  }
0x7b: {  	_ =	shalt  }
0x7c: {  	_ =	shalt  }
0x7d: {  	_ =	shalt  }
0x7e: {  	_ =	shalt  }
0x7f: {  	_ =	shalt  }
0x80: {  	_ =	shalt  }
0x81: {  	_ =	shalt  }
0x82: {  	_ =	shalt  }
0x83: {  	_ =	shalt  }
0x84: {  	_ =	shalt  }
0x85: {  	_ =	shalt  }
0x86: {  	_ =	shalt  }
0x87: {  	_ =	shalt  }
.Lfunc_end0:
.L_simem_size_0:
called_computation.2_lowered:
.L_overlay_start_0:
0x88: {  	s2 =	sld [smem:$0x3FD9]  }
0x89: {  	s3 =	sld [smem:$0x3FFE];
	_ =	sdelay $0x1  }
0x8a: {  	s1 =	srdreg.scid  }
0x8b: {  	s0 =	sand.u32 $0x1, s1  }
0x8c: {  	s17 =	sshll.u32 s0, $0xA;
	s2 =	sadd.s32 s3, s2  }
0x8d: {  	s2 =	sadd.s32 s2, s17  }
0x8e: {  	[smem:$0x3FC2] =	sst s2  }
0x8f: {  	_ = 	snop  }
0x90: {  	s2 =	sld [smem:$0x3FD0];
	(tm) =	ssettm $0x1  }
0x91: {  	s18 =	sld [smem:$0x3FFB];
	_ =	sdelay $0x3  }
0x92: {  	_ =	strace s18  }
0x93: {  	s3 =	sld [smem:$0x3FFC];
	_ =	sdelay $0x3  }
0x94: {  	_ =	strace s3  }
0x95: {  	s3 =	sld [smem:$0x3FFD];
	_ =	sdelay $0x3  }
0x96: {  	_ =	strace s3  }
0x97: {  	_ =	strace $0x8FFFFFFF  }
0x98: {  	s19 =	sld [smem:$0x3FDB];
	_ =	sdelay $0x1  }
0x99: {  	s4 =	simm.s32 $_scs_section_size  }
0x9a: {  	s5 =	simm.s32 $_size__tile_overlayer_lowered;
	s6 =	simm.s32 $_tile_overlayer_lowered  }
0x9b: {  	s22 =	simm.s32 $0x1BFF;
	s21 =	sshll.u32 s6, $0x1;
	s3 =	sadd.s32 s4, s19  }
0x9c: {  	s7 =	simm.s32 $0x0;
	s20 =	sshll.u32 s5, $0x1;
	s5 =	sadd.s32 s21, s3  }
0x9d: {  	[timem:s7], [sflag:s22] =	dma.local [hbm:s5], s20  }
0x9e: {  	_ =	swait.ge [sflag:s22], s20  }
0x9f: {  	s4 =	ssub.s32 $0x0, s20;
	[sflag:s22] =	ssyncset.done $0x0  }
0xa0: {  	[sflag:s22] =	ssyncadd.s32 s4;
	_ =	sdelay $0x1  }
0xa1: {  	s23 =	simm.s32 $0x1B8B  }
0xa2: {  	_ =	swait.ge [sflag:s23], $0x1  }
0xa3: {  	[sflag:s23] =	ssyncset.done $0x0  }
0xa4: {  	s25 =	simm.s32 $0x1B8E;
	s24 =	sld [smem:$0x3FFE];
	[sflag:s23] =	ssyncadd.s32 $0xFFFFFFFF  }
0xa5: {  	s26 =	simm.s32 $execute0_lowered;
	[smem:$0x3FD2] =	sst s25  }
0xa6: {  	s5 =	sshll.u32 s26, $0x1;
	_ =	strace $0x8000004C;
	[dreg:$0x1] =	wrdreg $0xFFFFFFFF  }
0xa7: {  	s28 =	simm.s32 $_size_execute0_lowered;
	s3 =	sadd.s32 s3, s5;
	[dreg:$0x0] =	wrdreg $0x0  }
0xa8: {  	s5 =	sshll.u32 s28, $0x1;
	[dreg:$0x2] =	wrdreg s3  }
0xa9: {  	[dreg:$0x3] =	wrdreg s5  }
0xaa: {  	[dreg:$0x4] =	wrdreg $0xC0  }
0xab: {  	_ =	task [dreg:s7], $0x5FFFF  }
0xac: {  	[dreg:$0x1] =	wrdreg $0xFFFFFFFF  }
0xad: {  	[dreg:$0x0] =	wrdreg $0x60  }
0xae: {  	[dreg:$0x2] =	wrdreg s2  }
0xaf: {  	[dreg:$0x3] =	wrdreg s24  }
0xb0: {  	[dreg:$0x4] =	wrdreg $0x140F00  }
0xb1: {  	[dreg:$0x5] =	wrdreg $0x119E00  }
0xb2: {  	[dreg:$0x6] =	wrdreg $0x9  }
0xb3: {  	_ =	task.clear_ibuf [dreg:s7], $0x7FFFF;
	_ =	strace $0x9000004C  }
0xb4: {  	s29 =	simm.s32 $0x9;
	_ =	strace $0x8000004E  }
0xb5: {  	_ =	swait.ge [sflag:s29], $0x1  }
0xb6: {  	[sflag:s29] =	ssyncadd.s32 $0xFFFFFFFF  }
0xb7: {  	_ =	strace $0x9000004E  }
0xb8: {  	_ =	sfence  }
0xb9: {  	s30 =	sld [smem:$0x0];
	_ =	sdelay $0x2  }
0xba: {  	s31 =	sshll.u32 s1, $0xD;
	s1 =	sshrl.u32 s1, $0x2  }
0xbb: {  	s3 =	sand.u32 $0x4000, s31;
	s1 =	sadd.s32 s1, s30  }
0xbc: {  	s0 =	sor.u32 s3, s0;
	s1 =	sshll.u32 s1, $0x11  }
0xbd: {  	s0 =	sor.u32 s1, s0  }
0xbe: {  	s0 =	sadd.s32 $0x8F2B, s0  }
0xbf: {  	[sflag:s0] =	ssyncadd.remote.s32 $0x1  }
0xc0: {  	_ =	sfence.sel $0xFFFF  }
0xc1: {  	[dreg:$0x0] =	wrdreg $0xFFFFFFFF;
	(pc) =	sbr.abs _section_cstart, $3  }
0xc2: {  	[dreg:$0x1] =	wrdreg $0xFFFFFFFF  }
0xc3: {  	_ =	task.clear_ibuf [dreg:s7], $0x2FFFF;
	_ =	strace $0x9FFFFFFF  }
0xc4: {  	(tm) =	ssettm $0x7FFFFFFF  }
0xc5: {  	_ =	shalt  }
tec
execute0_lowered:
.L_overlay_start_1:
0x0: {  	(tag) =	ssettag $0x1  }
0x1: {  	s0 =	rddreg [dreg:$0x0]  }
0x2: {  	s1 =	rddreg [dreg:$0x1]  }
0x3: {  	s2 =	rddreg [dreg:$0x2]  }
0x4: {  	s3 =	rddreg [dreg:$0x3]  }
0x5: {  	s4 =	srdreg.scid;
	s7 =	stileid.u32;
	s12 =	simm.s32 $0x2760  }
0x6: {  	s13 =	simm.s32 $0x75D0;
	s15 =	simm.s32 $0x9;
	s16 =	simm.s32 $0x3  }
0x7: {  	s17 =	simm.s32 $0x1;
	s18 =	simm.s32 $0x2;
	s19 =	simm.s32 $0x1F4  }
0x8: {  	s20 =	simm.s32 $0x9CE0;
	s22 =	simm.s32 $0xBC20;
	s24 =	simm.s32 $0xDB60  }
0x9: {  	s26 =	simm.s32 $0xFAA0;
	s30 =	simm.s32 $0x4;
	s14 =	simm.s32 $0x6  }
0xa: {  	s23 =	simm.s32 $0x7;
	s28 =	simm.s32 $0x8;
	s21 =	simm.s32 $0x4CC8  }
0xb: {  	s25 =	simm.s32 $0x0;
	s5 =	sand.u32 $0x1, s4;
	s6 =	sshll.u32 s7, $0x1  }
0xc: {  	s9 =	smul.u32 $0x2710, s7;
	s4 =	simm.s32 $0x0;
	s6 =	sor.u32 s5, s6  }
0xd: {  	s29 =	smul.u32 $0x27400, s5;
	[smem:$0x7FF] =	sst s4;
	s5 =	ssub.s32 $0x2, s5  }
0xe: {  	s6 =	smul.u32 $0x4EC, s6;
	_ =	strace $0x8000004D;
	s8 =	sshrl.u32 s5, $0x1  }
0xf: {  	s31 =	sshrl.u32 s9, $0x3;
	s7 =	sadd.s32 s9, s29;
	s11 =	ssub.s32 s5, s8  }
0x10: {  	s8 =	sadd.s32 s9, s2;
	s9 =	sadd.s32 s9, s3;
	s7 =	sshrl.u32 s7, $0x3  }
0x11: {  	s6 =	sadd.s32 s6, s1;
	s11 =	smax.u32 s11, $0x1;
	s1 =	sadd.s32 s7, s1  }
0x12: {  	s5 =	sadd.s32 $0xCE00, s6;
	s6 =	sadd.s32 $0x2600, s6;
	s7 =	sadd.s32 s0, s31  }
0x13: {  	v0 =	vimm.f32 $0.0e+00;
	s0 =	simm.s32 $0x5;
	s10 =	sadd.s32 $0x16C00, s1;
	s1 =	simm.s32 $0x4AD0  }
.LBB2_1:
0x14: {  	[tilespmem:s4], [sflag:$0x1] =	stream.linear.gather [hbm4b:s5+s4], $0x2760, $0x38;
	[tilespmem:$0x16800] =	vst v63  }
0x15: {  	_ = 	snop  }
0x16: {  	[tilespmem:s12], [sflag:$0x2] =	stream.linear.gather [hbm4b:s6+s4], $0x2760, $0x38;
	[tilespmem:$0x16800] =	vst v63  }
0x17: {  	s29 =	simm.s32 $0x40;
	s31 =	simm.s32 $0x0  }
0x18: {  	[tilespmem:s13], [sflag:$0x3] =	stream.linear.gather [hbm4b:s7+s4], $0x2710, $0x38;
	[tilespmem:$0x16800] =	vst v63  }
.LBB2_2:
0x19: {  	p0 =	sne.s32 s29, $0x9C00;
	[tilespmem:s31+$0x4EC0] =	vst v0;
	s31 =	smov.u32 s29;
	s29 =	sadd.s32 $0x40, s29  }
.Ltmp0:
0x1a: {  	(pc) =	sbr.rel @p0 .LBB2_2-.Ltmp0, $2  }
0x1b: {  	_ =	sdelay $0x2  }
0x1c: {  	s31 =	sshra.s32 s31, $0x2  }
0x1d: {  	[tilespmem:s31+$0x4EC0] =	vst v0;
	s29 =	simm.s32 $0x4EC0  }
0x1e: {  	[spmem:s8] =	stream.linear.scatter [tilespmem:s29], [sflag:$0x9], $0x2710, $0x38;
	[tilespmem:$0x16800] =	vst v63  }
0x1f: {  	_ =	swait.ge [sflag:s15], $0x2710  }
0x20: {  	[sflag:s15] =	ssyncset.done $0x0  }
0x21: {  	[sflag:s15] =	ssyncadd.s32 $0xFFFFD8F0  }
0x22: {  	_ =	swait.ge [sflag:s16], $0x2710  }
0x23: {  	[sflag:s16] =	ssyncset.done $0x0  }
0x24: {  	[sflag:s16] =	ssyncadd.s32 $0xFFFFD8F0  }
0x25: {  	[spmem:s9] =	stream.linear.scatter [tilespmem:s13], [sflag:$0x9], $0x2710, $0x38;
	[tilespmem:$0x16800] =	vst v63  }
0x26: {  	_ =	swait.ge [sflag:s15], $0x2710  }
0x27: {  	[sflag:s15] =	ssyncset.done $0x0  }
0x28: {  	[sflag:s15] =	ssyncadd.s32 $0xFFFFD8F0  }
0x29: {  	_ =	swait.ge [sflag:s17], $0x2760  }
0x2a: {  	[sflag:s17] =	ssyncset.done $0x0  }
0x2b: {  	[sflag:s17] =	ssyncadd.s32 $0xFFFFD8A0  }
0x2c: {  	_ =	swait.ge [sflag:s18], $0x2760  }
0x2d: {  	[sflag:s18] =	ssyncset.done $0x0  }
0x2e: {  	[sflag:s18] =	ssyncadd.s32 $0xFFFFD8A0  }
0x2f: {  	[bflag:$0x0] =	sbarrier.arrive $0xFFFF  }
0x30: {  	[tilespmem:s20], [sflag:$0x1] =	stream.indirect.gather [spmem:s3], $0x10, s4, s19, $0xb8;
	[tilespmem:$0x16800] =	vst v63  }
0x31: {  	s31 =	simm.s32 $0x1F8  }
0x32: {  	[tilespmem:s22], [sflag:$0x2] =	stream.indirect.gather [spmem:s3], $0x10, s31, s19, $0xb8;
	[tilespmem:$0x16800] =	vst v63  }
0x33: {  	s31 =	simm.s32 $0x3F0  }
0x34: {  	[tilespmem:s24], [sflag:$0x3] =	stream.indirect.gather [spmem:s3], $0x10, s31, s19, $0xb8;
	[tilespmem:$0x16800] =	vst v63  }
0x35: {  	s31 =	simm.s32 $0x5E8  }
0x36: {  	[tilespmem:s26], [sflag:$0x4] =	stream.indirect.gather [spmem:s3], $0x10, s31, s19, $0xb8;
	[tilespmem:$0x16800] =	vst v63  }
0x37: {  	_ =	swait.ge [sflag:s17], $0x1F40  }
0x38: {  	[sflag:s17] =	ssyncset.done $0x0  }
0x39: {  	[sflag:s17] =	ssyncadd.s32 $0xFFFFE0C0  }
0x3a: {  	[spmem:s2] =	stream.indirect.scatter.add.f32 [tilespmem:s20], [sflag:$0x5], $0x10, s12, s19, $0xb8;
	[tilespmem:$0x16800] =	vst v63  }
0x3b: {  	_ =	swait.ge [sflag:s18], $0x1F40  }
0x3c: {  	[sflag:s18] =	ssyncset.done $0x0  }
0x3d: {  	s31 =	simm.s32 $0x2958;
	[sflag:s18] =	ssyncadd.s32 $0xFFFFE0C0  }
0x3e: {  	[spmem:s2] =	stream.indirect.scatter.add.f32 [tilespmem:s22], [sflag:$0x6], $0x10, s31, s19, $0xb8;
	[tilespmem:$0x16800] =	vst v63  }
0x3f: {  	_ =	swait.ge [sflag:s16], $0x1F40  }
0x40: {  	[sflag:s16] =	ssyncset.done $0x0  }
0x41: {  	s31 =	simm.s32 $0x2B50;
	[sflag:s16] =	ssyncadd.s32 $0xFFFFE0C0  }
0x42: {  	[spmem:s2] =	stream.indirect.scatter.add.f32 [tilespmem:s24], [sflag:$0x7], $0x10, s31, s19, $0xb8;
	[tilespmem:$0x16800] =	vst v63  }
0x43: {  	_ =	swait.ge [sflag:s30], $0x1F40  }
0x44: {  	[sflag:s30] =	ssyncset.done $0x0  }
0x45: {  	s31 =	simm.s32 $0x2D48;
	[sflag:s30] =	ssyncadd.s32 $0xFFFFE0C0  }
0x46: {  	[spmem:s2] =	stream.indirect.scatter.add.f32 [tilespmem:s26], [sflag:$0x8], $0x10, s31, s19, $0xb8;
	[tilespmem:$0x16800] =	vst v63  }
0x47: {  	_ =	swait.ge [sflag:s0], $0x1F40  }
0x48: {  	[sflag:s0] =	ssyncset.done $0x0  }
0x49: {  	s31 =	simm.s32 $0x7E0;
	[sflag:s0] =	ssyncadd.s32 $0xFFFFE0C0  }
0x4a: {  	[tilespmem:s20], [sflag:$0x1] =	stream.indirect.gather [spmem:s3], $0x10, s31, s19, $0xb8;
	[tilespmem:$0x16800] =	vst v63  }
0x4b: {  	_ =	swait.ge [sflag:s14], $0x1F40  }
0x4c: {  	[sflag:s14] =	ssyncset.done $0x0  }
0x4d: {  	s31 =	simm.s32 $0x9D8;
	[sflag:s14] =	ssyncadd.s32 $0xFFFFE0C0  }
0x4e: {  	[tilespmem:s22], [sflag:$0x2] =	stream.indirect.gather [spmem:s3], $0x10, s31, s19, $0xb8;
	[tilespmem:$0x16800] =	vst v63  }
0x4f: {  	_ =	swait.ge [sflag:s23], $0x1F40  }
0x50: {  	[sflag:s23] =	ssyncset.done $0x0  }
0x51: {  	s31 =	simm.s32 $0xBD0;
	[sflag:s23] =	ssyncadd.s32 $0xFFFFE0C0  }
0x52: {  	[tilespmem:s24], [sflag:$0x3] =	stream.indirect.gather [spmem:s3], $0x10, s31, s19, $0xb8;
	[tilespmem:$0x16800] =	vst v63  }
0x53: {  	_ =	swait.ge [sflag:s28], $0x1F40  }
0x54: {  	[sflag:s28] =	ssyncset.done $0x0  }
0x55: {  	s31 =	simm.s32 $0xDC8;
	[sflag:s28] =	ssyncadd.s32 $0xFFFFE0C0  }
0x56: {  	[tilespmem:s26], [sflag:$0x4] =	stream.indirect.gather [spmem:s3], $0x10, s31, s19, $0xb8;
	[tilespmem:$0x16800] =	vst v63  }
0x57: {  	_ =	swait.ge [sflag:s17], $0x1F40  }
0x58: {  	[sflag:s17] =	ssyncset.done $0x0  }
0x59: {  	s31 =	simm.s32 $0x2F40;
	[sflag:s17] =	ssyncadd.s32 $0xFFFFE0C0  }
0x5a: {  	[spmem:s2] =	stream.indirect.scatter.add.f32 [tilespmem:s20], [sflag:$0x5], $0x10, s31, s19, $0xb8;
	[tilespmem:$0x16800] =	vst v63  }
0x5b: {  	_ =	swait.ge [sflag:s18], $0x1F40  }
0x5c: {  	[sflag:s18] =	ssyncset.done $0x0  }
0x5d: {  	s31 =	simm.s32 $0x3138;
	[sflag:s18] =	ssyncadd.s32 $0xFFFFE0C0  }
0x5e: {  	[spmem:s2] =	stream.indirect.scatter.add.f32 [tilespmem:s22], [sflag:$0x6], $0x10, s31, s19, $0xb8;
	[tilespmem:$0x16800] =	vst v63  }
0x5f: {  	_ =	swait.ge [sflag:s16], $0x1F40  }
0x60: {  	[sflag:s16] =	ssyncset.done $0x0  }
0x61: {  	s31 =	simm.s32 $0x3330;
	[sflag:s16] =	ssyncadd.s32 $0xFFFFE0C0  }
0x62: {  	[spmem:s2] =	stream.indirect.scatter.add.f32 [tilespmem:s24], [sflag:$0x7], $0x10, s31, s19, $0xb8;
	[tilespmem:$0x16800] =	vst v63  }
0x63: {  	_ =	swait.ge [sflag:s30], $0x1F40  }
0x64: {  	[sflag:s30] =	ssyncset.done $0x0  }
0x65: {  	s31 =	simm.s32 $0x3528;
	[sflag:s30] =	ssyncadd.s32 $0xFFFFE0C0  }
0x66: {  	[spmem:s2] =	stream.indirect.scatter.add.f32 [tilespmem:s26], [sflag:$0x8], $0x10, s31, s19, $0xb8;
	[tilespmem:$0x16800] =	vst v63  }
0x67: {  	_ =	swait.ge [sflag:s0], $0x1F40  }
0x68: {  	[sflag:s0] =	ssyncset.done $0x0  }
0x69: {  	s31 =	simm.s32 $0xFC0;
	[sflag:s0] =	ssyncadd.s32 $0xFFFFE0C0  }
0x6a: {  	[tilespmem:s20], [sflag:$0x1] =	stream.indirect.gather [spmem:s3], $0x10, s31, s19, $0xb8;
	[tilespmem:$0x16800] =	vst v63  }
0x6b: {  	_ =	swait.ge [sflag:s14], $0x1F40  }
0x6c: {  	[sflag:s14] =	ssyncset.done $0x0  }
0x6d: {  	s31 =	simm.s32 $0x11B8;
	[sflag:s14] =	ssyncadd.s32 $0xFFFFE0C0  }
0x6e: {  	[tilespmem:s22], [sflag:$0x2] =	stream.indirect.gather [spmem:s3], $0x10, s31, s19, $0xb8;
	[tilespmem:$0x16800] =	vst v63  }
0x6f: {  	_ =	swait.ge [sflag:s23], $0x1F40  }
0x70: {  	[sflag:s23] =	ssyncset.done $0x0  }
0x71: {  	s31 =	simm.s32 $0x13B0;
	[sflag:s23] =	ssyncadd.s32 $0xFFFFE0C0  }
0x72: {  	[tilespmem:s24], [sflag:$0x3] =	stream.indirect.gather [spmem:s3], $0x10, s31, s19, $0xb8;
	[tilespmem:$0x16800] =	vst v63  }
0x73: {  	_ =	swait.ge [sflag:s28], $0x1F40  }
0x74: {  	[sflag:s28] =	ssyncset.done $0x0  }
0x75: {  	s31 =	simm.s32 $0x15A8;
	[sflag:s28] =	ssyncadd.s32 $0xFFFFE0C0  }
0x76: {  	[tilespmem:s26], [sflag:$0x4] =	stream.indirect.gather [spmem:s3], $0x10, s31, s19, $0xb8;
	[tilespmem:$0x16800] =	vst v63  }
0x77: {  	_ =	swait.ge [sflag:s17], $0x1F40  }
0x78: {  	[sflag:s17] =	ssyncset.done $0x0  }
0x79: {  	s31 =	simm.s32 $0x3720;
	[sflag:s17] =	ssyncadd.s32 $0xFFFFE0C0  }
0x7a: {  	[spmem:s2] =	stream.indirect.scatter.add.f32 [tilespmem:s20], [sflag:$0x5], $0x10, s31, s19, $0xb8;
	[tilespmem:$0x16800] =	vst v63  }
0x7b: {  	_ =	swait.ge [sflag:s18], $0x1F40  }
0x7c: {  	[sflag:s18] =	ssyncset.done $0x0  }
0x7d: {  	s31 =	simm.s32 $0x3918;
	[sflag:s18] =	ssyncadd.s32 $0xFFFFE0C0  }
0x7e: {  	[spmem:s2] =	stream.indirect.scatter.add.f32 [tilespmem:s22], [sflag:$0x6], $0x10, s31, s19, $0xb8;
	[tilespmem:$0x16800] =	vst v63  }
0x7f: {  	_ =	swait.ge [sflag:s16], $0x1F40  }
0x80: {  	[sflag:s16] =	ssyncset.done $0x0  }
0x81: {  	s31 =	simm.s32 $0x3B10;
	[sflag:s16] =	ssyncadd.s32 $0xFFFFE0C0  }
0x82: {  	[spmem:s2] =	stream.indirect.scatter.add.f32 [tilespmem:s24], [sflag:$0x7], $0x10, s31, s19, $0xb8;
	[tilespmem:$0x16800] =	vst v63  }
0x83: {  	_ =	swait.ge [sflag:s30], $0x1F40  }
0x84: {  	[sflag:s30] =	ssyncset.done $0x0  }
0x85: {  	s31 =	simm.s32 $0x3D08;
	[sflag:s30] =	ssyncadd.s32 $0xFFFFE0C0  }
0x86: {  	[spmem:s2] =	stream.indirect.scatter.add.f32 [tilespmem:s26], [sflag:$0x8], $0x10, s31, s19, $0xb8;
	[tilespmem:$0x16800] =	vst v63  }
0x87: {  	_ =	swait.ge [sflag:s0], $0x1F40  }
0x88: {  	[sflag:s0] =	ssyncset.done $0x0  }
0x89: {  	s31 =	simm.s32 $0x17A0;
	[sflag:s0] =	ssyncadd.s32 $0xFFFFE0C0  }
0x8a: {  	[tilespmem:s20], [sflag:$0x1] =	stream.indirect.gather [spmem:s3], $0x10, s31, s19, $0xb8;
	[tilespmem:$0x16800] =	vst v63  }
0x8b: {  	_ =	swait.ge [sflag:s14], $0x1F40  }
0x8c: {  	[sflag:s14] =	ssyncset.done $0x0  }
0x8d: {  	s31 =	simm.s32 $0x1998;
	[sflag:s14] =	ssyncadd.s32 $0xFFFFE0C0  }
0x8e: {  	[tilespmem:s22], [sflag:$0x2] =	stream.indirect.gather [spmem:s3], $0x10, s31, s19, $0xb8;
	[tilespmem:$0x16800] =	vst v63  }
0x8f: {  	_ =	swait.ge [sflag:s23], $0x1F40  }
0x90: {  	[sflag:s23] =	ssyncset.done $0x0  }
0x91: {  	s31 =	simm.s32 $0x1B90;
	[sflag:s23] =	ssyncadd.s32 $0xFFFFE0C0  }
0x92: {  	[tilespmem:s24], [sflag:$0x3] =	stream.indirect.gather [spmem:s3], $0x10, s31, s19, $0xb8;
	[tilespmem:$0x16800] =	vst v63  }
0x93: {  	_ =	swait.ge [sflag:s28], $0x1F40  }
0x94: {  	[sflag:s28] =	ssyncset.done $0x0  }
0x95: {  	s31 =	simm.s32 $0x1D88;
	[sflag:s28] =	ssyncadd.s32 $0xFFFFE0C0  }
0x96: {  	[tilespmem:s26], [sflag:$0x4] =	stream.indirect.gather [spmem:s3], $0x10, s31, s19, $0xb8;
	[tilespmem:$0x16800] =	vst v63  }
0x97: {  	_ =	swait.ge [sflag:s17], $0x1F40  }
0x98: {  	[sflag:s17] =	ssyncset.done $0x0  }
0x99: {  	s31 =	simm.s32 $0x3F00;
	[sflag:s17] =	ssyncadd.s32 $0xFFFFE0C0  }
0x9a: {  	[spmem:s2] =	stream.indirect.scatter.add.f32 [tilespmem:s20], [sflag:$0x5], $0x10, s31, s19, $0xb8;
	[tilespmem:$0x16800] =	vst v63  }
0x9b: {  	_ =	swait.ge [sflag:s18], $0x1F40  }
0x9c: {  	[sflag:s18] =	ssyncset.done $0x0  }
0x9d: {  	s31 =	simm.s32 $0x40F8;
	[sflag:s18] =	ssyncadd.s32 $0xFFFFE0C0  }
0x9e: {  	[spmem:s2] =	stream.indirect.scatter.add.f32 [tilespmem:s22], [sflag:$0x6], $0x10, s31, s19, $0xb8;
	[tilespmem:$0x16800] =	vst v63  }
0x9f: {  	_ =	swait.ge [sflag:s16], $0x1F40  }
0xa0: {  	[sflag:s16] =	ssyncset.done $0x0  }
0xa1: {  	s31 =	simm.s32 $0x42F0;
	[sflag:s16] =	ssyncadd.s32 $0xFFFFE0C0  }
0xa2: {  	[spmem:s2] =	stream.indirect.scatter.add.f32 [tilespmem:s24], [sflag:$0x7], $0x10, s31, s19, $0xb8;
	[tilespmem:$0x16800] =	vst v63  }
0xa3: {  	_ =	swait.ge [sflag:s30], $0x1F40  }
0xa4: {  	[sflag:s30] =	ssyncset.done $0x0  }
0xa5: {  	s31 =	simm.s32 $0x44E8;
	[sflag:s30] =	ssyncadd.s32 $0xFFFFE0C0  }
0xa6: {  	[spmem:s2] =	stream.indirect.scatter.add.f32 [tilespmem:s26], [sflag:$0x8], $0x10, s31, s19, $0xb8;
	[tilespmem:$0x16800] =	vst v63  }
0xa7: {  	_ =	swait.ge [sflag:s0], $0x1F40  }
0xa8: {  	[sflag:s0] =	ssyncset.done $0x0  }
0xa9: {  	s31 =	simm.s32 $0x1F80;
	[sflag:s0] =	ssyncadd.s32 $0xFFFFE0C0  }
0xaa: {  	[tilespmem:s20], [sflag:$0x1] =	stream.indirect.gather [spmem:s3], $0x10, s31, s19, $0xb8;
	[tilespmem:$0x16800] =	vst v63  }
0xab: {  	_ =	swait.ge [sflag:s14], $0x1F40  }
0xac: {  	[sflag:s14] =	ssyncset.done $0x0  }
0xad: {  	s31 =	simm.s32 $0x2178;
	[sflag:s14] =	ssyncadd.s32 $0xFFFFE0C0  }
0xae: {  	[tilespmem:s22], [sflag:$0x2] =	stream.indirect.gather [spmem:s3], $0x10, s31, s19, $0xb8;
	[tilespmem:$0x16800] =	vst v63  }
0xaf: {  	_ =	swait.ge [sflag:s23], $0x1F40  }
0xb0: {  	[sflag:s23] =	ssyncset.done $0x0  }
0xb1: {  	s31 =	simm.s32 $0x2370;
	[sflag:s23] =	ssyncadd.s32 $0xFFFFE0C0  }
0xb2: {  	[tilespmem:s24], [sflag:$0x3] =	stream.indirect.gather [spmem:s3], $0x10, s31, s19, $0xb8;
	[tilespmem:$0x16800] =	vst v63  }
0xb3: {  	_ =	swait.ge [sflag:s28], $0x1F40  }
0xb4: {  	[sflag:s28] =	ssyncset.done $0x0  }
0xb5: {  	s31 =	simm.s32 $0x2568;
	[sflag:s28] =	ssyncadd.s32 $0xFFFFE0C0  }
0xb6: {  	[tilespmem:s26], [sflag:$0x4] =	stream.indirect.gather [spmem:s3], $0x10, s31, s19, $0xb8;
	[tilespmem:$0x16800] =	vst v63  }
0xb7: {  	_ =	swait.ge [sflag:s17], $0x1F40  }
0xb8: {  	[sflag:s17] =	ssyncset.done $0x0  }
0xb9: {  	s31 =	simm.s32 $0x46E0;
	[sflag:s17] =	ssyncadd.s32 $0xFFFFE0C0  }
0xba: {  	[spmem:s2] =	stream.indirect.scatter.add.f32 [tilespmem:s20], [sflag:$0x5], $0x10, s31, s19, $0xb8;
	[tilespmem:$0x16800] =	vst v63  }
0xbb: {  	_ =	swait.ge [sflag:s18], $0x1F40  }
0xbc: {  	[sflag:s18] =	ssyncset.done $0x0  }
0xbd: {  	s31 =	simm.s32 $0x48D8;
	[sflag:s18] =	ssyncadd.s32 $0xFFFFE0C0  }
0xbe: {  	[spmem:s2] =	stream.indirect.scatter.add.f32 [tilespmem:s22], [sflag:$0x6], $0x10, s31, s19, $0xb8;
	[tilespmem:$0x16800] =	vst v63  }
0xbf: {  	_ =	swait.ge [sflag:s16], $0x1F40  }
0xc0: {  	[sflag:s16] =	ssyncset.done $0x0  }
0xc1: {  	[sflag:s16] =	ssyncadd.s32 $0xFFFFE0C0  }
0xc2: {  	[spmem:s2] =	stream.indirect.scatter.add.f32 [tilespmem:s24], [sflag:$0x7], $0x10, s1, s19, $0xb8;
	[tilespmem:$0x16800] =	vst v63  }
0xc3: {  	_ =	swait.ge [sflag:s30], $0x1F40  }
0xc4: {  	[sflag:s30] =	ssyncset.done $0x0  }
0xc5: {  	[sflag:s30] =	ssyncadd.s32 $0xFFFFE0C0  }
0xc6: {  	[spmem:s2] =	stream.indirect.scatter.add.f32 [tilespmem:s26], [sflag:$0x8], $0x10, s21, s19, $0xb8;
	[tilespmem:$0x16800] =	vst v63  }
0xc7: {  	_ =	swait.ge [sflag:s0], $0x1F40  }
0xc8: {  	[sflag:s0] =	ssyncset.done $0x0  }
0xc9: {  	[sflag:s0] =	ssyncadd.s32 $0xFFFFE0C0  }
0xca: {  	_ =	swait.ge [sflag:s14], $0x1F40  }
0xcb: {  	[sflag:s14] =	ssyncset.done $0x0  }
0xcc: {  	[sflag:s14] =	ssyncadd.s32 $0xFFFFE0C0  }
0xcd: {  	_ =	swait.ge [sflag:s23], $0x1F40  }
0xce: {  	[sflag:s23] =	ssyncset.done $0x0  }
0xcf: {  	[sflag:s23] =	ssyncadd.s32 $0xFFFFE0C0  }
0xd0: {  	s25 =	sadd.s32 $0x1, s25;
	_ =	swait.ge [sflag:s28], $0x1F40  }
0xd1: {  	p0 =	sne.s32 s25, s11;
	s31 =	stileid.u32;
	[sflag:s28] =	ssyncset.done $0x0  }
0xd2: {  	s29 =	sshll.u32 s31, $0x6;
	s31 =	sshrl.u32 s8, $0x3;
	[sflag:s28] =	ssyncadd.s32 $0xFFFFE0C0  }
.Ltmp1:
0xd3: {  	s29 =	sor.u32 $0x1C09, s29;
	[bflag:$0x0] =	sbarrier.arrive $0xFFFF;
	(pc) =	sbr.rel @p0 .LBB2_1-.Ltmp1, $4  }
0xd4: {  	[hbm:s10], [sflag:s29] =	dma.local [spmem:s31], $0x4E2  }
0xd5: {  	_ =	swait.ge [sflag:s15], $0x4E2  }
0xd6: {  	[sflag:s15] =	ssyncset.done $0x0  }
0xd7: {  	[sflag:s15] =	ssyncadd.s32 $0xFFFFFB1E  }
0xd8: {  	_ =	sfence.sel $0x180000  }
0xd9: {  	[bflag:$0x0] =	sbarrier.arrive $0xFFFF  }
0xda: {  	_ =	strace $0x9000004D  }
0xdb: {  	s0 =	stileid.u32;
	[bflag:$0x2] =	sbarrier.arrive $0xFFFF  }
0xdc: {  	p0 =	sne.s32 s0, $0x0;
	s0 =	rddreg [dreg:$0x4]  }
0xdd: {  	s0 =	sadd.s32 @!p0 $0x100000, s0  }
0xde: {  	[sflag:s0] =	ssyncadd.tile.s32 @!p0 $0x1;
	_ =	shalt  }
.Lfunc_end2:
_tile_overlayer_lowered:
.L_overlay_start_2:
0xdf: {  	(tag) =	ssettag $0x2  }
0xe0: {  	s0 =	rddreg [dreg:$0x0];
	s2 =	stileid.u32  }
0xe1: {  	s1 =	rddreg [dreg:$0x1];
	p0 =	sne.s32 s2, $0x0  }
0xe2: {  	s3 =	rddreg [dreg:$0x2];
	[bflag:$0x3] =	sbarrier.arrive $0xFFFF;
	s2 =	simm.s32 @!p0 $0x1C09  }
0xe3: {  	[timem:s3], [sflag:s2] =	dma.local @!p0 [hbm:s0], s1  }
0xe4: {  	s0 =	simm.s32 @!p0 $0x9  }
0xe5: {  	_ =	swait.ge @!p0 [sflag:s0], s1  }
0xe6: {  	s1 =	ssub.s32 @!p0 $0x0, s1;
	[sflag:s0] =	ssyncset.done @!p0 $0x0  }
0xe7: {  	[sflag:s0] =	ssyncadd.s32 @!p0 s1  }
0xe8: {  	[bflag:$0x3] =	sbarrier.arrive $0xFFFF  }
0xe9: {  	_ =	shalt  }

// kernel: kernel.8.cloned.1.call-start
scs
__scs_entry_jumppad:
0x0: {  	(pc) =	sbr.rel $0x88, $3  }
0x1: {  	(tag) =	ssettag $0x0;
	lr =	simm.s32 $0x1  }
0x2: {  	[smem:$0x3F9B] =	sst lr;
	_ =	strace $0xD0000000  }
0x3: {  	_ = 	snop  }
0x4: {  	_ = 	snop  }
0x5: {  	_ = 	snop  }
0x6: {  	_ = 	snop  }
0x7: {  	_ = 	snop  }
__scs_overlays_trampoline_lowered:
0x8: {  	[smem:$0x3FAA] =	sst s0  }
0x9: {  	[smem:$0x3FAB] =	sst s1  }
0xa: {  	[smem:$0x3FAC] =	sst s2  }
0xb: {  	[smem:$0x3FAD] =	sst s3  }
0xc: {  	[smem:$0x3FAE] =	sst s4  }
0xd: {  	[smem:$0x3FAF] =	sst s5  }
0xe: {  	[smem:$0x3FB0] =	sst s6  }
0xf: {  	[smem:$0x3FB1] =	sst s7  }
0x10: {  	[smem:$0x3FB2] =	sst s8  }
0x11: {  	[smem:$0x3FB3] =	sst s9;
	s0 =	simm.s32 @!p0 $0x0  }
0x12: {  	s1 =	sld [smem:$0x3F99];
	s0 =	simm.s32 @p0 $0x1  }
0x13: {  	[smem:$0x3FB4] =	sst s0;
	s0 =	simm.s32 @!p1 $0x0  }
0x14: {  	s2 =	sld [smem:$0x3F98];
	s0 =	simm.s32 @p1 $0x1  }
0x15: {  	[smem:$0x3FB5] =	sst s0;
	s0 =	simm.s32 @!p2 $0x0  }
0x16: {  	s3 =	sld [smem:$0x3FDB];
	s0 =	simm.s32 @p2 $0x1  }
0x17: {  	s4 =	simm.s32 $0x1BF5;
	[smem:$0x3FB7] =	sst s0  }
0x18: {  	s0 =	sld [smem:$0x3F9A];
	_ =	swait.ge [sflag:s4], $0x0  }
0x19: {  	s7 =	sld [smem:$0x3F9B]  }
0x1a: {  	s8 =	sadd.s32 $0xFFFFE003, lr  }
0x1b: {  	s9 =	sadd.s32 $0xFFFFFEF7, lr;
	s5 =	simm.s32 $0xFFFFFFFF;
	p2 =	slt.u32 s8, $0xFFFFF086  }
0x1c: {  	p1 =	slt.u32 s9, $0xF7A;
	s5 =	simm.s32 @!p2 $0x0  }
0x1d: {  	s5 =	simm.s32 @p1 $0x1;
	p0 =	seq.s32 s7, s2  }
0x1e: {  	s7 =	smul.u32 @!p0 $0xF7A, s2;
	p2 =	seq.s32 @!p0 s5, $0x0  }
0x1f: {  	s9 =	smul.u32 $0xF7A, s1;
	s8 =	simm.s32 @!p0 $0x1BF5;
	p2 =	por !p2, p0  }
0x20: {  	[sflag:s8] =	ssyncset.s32 @!p0 $0xFFFFF086;
	s6 =	sadd.s32 @!p0 s3, s7;
	s7 =	simm.s32 @!p0 $0x108  }
0x21: {  	s3 =	sadd.s32 s3, s9;
	s6 =	sadd.s32 @!p0 $0x88, s6;
	s7 =	simm.s32 @p2 $0x1082  }
0x22: {  	[simem:s7], [sflag:s8] =	dma.local @!p0 [hbm:s6], $0xF7A  }
0x23: {  	s9 =	sor.u32 $0xD0000000, s2;
	s6 =	simm.s32 $0x108;
	_ =	swait.ge @!p0 [sflag:s8], $0x0  }
0x24: {  	s3 =	sadd.s32 $0x88, s3;
	s6 =	simm.s32 @!p1 $0x1082;
	[sflag:s4] =	ssyncset.s32 $0xFFFFF086  }
0x25: {  	[simem:s6], [sflag:s4] =	dma.local [hbm:s3], $0xF7A  }
0x26: {  	[smem:$0x3F9B] =	sst s1;
	(tag) =	ssettag s2;
	_ =	strace s9  }
0x27: {  	s1 =	sld [smem:$0x3FAB]  }
0x28: {  	s2 =	sld [smem:$0x3FAC]  }
0x29: {  	s4 =	sld [smem:$0x3FAE]  }
0x2a: {  	p0 =	seq.s32 s5, $0x0;
	s5 =	sld [smem:$0x3FAF]  }
0x2b: {  	s6 =	sld [smem:$0x3FB0]  }
0x2c: {  	s7 =	sld [smem:$0x3FB1]  }
0x2d: {  	s3 =	simm.s32 $0x108;
	s8 =	sld [smem:$0x3FB2]  }
0x2e: {  	s3 =	simm.s32 @!p0 $0x1082;
	s9 =	sld [smem:$0x3FB3]  }
0x2f: {  	lr =	sadd.s32 s0, s3;
	s0 =	sld [smem:$0x3FAA]  }
0x30: {  	s3 =	sld [smem:$0x3FAD]  }
0x31: {  	[smem:$0x3FB6] =	sst s10  }
0x32: {  	s10 =	sld [smem:$0x3FB4];
	_ =	sdelay $0x3  }
0x33: {  	p0 =	seq.s32 s10, $0x1;
	s10 =	sld [smem:$0x3FB6];
	_ =	sdelay $0x3  }
0x34: {  	[smem:$0x3FB6] =	sst s10  }
0x35: {  	s10 =	sld [smem:$0x3FB5];
	_ =	sdelay $0x3  }
0x36: {  	p1 =	seq.s32 s10, $0x1;
	s10 =	sld [smem:$0x3FB6];
	_ =	sdelay $0x3  }
0x37: {  	[smem:$0x3FB6] =	sst s10  }
0x38: {  	s10 =	sld [smem:$0x3FB7]  }
0x39: {  	_ = 	snop;
	(pc) =	sbr.ind lr, $3  }
0x3a: {  	_ = 	snop  }
0x3b: {  	_ = 	snop  }
0x3c: {  	p2 =	seq.s32 s10, $0x1;
	s10 =	sld [smem:$0x3FB6]  }
0x3d: {  	_ =	shalt  }
0x3e: {  	_ =	shalt  }
0x3f: {  	_ =	shalt  }
0x40: {  	_ =	shalt  }
0x41: {  	_ =	shalt  }
0x42: {  	_ =	shalt  }
0x43: {  	_ =	shalt  }
0x44: {  	_ =	shalt  }
0x45: {  	_ =	shalt  }
0x46: {  	_ =	shalt  }
0x47: {  	_ =	shalt  }
0x48: {  	_ =	shalt  }
0x49: {  	_ =	shalt  }
0x4a: {  	_ =	shalt  }
0x4b: {  	_ =	shalt  }
0x4c: {  	_ =	shalt  }
0x4d: {  	_ =	shalt  }
0x4e: {  	_ =	shalt  }
0x4f: {  	_ =	shalt  }
0x50: {  	_ =	shalt  }
0x51: {  	_ =	shalt  }
0x52: {  	_ =	shalt  }
0x53: {  	_ =	shalt  }
0x54: {  	_ =	shalt  }
0x55: {  	_ =	shalt  }
0x56: {  	_ =	shalt  }
0x57: {  	_ =	shalt  }
0x58: {  	_ =	shalt  }
0x59: {  	_ =	shalt  }
0x5a: {  	_ =	shalt  }
0x5b: {  	_ =	shalt  }
0x5c: {  	_ =	shalt  }
0x5d: {  	_ =	shalt  }
0x5e: {  	_ =	shalt  }
0x5f: {  	_ =	shalt  }
0x60: {  	_ =	shalt  }
0x61: {  	_ =	shalt  }
0x62: {  	_ =	shalt  }
0x63: {  	_ =	shalt  }
0x64: {  	_ =	shalt  }
0x65: {  	_ =	shalt  }
0x66: {  	_ =	shalt  }
0x67: {  	_ =	shalt  }
0x68: {  	_ =	shalt  }
0x69: {  	_ =	shalt  }
0x6a: {  	_ =	shalt  }
0x6b: {  	_ =	shalt  }
0x6c: {  	_ =	shalt  }
0x6d: {  	_ =	shalt  }
0x6e: {  	_ =	shalt  }
0x6f: {  	_ =	shalt  }
0x70: {  	_ =	shalt  }
0x71: {  	_ =	shalt  }
0x72: {  	_ =	shalt  }
0x73: {  	_ =	shalt  }
0x74: {  	_ =	shalt  }
0x75: {  	_ =	shalt  }
0x76: {  	_ =	shalt  }
0x77: {  	_ =	shalt  }
0x78: {  	_ =	shalt  }
0x79: {  	_ =	shalt  }
0x7a: {  	_ =	shalt  }
0x7b: {  	_ =	shalt  }
0x7c: {  	_ =	shalt  }
0x7d: {  	_ =	shalt  }
0x7e: {  	_ =	shalt  }
0x7f: {  	_ =	shalt  }
0x80: {  	_ =	shalt  }
0x81: {  	_ =	shalt  }
0x82: {  	_ =	shalt  }
0x83: {  	_ =	shalt  }
0x84: {  	_ =	shalt  }
0x85: {  	_ =	shalt  }
0x86: {  	_ =	shalt  }
0x87: {  	_ =	shalt  }
.Lfunc_end0:
.L_simem_size_0:
called_computation_lowered:
.L_overlay_start_0:
0x88: {  	s2 =	sld [smem:$0x3FD9]  }
0x89: {  	s3 =	sld [smem:$0x3FFE];
	_ =	sdelay $0x1  }
0x8a: {  	s1 =	srdreg.scid  }
0x8b: {  	s0 =	sand.u32 $0x1, s1  }
0x8c: {  	s16 =	sshll.u32 s0, $0xA;
	s2 =	sadd.s32 s3, s2  }
0x8d: {  	s2 =	sadd.s32 s2, s16  }
0x8e: {  	[smem:$0x3FC2] =	sst s2  }
0x8f: {  	_ = 	snop  }
0x90: {  	(tm) =	ssettm $0x1  }
0x91: {  	s17 =	sld [smem:$0x3FFB];
	_ =	sdelay $0x3  }
0x92: {  	_ =	strace s17  }
0x93: {  	s2 =	sld [smem:$0x3FFC];
	_ =	sdelay $0x3  }
0x94: {  	_ =	strace s2  }
0x95: {  	s2 =	sld [smem:$0x3FFD];
	_ =	sdelay $0x3  }
0x96: {  	_ =	strace s2  }
0x97: {  	_ =	strace $0x8FFFFFFF  }
0x98: {  	s18 =	sld [smem:$0x3FDB];
	_ =	sdelay $0x1  }
0x99: {  	s19 =	simm.s32 $_scs_section_size  }
0x9a: {  	s4 =	simm.s32 $_size__tile_overlayer_lowered;
	s5 =	simm.s32 $_tile_overlayer_lowered  }
0x9b: {  	s22 =	simm.s32 $0x1BFF;
	s21 =	sshll.u32 s5, $0x1;
	s2 =	sadd.s32 s19, s18  }
0x9c: {  	s6 =	simm.s32 $0x0;
	s20 =	sshll.u32 s4, $0x1;
	s4 =	sadd.s32 s21, s2  }
0x9d: {  	[timem:s6], [sflag:s22] =	dma.local [hbm:s4], s20  }
0x9e: {  	_ =	swait.ge [sflag:s22], s20  }
0x9f: {  	s3 =	ssub.s32 $0x0, s20;
	[sflag:s22] =	ssyncset.done $0x0  }
0xa0: {  	[sflag:s22] =	ssyncadd.s32 s3;
	_ =	sdelay $0x1  }
0xa1: {  	s23 =	simm.s32 $0x1B8B  }
0xa2: {  	_ =	swait.ge [sflag:s23], $0x1  }
0xa3: {  	[sflag:s23] =	ssyncset.done $0x0  }
0xa4: {  	s25 =	simm.s32 $0x1B8E;
	s24 =	sld [smem:$0x3FFE];
	[sflag:s23] =	ssyncadd.s32 $0xFFFFFFFF  }
0xa5: {  	s26 =	simm.s32 $execute0_lowered;
	[smem:$0x3FD2] =	sst s25  }
0xa6: {  	s4 =	sshll.u32 s26, $0x1;
	_ =	strace $0x80000046;
	[dreg:$0x1] =	wrdreg $0xFFFFFFFF  }
0xa7: {  	s28 =	simm.s32 $_size_execute0_lowered;
	s2 =	sadd.s32 s2, s4;
	[dreg:$0x0] =	wrdreg $0x0  }
0xa8: {  	s4 =	sshll.u32 s28, $0x1;
	[dreg:$0x2] =	wrdreg s2  }
0xa9: {  	[dreg:$0x3] =	wrdreg s4  }
0xaa: {  	[dreg:$0x4] =	wrdreg $0xC0  }
0xab: {  	_ =	task [dreg:s6], $0x5FFFF  }
0xac: {  	[dreg:$0x1] =	wrdreg $0xFFFFFFFF  }
0xad: {  	[dreg:$0x0] =	wrdreg $0x60  }
0xae: {  	[dreg:$0x2] =	wrdreg s24  }
0xaf: {  	[dreg:$0x3] =	wrdreg $0x71200  }
0xb0: {  	[dreg:$0x4] =	wrdreg $0x9  }
0xb1: {  	_ =	task.clear_ibuf [dreg:s6], $0x5FFFF;
	_ =	strace $0x90000046  }
0xb2: {  	s29 =	simm.s32 $0x9;
	_ =	strace $0x80000048  }
0xb3: {  	_ =	swait.ge [sflag:s29], $0x1  }
0xb4: {  	[sflag:s29] =	ssyncadd.s32 $0xFFFFFFFF  }
0xb5: {  	_ =	strace $0x90000048  }
0xb6: {  	_ =	sfence  }
0xb7: {  	s30 =	sld [smem:$0x0];
	_ =	sdelay $0x2  }
0xb8: {  	s31 =	sshll.u32 s1, $0xD;
	s1 =	sshrl.u32 s1, $0x2  }
0xb9: {  	s3 =	sand.u32 $0x4000, s31;
	s1 =	sadd.s32 s1, s30  }
0xba: {  	s0 =	sor.u32 s3, s0;
	s1 =	sshll.u32 s1, $0x11  }
0xbb: {  	s0 =	sor.u32 s1, s0  }
0xbc: {  	s0 =	sadd.s32 $0x8F2B, s0  }
0xbd: {  	[sflag:s0] =	ssyncadd.remote.s32 $0x1  }
0xbe: {  	_ =	sfence.sel $0xFFFF  }
0xbf: {  	[dreg:$0x0] =	wrdreg $0xFFFFFFFF;
	(pc) =	sbr.abs _section_cstart, $3  }
0xc0: {  	[dreg:$0x1] =	wrdreg $0xFFFFFFFF  }
0xc1: {  	_ =	task.clear_ibuf [dreg:s6], $0x2FFFF;
	_ =	strace $0x9FFFFFFF  }
0xc2: {  	(tm) =	ssettm $0x7FFFFFFF  }
0xc3: {  	_ =	shalt  }
tec
execute0_lowered:
.L_overlay_start_1:
0x0: {  	(tag) =	ssettag $0x1  }
0x1: {  	s0 =	rddreg [dreg:$0x0]  }
0x2: {  	s2 =	rddreg [dreg:$0x1]  }
0x3: {  	s1 =	srdreg.scid;
	s7 =	stileid.u32  }
0x4: {  	s3 =	simm.s32 $0x0;
	s8 =	simm.s32 $0x46A0;
	s9 =	simm.s32 $0x5  }
0x5: {  	s10 =	simm.s32 $0x1;
	s11 =	simm.s32 $0x1F4;
	s12 =	simm.s32 $0x2760  }
0x6: {  	s17 =	simm.s32 $0x2;
	s19 =	simm.s32 $0x3;
	s21 =	simm.s32 $0x4  }
0x7: {  	s22 =	simm.s32 $0xDC8;
	s23 =	simm.s32 $0xFC0;
	s28 =	simm.s32 $0x17A0  }
0x8: {  	s29 =	simm.s32 $0x1998;
	s30 =	simm.s32 $0x1B90;
	s31 =	simm.s32 $0x1D88  }
0x9: {  	s13 =	simm.s32 $0x2370;
	s14 =	simm.s32 $0x2568;
	s15 =	simm.s32 $0x6EA0  }
0xa: {  	s16 =	simm.s32 $0x0;
	s1 =	sand.u32 $0x1, s1;
	s6 =	smul.u32 $0x278, s7  }
0xb: {  	s4 =	sshll.u32 s7, $0x1;
	[smem:$0x7FF] =	sst s3;
	s24 =	smul.u32 $0x9C40, s7  }
0xc: {  	s5 =	smul.u32 $0x2780, s1;
	s4 =	sor.u32 s1, s4;
	s1 =	ssub.s32 $0x2, s1  }
0xd: {  	_ =	strace $0x80000047;
	s4 =	smul.u32 $0x4EC, s4;
	s25 =	sshrl.u32 s1, $0x1  }
0xe: {  	s26 =	sshrl.u32 s24, $0x2;
	s24 =	simm.s32 $0x11B8;
	s5 =	sadd.s32 s6, s5  }
0xf: {  	s1 =	ssub.s32 s1, s25;
	s25 =	simm.s32 $0x13B0;
	s4 =	sadd.s32 s4, s0  }
0x10: {  	s5 =	sshrl.u32 s5, $0x3;
	s7 =	smax.u32 s1, $0x1;
	s1 =	simm.s32 $0x2178  }
0x11: {  	v2 =	vlaneseq.u32;
	s0 =	sadd.s32 s5, s0;
	s4 =	sadd.s32 $0x2600, s4;
	s5 =	sadd.s32 s26, s2  }
0x12: {  	v0 =	vimm.f32 $1.000000000e+00;
	v1 =	vimm.f32 $0.0e+00;
	v2 =	vmul.u32 $0x10, v2;
	s26 =	simm.s32 $0x15A8;
	s6 =	sadd.s32 $0xC400, s0;
	s0 =	simm.s32 $0x1F80  }
.LBB2_1:
0x13: {  	[tilespmem:s3], [sflag:$0x1] =	stream.linear.gather [hbm4b:s4+s3], $0x2760, $0x38;
	[tilespmem:$0x9830] =	vst v63  }
0x14: {  	s18 =	simm.s32 $0x0  }
.LBB2_2:
0x15: {  	p0 =	sne.s32 s18, $0x7CC0  }
.Ltmp0:
0x16: {  	_ = 	snop;
	(pc) =	sbr.rel @p0 .LBB2_2-.Ltmp0, $3  }
0x17: {  	_ =	sdelay $0x1  }
0x18: {  	s20 =	sshra.s32 s18, $0x2  }
0x19: {  	s18 =	sadd.s32 $0x40, s18;
	[tilespmem:s20+$0x2760] =	vst v0  }
0x1a: {  	s18 =	simm.s32 $0x40;
	s20 =	simm.s32 $0x0  }
.LBB2_4:
0x1b: {  	p0 =	sne.s32 s18, $0x9C00;
	[tilespmem:s20+$0x46A0] =	vst v1;
	s20 =	smov.u32 s18;
	s18 =	sadd.s32 $0x40, s18  }
.Ltmp1:
0x1c: {  	(pc) =	sbr.rel @p0 .LBB2_4-.Ltmp1, $2  }
0x1d: {  	_ =	sdelay $0x2  }
0x1e: {  	s20 =	sshra.s32 s20, $0x2  }
0x1f: {  	[tilespmem:s20+$0x46A0] =	vst v1  }
0x20: {  	[spmem:s5] =	stream.linear.scatter [tilespmem:s8], [sflag:$0x5], $0x2710, $0x38;
	[tilespmem:$0x9830] =	vst v63  }
0x21: {  	_ =	swait.ge [sflag:s9], $0x2710  }
0x22: {  	[sflag:s9] =	ssyncset.done $0x0  }
0x23: {  	[sflag:s9] =	ssyncadd.s32 $0xFFFFD8F0  }
0x24: {  	_ =	swait.ge [sflag:s10], $0x2760  }
0x25: {  	[sflag:s10] =	ssyncset.done $0x0  }
0x26: {  	[sflag:s10] =	ssyncadd.s32 $0xFFFFD8A0  }
0x27: {  	s18 =	simm.s32 $0x0;
	[bflag:$0x0] =	sbarrier.arrive $0xFFFF  }
0x28: {  	[spmem:s2] =	stream.indirect.scatter.add.f32 [tilespmem:s12], [sflag:$0x1], $0x10, s18, s11, $0xb8;
	[tilespmem:$0x9830] =	vst v63  }
0x29: {  	s20 =	simm.s32 $0x1F8  }
0x2a: {  	[spmem:s2] =	stream.indirect.scatter.add.f32 [tilespmem:s12], [sflag:$0x2], $0x10, s20, s11, $0xb8;
	[tilespmem:$0x9830] =	vst v63  }
0x2b: {  	s20 =	simm.s32 $0x3F0  }
0x2c: {  	[spmem:s2] =	stream.indirect.scatter.add.f32 [tilespmem:s12], [sflag:$0x3], $0x10, s20, s11, $0xb8;
	[tilespmem:$0x9830] =	vst v63  }
0x2d: {  	s20 =	simm.s32 $0x5E8  }
0x2e: {  	[spmem:s2] =	stream.indirect.scatter.add.f32 [tilespmem:s12], [sflag:$0x4], $0x10, s20, s11, $0xb8;
	[tilespmem:$0x9830] =	vst v63  }
0x2f: {  	_ =	swait.ge [sflag:s10], $0x1F40  }
0x30: {  	[sflag:s10] =	ssyncset.done $0x0  }
0x31: {  	s20 =	simm.s32 $0x7E0;
	[sflag:s10] =	ssyncadd.s32 $0xFFFFE0C0  }
0x32: {  	[spmem:s2] =	stream.indirect.scatter.add.f32 [tilespmem:s12], [sflag:$0x1], $0x10, s20, s11, $0xb8;
	[tilespmem:$0x9830] =	vst v63  }
0x33: {  	_ =	swait.ge [sflag:s17], $0x1F40  }
0x34: {  	[sflag:s17] =	ssyncset.done $0x0  }
0x35: {  	s20 =	simm.s32 $0x9D8;
	[sflag:s17] =	ssyncadd.s32 $0xFFFFE0C0  }
0x36: {  	[spmem:s2] =	stream.indirect.scatter.add.f32 [tilespmem:s12], [sflag:$0x2], $0x10, s20, s11, $0xb8;
	[tilespmem:$0x9830] =	vst v63  }
0x37: {  	_ =	swait.ge [sflag:s19], $0x1F40  }
0x38: {  	[sflag:s19] =	ssyncset.done $0x0  }
0x39: {  	s20 =	simm.s32 $0xBD0;
	[sflag:s19] =	ssyncadd.s32 $0xFFFFE0C0  }
0x3a: {  	[spmem:s2] =	stream.indirect.scatter.add.f32 [tilespmem:s12], [sflag:$0x3], $0x10, s20, s11, $0xb8;
	[tilespmem:$0x9830] =	vst v63  }
0x3b: {  	_ =	swait.ge [sflag:s21], $0x1F40  }
0x3c: {  	[sflag:s21] =	ssyncset.done $0x0  }
0x3d: {  	[sflag:s21] =	ssyncadd.s32 $0xFFFFE0C0  }
0x3e: {  	[spmem:s2] =	stream.indirect.scatter.add.f32 [tilespmem:s12], [sflag:$0x4], $0x10, s22, s11, $0xb8;
	[tilespmem:$0x9830] =	vst v63  }
0x3f: {  	_ =	swait.ge [sflag:s10], $0x1F40  }
0x40: {  	[sflag:s10] =	ssyncset.done $0x0  }
0x41: {  	[sflag:s10] =	ssyncadd.s32 $0xFFFFE0C0  }
0x42: {  	[spmem:s2] =	stream.indirect.scatter.add.f32 [tilespmem:s12], [sflag:$0x1], $0x10, s23, s11, $0xb8;
	[tilespmem:$0x9830] =	vst v63  }
0x43: {  	_ =	swait.ge [sflag:s17], $0x1F40  }
0x44: {  	[sflag:s17] =	ssyncset.done $0x0  }
0x45: {  	[sflag:s17] =	ssyncadd.s32 $0xFFFFE0C0  }
0x46: {  	[spmem:s2] =	stream.indirect.scatter.add.f32 [tilespmem:s12], [sflag:$0x2], $0x10, s24, s11, $0xb8;
	[tilespmem:$0x9830] =	vst v63  }
0x47: {  	_ =	swait.ge [sflag:s19], $0x1F40  }
0x48: {  	[sflag:s19] =	ssyncset.done $0x0  }
0x49: {  	[sflag:s19] =	ssyncadd.s32 $0xFFFFE0C0  }
0x4a: {  	[spmem:s2] =	stream.indirect.scatter.add.f32 [tilespmem:s12], [sflag:$0x3], $0x10, s25, s11, $0xb8;
	[tilespmem:$0x9830] =	vst v63  }
0x4b: {  	_ =	swait.ge [sflag:s21], $0x1F40  }
0x4c: {  	[sflag:s21] =	ssyncset.done $0x0  }
0x4d: {  	[sflag:s21] =	ssyncadd.s32 $0xFFFFE0C0  }
0x4e: {  	[spmem:s2] =	stream.indirect.scatter.add.f32 [tilespmem:s12], [sflag:$0x4], $0x10, s26, s11, $0xb8;
	[tilespmem:$0x9830] =	vst v63  }
0x4f: {  	_ =	swait.ge [sflag:s10], $0x1F40  }
0x50: {  	[sflag:s10] =	ssyncset.done $0x0  }
0x51: {  	[sflag:s10] =	ssyncadd.s32 $0xFFFFE0C0  }
0x52: {  	[spmem:s2] =	stream.indirect.scatter.add.f32 [tilespmem:s12], [sflag:$0x1], $0x10, s28, s11, $0xb8;
	[tilespmem:$0x9830] =	vst v63  }
0x53: {  	_ =	swait.ge [sflag:s17], $0x1F40  }
0x54: {  	[sflag:s17] =	ssyncset.done $0x0  }
0x55: {  	[sflag:s17] =	ssyncadd.s32 $0xFFFFE0C0  }
0x56: {  	[spmem:s2] =	stream.indirect.scatter.add.f32 [tilespmem:s12], [sflag:$0x2], $0x10, s29, s11, $0xb8;
	[tilespmem:$0x9830] =	vst v63  }
0x57: {  	_ =	swait.ge [sflag:s19], $0x1F40  }
0x58: {  	[sflag:s19] =	ssyncset.done $0x0  }
0x59: {  	[sflag:s19] =	ssyncadd.s32 $0xFFFFE0C0  }
0x5a: {  	[spmem:s2] =	stream.indirect.scatter.add.f32 [tilespmem:s12], [sflag:$0x3], $0x10, s30, s11, $0xb8;
	[tilespmem:$0x9830] =	vst v63  }
0x5b: {  	_ =	swait.ge [sflag:s21], $0x1F40  }
0x5c: {  	[sflag:s21] =	ssyncset.done $0x0  }
0x5d: {  	[sflag:s21] =	ssyncadd.s32 $0xFFFFE0C0  }
0x5e: {  	[spmem:s2] =	stream.indirect.scatter.add.f32 [tilespmem:s12], [sflag:$0x4], $0x10, s31, s11, $0xb8;
	[tilespmem:$0x9830] =	vst v63  }
0x5f: {  	_ =	swait.ge [sflag:s10], $0x1F40  }
0x60: {  	[sflag:s10] =	ssyncset.done $0x0  }
0x61: {  	[sflag:s10] =	ssyncadd.s32 $0xFFFFE0C0  }
0x62: {  	[spmem:s2] =	stream.indirect.scatter.add.f32 [tilespmem:s12], [sflag:$0x1], $0x10, s0, s11, $0xb8;
	[tilespmem:$0x9830] =	vst v63  }
0x63: {  	_ =	swait.ge [sflag:s17], $0x1F40  }
0x64: {  	[sflag:s17] =	ssyncset.done $0x0  }
0x65: {  	[sflag:s17] =	ssyncadd.s32 $0xFFFFE0C0  }
0x66: {  	[spmem:s2] =	stream.indirect.scatter.add.f32 [tilespmem:s12], [sflag:$0x2], $0x10, s1, s11, $0xb8;
	[tilespmem:$0x9830] =	vst v63  }
0x67: {  	_ =	swait.ge [sflag:s19], $0x1F40  }
0x68: {  	[sflag:s19] =	ssyncset.done $0x0  }
0x69: {  	[sflag:s19] =	ssyncadd.s32 $0xFFFFE0C0  }
0x6a: {  	[spmem:s2] =	stream.indirect.scatter.add.f32 [tilespmem:s12], [sflag:$0x3], $0x10, s13, s11, $0xb8;
	[tilespmem:$0x9830] =	vst v63  }
0x6b: {  	_ =	swait.ge [sflag:s21], $0x1F40  }
0x6c: {  	[sflag:s21] =	ssyncset.done $0x0  }
0x6d: {  	[sflag:s21] =	ssyncadd.s32 $0xFFFFE0C0  }
0x6e: {  	[spmem:s2] =	stream.indirect.scatter.add.f32 [tilespmem:s12], [sflag:$0x4], $0x10, s14, s11, $0xb8;
	[tilespmem:$0x9830] =	vst v63  }
0x6f: {  	_ =	swait.ge [sflag:s10], $0x1F40  }
0x70: {  	[sflag:s10] =	ssyncset.done $0x0  }
0x71: {  	[sflag:s10] =	ssyncadd.s32 $0xFFFFE0C0  }
0x72: {  	_ =	swait.ge [sflag:s17], $0x1F40  }
0x73: {  	[sflag:s17] =	ssyncset.done $0x0  }
0x74: {  	[sflag:s17] =	ssyncadd.s32 $0xFFFFE0C0  }
0x75: {  	_ =	swait.ge [sflag:s19], $0x1F40  }
0x76: {  	[sflag:s19] =	ssyncset.done $0x0  }
0x77: {  	[sflag:s19] =	ssyncadd.s32 $0xFFFFE0C0  }
0x78: {  	_ =	swait.ge [sflag:s21], $0x1F40  }
0x79: {  	v3 =	vmov s18;
	[sflag:s21] =	ssyncset.done $0x0  }
0x7a: {  	v3 =	vshll.u32 v3, $0x4;
	[sflag:s21] =	ssyncadd.s32 $0xFFFFE0C0  }
0x7b: {  	v3 =	vor.u32 v2, v3;
	[bflag:$0x0] =	sbarrier.arrive $0xFFFF  }
0x7c: {  	[tilespmem:s8], [sflag:$0x5] =	stream.linear.gather [spmem:s5], $0x2710, $0x38;
	[tilespmem:$0x9830] =	vst v63  }
0x7d: {  	_ =	swait.ge [sflag:s9], $0x2710  }
0x7e: {  	s20 =	simm.s32 $0x10;
	[sflag:s9] =	ssyncset.done $0x0  }
0x7f: {  	v4 =	vmov s20;
	[sflag:s9] =	ssyncadd.s32 $0xFFFFD8F0  }
0x80: {  	v4 =	vshll.u32 v4, $0x4;
	v3 =	vld.idx.msk [tilespmem:v3+s8+$0x0], $0xffff  }
0x81: {  	v5 =	vor.u32 v2, v4;
	_ =	sdelay $0x2  }
0x82: {  	s18 =	simm.s32 $0x6EA0  }
0x83: {  	s20 =	simm.s32 $0x20;
	[tilespmem:s18+$0x0] =	vst v3  }
0x84: {  	v4 =	vmov s20;
	s20 =	simm.s32 $0x30;
	v3 =	vld.idx.msk [tilespmem:v5+s8+$0x0], $0xffff  }
.LBB2_6:
0x85: {  	p0 =	sne.s32 s20, $0x270;
	v4 =	vshll.u32 v4, $0x4  }
0x86: {  	v5 =	vor.u32 v2, v4  }
.Ltmp2:
0x87: {  	(pc) =	sbr.rel @p0 .LBB2_6-.Ltmp2, $4  }
0x88: {  	_ = 	snop  }
0x89: {  	s18 =	sadd.s32 $0x10, s18  }
0x8a: {  	[tilespmem:s18+$0x0] =	vst v3  }
0x8b: {  	v4 =	vmov s20;
	s20 =	sadd.s32 $0x10, s20;
	v3 =	vld.idx.msk [tilespmem:v5+s8+$0x0], $0xffff  }
0x8c: {  	v4 =	vshll.u32 v4, $0x4  }
0x8d: {  	v4 =	vor.u32 v2, v4;
	_ =	sdelay $0x2  }
0x8e: {  	s18 =	sadd.s32 $0x10, s18  }
0x8f: {  	[tilespmem:s18+$0x0] =	vst v3  }
0x90: {  	v3 =	vld.idx.msk [tilespmem:v4+s8+$0x0], $0xffff;
	_ =	sdelay $0x2  }
0x91: {  	s16 =	sadd.s32 $0x1, s16  }
0x92: {  	p0 =	sne.s32 s16, s7;
	s18 =	sadd.s32 $0x10, s18  }
.Ltmp3:
0x93: {  	[tilespmem:s18+$0x0] =	vst v3;
	(pc) =	sbr.rel @p0 .LBB2_1-.Ltmp3, $4  }
0x94: {  	[hbm4b:s6+s3] =	stream.linear.scatter [tilespmem:s15], [sflag:$0x5], $0x271, $0x38;
	[tilespmem:$0x9830] =	vst v63  }
0x95: {  	_ =	swait.ge [sflag:s9], $0x271  }
0x96: {  	[sflag:s9] =	ssyncset.done $0x0  }
0x97: {  	[sflag:s9] =	ssyncadd.s32 $0xFFFFFD8F  }
0x98: {  	_ =	sfence.sel $0x180000  }
0x99: {  	[bflag:$0x0] =	sbarrier.arrive $0xFFFF  }
0x9a: {  	_ =	strace $0x90000047  }
0x9b: {  	s0 =	stileid.u32;
	[bflag:$0x2] =	sbarrier.arrive $0xFFFF  }
0x9c: {  	p0 =	sne.s32 s0, $0x0;
	s0 =	rddreg [dreg:$0x2]  }
0x9d: {  	s0 =	sadd.s32 @!p0 $0x100000, s0  }
0x9e: {  	[sflag:s0] =	ssyncadd.tile.s32 @!p0 $0x1;
	_ =	shalt  }
.Lfunc_end2:
_tile_overlayer_lowered:
.L_overlay_start_2:
0x9f: {  	(tag) =	ssettag $0x2  }
0xa0: {  	s0 =	rddreg [dreg:$0x0];
	s2 =	stileid.u32  }
0xa1: {  	s1 =	rddreg [dreg:$0x1];
	p0 =	sne.s32 s2, $0x0  }
0xa2: {  	s3 =	rddreg [dreg:$0x2];
	[bflag:$0x3] =	sbarrier.arrive $0xFFFF;
	s2 =	simm.s32 @!p0 $0x1C05  }
0xa3: {  	[timem:s3], [sflag:s2] =	dma.local @!p0 [hbm:s0], s1  }
0xa4: {  	s0 =	simm.s32 @!p0 $0x5  }
0xa5: {  	_ =	swait.ge @!p0 [sflag:s0], s1  }
0xa6: {  	s1 =	ssub.s32 @!p0 $0x0, s1;
	[sflag:s0] =	ssyncset.done @!p0 $0x0  }
0xa7: {  	[sflag:s0] =	ssyncadd.s32 @!p0 s1  }
0xa8: {  	[bflag:$0x3] =	sbarrier.arrive $0xFFFF  }
0xa9: {  	_ =	shalt  }

</sc_bundles>
